<compile_context>
chip_gen: v7x
topology: tpu7x:2x2x1
jax: 0.10.2.dev20260603
libtpu: 0.0.44.dev20260713+nightly
codegen_flags: <defaults>
</compile_context>

<pallas_src>
import functools

import jax
import jax.numpy as jnp
from jax import lax
from jax.experimental import pallas as pl
from jax.experimental.pallas import tpu as pltpu
from jax.experimental.pallas import tpu_sc as plsc

NY, NX, NE = 256, 256, 128
NS = 2048
BATCH = 4
FS = 40000000.0
OFFSET = 10.0

P = NY * NX
L = 16
NCHUNK = NE // L
NP = 1024
NBLK = P // NP
BR = NP // NX


def _sc_kernel(sin_hbm, scale_hbm, dist_hbm, out_hbm,
               table, distbuf, outbuf, scalebuf, dsem, osem):
    c = lax.axis_index("c")
    s = lax.axis_index("s")
    wid = s * 2 + c
    b = wid // NCHUNK
    e0 = (wid % NCHUNK) * L

    pltpu.sync_copy(scale_hbm.at[b], scalebuf)
    pltpu.sync_copy(sin_hbm.at[b, :, pl.ds(e0, L)], table)

    lane = lax.iota(jnp.int32, L)
    scale = scalebuf[...]

    def dist_slice(blk):
        return dist_hbm.at[pl.ds(blk * NP, NP), pl.ds(e0, L)]

    def out_slice(blk):
        return out_hbm.at[b, pl.ds(e0, L), pl.ds(blk * BR, BR), :]

    def out_tile(buf):
        return outbuf.at[buf, :, pl.ds(0, BR), pl.ds(0, NX)]

    def start_dist(blk, buf):
        pltpu.async_copy(dist_slice(blk), distbuf.at[buf], dsem.at[buf])

    def compute(buf):
        dbuf = distbuf.at[buf]
        obuf = outbuf.at[buf]

        for r in range(BR):
            row = jnp.full((L,), r, jnp.int32)

            @plsc.parallel_loop(0, NX, unroll=8)
            def _pixels(i):
                d = dbuf[r * NX + i]
                tof = d * scale - OFFSET
                f = tof.astype(jnp.int32)
                w = tof - f.astype(jnp.float32)
                gf = plsc.load_gather(table, [f, lane])
                gc = plsc.load_gather(table, [f + 1, lane])
                res = gf + w * (gc - gf)
                plsc.store_scatter(
                    obuf, [lane, row, jnp.full((L,), i, jnp.int32)], res)

    start_dist(0, 0)
    start_dist(1, 1)

    @pl.loop(0, NBLK, step=2)
    def _blocks(blk):
        for buf in (0, 1):
            blkb = blk + buf
            pltpu.make_async_copy(dist_slice(blkb), distbuf.at[buf],
                                  dsem.at[buf]).wait()

            @pl.when(blkb >= 2)
            def _():
                pltpu.make_async_copy(out_tile(buf), out_slice(blkb - 2),
                                      osem.at[buf]).wait()

            compute(buf)

            @pl.when(blkb + 2 < NBLK)
            def _():
                start_dist(blkb + 2, buf)

            pltpu.async_copy(out_tile(buf), out_slice(blkb), osem.at[buf])

    pltpu.make_async_copy(out_tile(0), out_slice(NBLK - 2), osem.at[0]).wait()
    pltpu.make_async_copy(out_tile(1), out_slice(NBLK - 1), osem.at[1]).wait()


def kernel(input_sinogram, sos, transducer_pixel_distances):
    scale = jnp.broadcast_to((FS / sos)[:, None], (BATCH, L))
    dist2d = transducer_pixel_distances.reshape(P, NE)

    mesh = plsc.VectorSubcoreMesh(core_axis_name="c", subcore_axis_name="s")
    run = pl.kernel(
        _sc_kernel,
        out_type=jax.ShapeDtypeStruct((BATCH, NE, NY, NX), jnp.float32),
        mesh=mesh,
        compiler_params=pltpu.CompilerParams(
            use_tc_tiling_on_sc=False, needs_layout_passes=False),
        scratch_types=[
            pltpu.VMEM((NS, L), jnp.float32),
            pltpu.VMEM((2, NP, L), jnp.float32),
            pltpu.VMEM((2, L, BR + 1, NX + 1), jnp.float32),
            pltpu.VMEM((L,), jnp.float32),
            pltpu.SemaphoreType.DMA((2,)),
            pltpu.SemaphoreType.DMA((2,)),
        ],
    )
    return run(input_sinogram, scale, dist2d)

# --- scband reference (transcript-rebuilt; emitter-appended) ---
"""Pipeline reference for scband-delay-no-sum-gather-37890201485326 (READ-ONLY COPY).

The authoritative reference and input builder live on the scoring server;
editing this copy changes nothing except your own understanding.
"""

import jax, jax.numpy as jnp
import numpy as np

NY, NX, NE = 256, 256, 128
NS = 2048
BATCH = 4
FS = 40000000.0
OFFSET = 10.0


def setup_inputs(seed: int = 0) -> dict:
    key = jax.random.key(seed)
    k1, k2, k3 = jax.random.split(key, 3)
    input_sinogram = jax.random.normal(k1, (BATCH, NS, NE), dtype=jnp.float32)
    # physical speed of sound in m/s, per batch element
    sos = 1450.0 + 150.0 * jax.random.uniform(k2, (BATCH,), dtype=jnp.float32)
    # transducer-to-pixel distances in meters; chosen so tof samples land in [0, NS-2]
    transducer_pixel_distances = 0.005 + 0.065 * jax.random.uniform(k3, (NY, NX, NE), dtype=jnp.float32)
    return {"input_sinogram": input_sinogram, "sos": sos, "transducer_pixel_distances": transducer_pixel_distances}


def _compute_tof(distances, sos):
    # tof in fractional samples: distance / sos * fs - samples_offset
    return distances[None, :, :, :] * FS / sos[:, None, None, None] - OFFSET


def _cast_tof_for_linear_itp(tof, ns):
    tof_floor_f = jnp.floor(tof)
    tof_ceil_factor = tof - tof_floor_f
    tof_floor_factor = 1.0 - tof_ceil_factor
    tof_floor = jnp.clip(tof_floor_f.astype(jnp.int32), 0, ns - 1)
    tof_ceil = jnp.clip(tof_floor + 1, 0, ns - 1)
    return tof_floor, tof_ceil, tof_floor_factor, tof_ceil_factor


def reference(input_sinogram, sos, transducer_pixel_distances):
    batch_size = input_sinogram.shape[0]
    ns = input_sinogram.shape[1]
    tof = _compute_tof(transducer_pixel_distances, sos)
    tof_floor, tof_ceil, tof_floor_factor, tof_ceil_factor = _cast_tof_for_linear_itp(tof, ns)
    P = NY * NX
    tof_floor = tof_floor.reshape(batch_size, P, NE)
    tof_ceil = tof_ceil.reshape(batch_size, P, NE)
    tof_floor_factor = tof_floor_factor.reshape(batch_size, P, NE)
    tof_ceil_factor = tof_ceil_factor.reshape(batch_size, P, NE)
    sin = input_sinogram.reshape(batch_size, -1, NE)
    # torch.gather(sin, dim=1, index): out[b,p,e] = sin[b, idx[b,p,e], e]
    g_floor = jnp.take_along_axis(sin, tof_floor, axis=1)
    g_ceil = jnp.take_along_axis(sin, tof_ceil, axis=1)
    ima = tof_floor_factor * g_floor + tof_ceil_factor * g_ceil
    ima = ima.reshape(batch_size, NY, NX, NE).transpose(0, 3, 1, 2)
    return ima.astype(jnp.float32)

if __name__ == "__main__":
    import jax
    _d = setup_inputs()
    print(jax.jit(kernel)(*tuple(_d.values())))

</pallas_src>

<mosaic_0001>
#map = affine_map<(d0, d1) -> (0, 0, 0)>
#map1 = affine_map<(d0, d1) -> (0, 0)>
#map2 = affine_map<(d0, d1) -> (0, 0, 0, 0)>
module attributes {stable_mosaic.version = 14 : i64} {
  func.func @_sc_kernel(%arg0: i32, %arg1: i32, %arg2: memref<4x2048x128xf32, #tpu.memory_space<hbm>>, %arg3: memref<4x16xf32, #tpu.memory_space<hbm>>, %arg4: memref<65536x128xf32, #tpu.memory_space<hbm>>, %arg5: memref<4x128x256x256xf32, #tpu.memory_space<hbm>>, %arg6: memref<2048x16xf32, #tpu.memory_space<vmem>>, %arg7: memref<2x1024x16xf32, #tpu.memory_space<vmem>>, %arg8: memref<2x16x5x257xf32, #tpu.memory_space<vmem>>, %arg9: memref<16xf32, #tpu.memory_space<vmem>>, %arg10: memref<2x!tpu.dma_semaphore, #tpu.memory_space<semaphore_mem>>, %arg11: memref<2x!tpu.dma_semaphore, #tpu.memory_space<semaphore_mem>>) attributes {dimension_semantics = [#tpu.dimension_semantics<core_parallel>, #tpu.dimension_semantics<subcore_parallel>], iteration_bounds = array<i64: 2, 16>, scalar_prefetch = 0 : i64, scratch_operands = 6 : i64, tpu.core_type = #tpu.core_type<sc_vector_subcore>, window_params = [{transform_indices = #map}, {transform_indices = #map1}, {transform_indices = #map1}, {transform_indices = #map2}]} {
    %mul3A = arith.constant 2 : i32
    %mul3A_0 = arith.muli %arg1, %mul3A : i32
    %add3A = arith.addi %mul3A_0, %arg0 : i32
    %jit3A = arith.constant 8 : i32
    %div3A = arith.divsi %add3A, %jit3A : i32
    %sign3A = arith.constant 0 : i32
    %sign3A_1 = arith.cmpi sgt, %add3A, %sign3A : i32
    %sign3A_2 = arith.extui %sign3A_1 : i1 to i32
    %sign3A_3 = arith.constant 0 : i32
    %sign3A_4 = arith.cmpi slt, %add3A, %sign3A_3 : i32
    %sign3A_5 = arith.extui %sign3A_4 : i1 to i32
    %sign3A_6 = arith.subi %sign3A_2, %sign3A_5 : i32
    %sign3A_7 = arith.constant 0 : i32
    %sign3A_8 = arith.cmpi sgt, %jit3A, %sign3A_7 : i32
    %sign3A_9 = arith.extui %sign3A_8 : i1 to i32
    %sign3A_10 = arith.constant 0 : i32
    %sign3A_11 = arith.cmpi slt, %jit3A, %sign3A_10 : i32
    %sign3A_12 = arith.extui %sign3A_11 : i1 to i32
    %sign3A_13 = arith.subi %sign3A_9, %sign3A_12 : i32
    %ne3A = arith.cmpi ne, %sign3A_6, %sign3A_13 : i32
    %rem3A = arith.remsi %add3A, %jit3A : i32
    %ne3A_14 = arith.constant 0 : i32
    %ne3A_15 = arith.cmpi ne, %rem3A, %ne3A_14 : i32
    %and3A = arith.andi %ne3A, %ne3A_15 : i1
    %sub3A = arith.constant 1 : i32
    %sub3A_16 = arith.subi %div3A, %sub3A : i32
    %select_n3A = arith.select %and3A, %sub3A_16, %div3A : i32
    %jit3A_17 = arith.constant 8 : i32
    %eq3A = arith.constant 0 : i32
    %eq3A_18 = arith.cmpi eq, %jit3A_17, %eq3A : i32
    %jit3A_19 = arith.constant 1 : i32
    %select_n3A_20 = arith.select %eq3A_18, %jit3A_19, %jit3A_17 : i32
    %rem3A_21 = arith.remsi %add3A, %select_n3A_20 : i32
    %ne3A_22 = arith.constant 0 : i32
    %ne3A_23 = arith.cmpi ne, %rem3A_21, %ne3A_22 : i32
    %lt3A = arith.constant 0 : i32
    %lt3A_24 = arith.cmpi slt, %rem3A_21, %lt3A : i32
    %lt3A_25 = arith.constant 0 : i32
    %lt3A_26 = arith.cmpi slt, %select_n3A_20, %lt3A_25 : i32
    %ne3A_27 = arith.xori %lt3A_24, %lt3A_26 : i1
    %and3A_28 = arith.andi %ne3A_27, %ne3A_23 : i1
    %add3A_29 = arith.addi %rem3A_21, %select_n3A_20 : i32
    %select_n3A_30 = arith.select %and3A_28, %add3A_29, %rem3A_21 : i32
    %mul3A_31 = arith.constant 16 : i32
    %mul3A_32 = arith.muli %select_n3A_30, %mul3A_31 : i32
    "tpu.region"() ({
      %run_scoped3A = tpu.sem_alloc : memref<!tpu.dma_semaphore, #tpu.memory_space<semaphore_mem>>
      %dma_start3A_112 = arith.constant 0 : i32
      %dma_start3A_113 = tpu.memref_slice %arg3[%select_n3A, %dma_start3A_112] : memref<4x16xf32, #tpu.memory_space<hbm>> -> memref<1x16xf32, #tpu.memory_space<hbm>>
      %dma_start3A_114 = tpu.memref_squeeze %dma_start3A_113 : memref<1x16xf32, #tpu.memory_space<hbm>> -> memref<16xf32, #tpu.memory_space<hbm>>
      %dma_start3A_115 = arith.constant 0 : i32
      %dma_start3A_116 = tpu.memref_slice %arg3[%select_n3A, %dma_start3A_115] : memref<4x16xf32, #tpu.memory_space<hbm>> -> memref<1x16xf32, #tpu.memory_space<hbm>>
      %dma_start3A_117 = tpu.memref_squeeze %dma_start3A_116 : memref<1x16xf32, #tpu.memory_space<hbm>> -> memref<16xf32, #tpu.memory_space<hbm>>
      tpu.enqueue_dma source(%dma_start3A_117 : memref<16xf32, #tpu.memory_space<hbm>>) target(%arg9 : memref<16xf32, #tpu.memory_space<vmem>>) target_semaphore(%run_scoped3A : memref<!tpu.dma_semaphore, #tpu.memory_space<semaphore_mem>>)
      %dma_wait3A_118 = arith.constant 0 : i32
      %dma_wait3A_119 = tpu.memref_slice %arg3[%select_n3A, %dma_wait3A_118] : memref<4x16xf32, #tpu.memory_space<hbm>> -> memref<1x16xf32, #tpu.memory_space<hbm>>
      %dma_wait3A_120 = tpu.memref_squeeze %dma_wait3A_119 : memref<1x16xf32, #tpu.memory_space<hbm>> -> memref<16xf32, #tpu.memory_space<hbm>>
      %dma_wait3A_121 = arith.constant 0 : i32
      %dma_wait3A_122 = tpu.memref_slice %arg3[%select_n3A, %dma_wait3A_121] : memref<4x16xf32, #tpu.memory_space<hbm>> -> memref<1x16xf32, #tpu.memory_space<hbm>>
      %dma_wait3A_123 = tpu.memref_squeeze %dma_wait3A_122 : memref<1x16xf32, #tpu.memory_space<hbm>> -> memref<16xf32, #tpu.memory_space<hbm>>
      tpu.wait_dma2 semaphore(%run_scoped3A : memref<!tpu.dma_semaphore, #tpu.memory_space<semaphore_mem>>) src(%dma_wait3A_123 : memref<16xf32, #tpu.memory_space<hbm>>) dst(%arg9 : memref<16xf32, #tpu.memory_space<vmem>>)
      tpu.yield
    }) : () -> ()
    "tpu.region"() ({
      %run_scoped3A = tpu.sem_alloc : memref<!tpu.dma_semaphore, #tpu.memory_space<semaphore_mem>>
      %dma_start3A_112 = arith.constant 0 : i32
      %dma_start3A_113 = tpu.memref_slice %arg2[%select_n3A, %dma_start3A_112, %mul3A_32] : memref<4x2048x128xf32, #tpu.memory_space<hbm>> -> memref<1x2048x16xf32, #tpu.memory_space<hbm>>
      %dma_start3A_114 = tpu.memref_squeeze %dma_start3A_113 : memref<1x2048x16xf32, #tpu.memory_space<hbm>> -> memref<2048x16xf32, #tpu.memory_space<hbm>>
      %dma_start3A_115 = arith.constant 0 : i32
      %dma_start3A_116 = tpu.memref_slice %arg2[%select_n3A, %dma_start3A_115, %mul3A_32] : memref<4x2048x128xf32, #tpu.memory_space<hbm>> -> memref<1x2048x16xf32, #tpu.memory_space<hbm>>
      %dma_start3A_117 = tpu.memref_squeeze %dma_start3A_116 : memref<1x2048x16xf32, #tpu.memory_space<hbm>> -> memref<2048x16xf32, #tpu.memory_space<hbm>>
      tpu.enqueue_dma source(%dma_start3A_117 : memref<2048x16xf32, #tpu.memory_space<hbm>>) target(%arg6 : memref<2048x16xf32, #tpu.memory_space<vmem>>) target_semaphore(%run_scoped3A : memref<!tpu.dma_semaphore, #tpu.memory_space<semaphore_mem>>)
      %dma_wait3A_118 = arith.constant 0 : i32
      %dma_wait3A_119 = tpu.memref_slice %arg2[%select_n3A, %dma_wait3A_118, %mul3A_32] : memref<4x2048x128xf32, #tpu.memory_space<hbm>> -> memref<1x2048x16xf32, #tpu.memory_space<hbm>>
      %dma_wait3A_120 = tpu.memref_squeeze %dma_wait3A_119 : memref<1x2048x16xf32, #tpu.memory_space<hbm>> -> memref<2048x16xf32, #tpu.memory_space<hbm>>
      %dma_wait3A_121 = arith.constant 0 : i32
      %dma_wait3A_122 = tpu.memref_slice %arg2[%select_n3A, %dma_wait3A_121, %mul3A_32] : memref<4x2048x128xf32, #tpu.memory_space<hbm>> -> memref<1x2048x16xf32, #tpu.memory_space<hbm>>
      %dma_wait3A_123 = tpu.memref_squeeze %dma_wait3A_122 : memref<1x2048x16xf32, #tpu.memory_space<hbm>> -> memref<2048x16xf32, #tpu.memory_space<hbm>>
      tpu.wait_dma2 semaphore(%run_scoped3A : memref<!tpu.dma_semaphore, #tpu.memory_space<semaphore_mem>>) src(%dma_wait3A_123 : memref<2048x16xf32, #tpu.memory_space<hbm>>) dst(%arg6 : memref<2048x16xf32, #tpu.memory_space<vmem>>)
      tpu.yield
    }) : () -> ()
    %iota3A = tpu.iota {dimensions = array<i32: 0>} : vector<16xi32>
    %get3A = arith.constant 0 : index
    %get3A_33 = tpu.vector_load %arg9[%get3A] {strides = array<i32>} : memref<16xf32, #tpu.memory_space<vmem>>, vector<16xf32>,
    %dma_start3A = arith.constant 0 : i32
    %dma_start3A_34 = arith.constant 0 : i32
    %dma_start3A_35 = arith.constant 0 : i32
    %dma_start3A_36 = arith.constant 0 : i32
    %dma_start3A_37 = tpu.memref_slice %arg7[%dma_start3A, %dma_start3A_35, %dma_start3A_36] : memref<2x1024x16xf32, #tpu.memory_space<vmem>> -> memref<1x1024x16xf32, #tpu.memory_space<vmem>>
    %dma_start3A_38 = tpu.memref_squeeze %dma_start3A_37 : memref<1x1024x16xf32, #tpu.memory_space<vmem>> -> memref<1024x16xf32, #tpu.memory_space<vmem>>
    %dma_start3A_39 = arith.constant 0 : i32
    %dma_start3A_40 = tpu.memref_slice %arg4[%dma_start3A_39, %mul3A_32] : memref<65536x128xf32, #tpu.memory_space<hbm>> -> memref<1024x16xf32, #tpu.memory_space<hbm>>
    %dma_start3A_41 = tpu.memref_slice %arg10[%dma_start3A_34] : memref<2x!tpu.dma_semaphore, #tpu.memory_space<semaphore_mem>> -> memref<1x!tpu.dma_semaphore, #tpu.memory_space<semaphore_mem>>
    %dma_start3A_42 = tpu.memref_squeeze %dma_start3A_41 : memref<1x!tpu.dma_semaphore, #tpu.memory_space<semaphore_mem>> -> memref<!tpu.dma_semaphore, #tpu.memory_space<semaphore_mem>>
    %dma_start3A_43 = arith.constant 0 : i32
    %dma_start3A_44 = arith.constant 0 : i32
    %dma_start3A_45 = tpu.memref_slice %arg7[%dma_start3A, %dma_start3A_43, %dma_start3A_44] : memref<2x1024x16xf32, #tpu.memory_space<vmem>> -> memref<1x1024x16xf32, #tpu.memory_space<vmem>>
    %dma_start3A_46 = tpu.memref_squeeze %dma_start3A_45 : memref<1x1024x16xf32, #tpu.memory_space<vmem>> -> memref<1024x16xf32, #tpu.memory_space<vmem>>
    %dma_start3A_47 = arith.constant 0 : i32
    %dma_start3A_48 = tpu.memref_slice %arg4[%dma_start3A_47, %mul3A_32] : memref<65536x128xf32, #tpu.memory_space<hbm>> -> memref<1024x16xf32, #tpu.memory_space<hbm>>
    tpu.enqueue_dma source(%dma_start3A_48 : memref<1024x16xf32, #tpu.memory_space<hbm>>) target(%dma_start3A_46 : memref<1024x16xf32, #tpu.memory_space<vmem>>) target_semaphore(%dma_start3A_42 : memref<!tpu.dma_semaphore, #tpu.memory_space<semaphore_mem>>)
    %dma_start3A_49 = arith.constant 1 : i32
    %dma_start3A_50 = arith.constant 1 : i32
    %dma_start3A_51 = arith.constant 0 : i32
    %dma_start3A_52 = arith.constant 0 : i32
    %dma_start3A_53 = tpu.memref_slice %arg7[%dma_start3A_49, %dma_start3A_51, %dma_start3A_52] : memref<2x1024x16xf32, #tpu.memory_space<vmem>> -> memref<1x1024x16xf32, #tpu.memory_space<vmem>>
    %dma_start3A_54 = tpu.memref_squeeze %dma_start3A_53 : memref<1x1024x16xf32, #tpu.memory_space<vmem>> -> memref<1024x16xf32, #tpu.memory_space<vmem>>
    %dma_start3A_55 = arith.constant 1024 : i32
    %dma_start3A_56 = tpu.memref_slice %arg4[%dma_start3A_55, %mul3A_32] : memref<65536x128xf32, #tpu.memory_space<hbm>> -> memref<1024x16xf32, #tpu.memory_space<hbm>>
    %dma_start3A_57 = tpu.memref_slice %arg10[%dma_start3A_50] : memref<2x!tpu.dma_semaphore, #tpu.memory_space<semaphore_mem>> -> memref<1x!tpu.dma_semaphore, #tpu.memory_space<semaphore_mem>>
    %dma_start3A_58 = tpu.memref_squeeze %dma_start3A_57 : memref<1x!tpu.dma_semaphore, #tpu.memory_space<semaphore_mem>> -> memref<!tpu.dma_semaphore, #tpu.memory_space<semaphore_mem>>
    %dma_start3A_59 = arith.constant 0 : i32
    %dma_start3A_60 = arith.constant 0 : i32
    %dma_start3A_61 = tpu.memref_slice %arg7[%dma_start3A_49, %dma_start3A_59, %dma_start3A_60] : memref<2x1024x16xf32, #tpu.memory_space<vmem>> -> memref<1x1024x16xf32, #tpu.memory_space<vmem>>
    %dma_start3A_62 = tpu.memref_squeeze %dma_start3A_61 : memref<1x1024x16xf32, #tpu.memory_space<vmem>> -> memref<1024x16xf32, #tpu.memory_space<vmem>>
    %dma_start3A_63 = arith.constant 1024 : i32
    %dma_start3A_64 = tpu.memref_slice %arg4[%dma_start3A_63, %mul3A_32] : memref<65536x128xf32, #tpu.memory_space<hbm>> -> memref<1024x16xf32, #tpu.memory_space<hbm>>
    tpu.enqueue_dma source(%dma_start3A_64 : memref<1024x16xf32, #tpu.memory_space<hbm>>) target(%dma_start3A_62 : memref<1024x16xf32, #tpu.memory_space<vmem>>) target_semaphore(%dma_start3A_58 : memref<!tpu.dma_semaphore, #tpu.memory_space<semaphore_mem>>)
    %scan3A = arith.constant 0 : i32
    %scan3A_65 = arith.constant 32 : i32
    %scan3A_66 = arith.addi %scan3A, %scan3A_65 : i32
    %scan3A_67 = arith.constant 1 : i32
    scf.for %scan3A_112 = %scan3A to %scan3A_66 step %scan3A_67  : i32 {
      %mul3A_113 = arith.constant 2 : i32
      %mul3A_114 = arith.muli %scan3A_112, %mul3A_113 : i32
      %add3A_115 = arith.constant 0 : i32
      %add3A_116 = arith.addi %add3A_115, %mul3A_114 : i32
      %add3A_117 = arith.constant 0 : i32
      %add3A_118 = arith.addi %add3A_116, %add3A_117 : i32
      %mul3A_119 = arith.constant 1024 : i32
      %mul3A_120 = arith.muli %add3A_118, %mul3A_119 : i32
      %dma_wait3A_121 = arith.constant 0 : i32
      %dma_wait3A_122 = arith.constant 0 : i32
      %dma_wait3A_123 = arith.constant 0 : i32
      %dma_wait3A_124 = arith.constant 0 : i32
      %dma_wait3A_125 = tpu.memref_slice %arg7[%dma_wait3A_121, %dma_wait3A_123, %dma_wait3A_124] : memref<2x1024x16xf32, #tpu.memory_space<vmem>> -> memref<1x1024x16xf32, #tpu.memory_space<vmem>>
      %dma_wait3A_126 = tpu.memref_squeeze %dma_wait3A_125 : memref<1x1024x16xf32, #tpu.memory_space<vmem>> -> memref<1024x16xf32, #tpu.memory_space<vmem>>
      %dma_wait3A_127 = tpu.memref_slice %arg4[%mul3A_120, %mul3A_32] : memref<65536x128xf32, #tpu.memory_space<hbm>> -> memref<1024x16xf32, #tpu.memory_space<hbm>>
      %dma_wait3A_128 = tpu.memref_slice %arg10[%dma_wait3A_122] : memref<2x!tpu.dma_semaphore, #tpu.memory_space<semaphore_mem>> -> memref<1x!tpu.dma_semaphore, #tpu.memory_space<semaphore_mem>>
      %dma_wait3A_129 = tpu.memref_squeeze %dma_wait3A_128 : memref<1x!tpu.dma_semaphore, #tpu.memory_space<semaphore_mem>> -> memref<!tpu.dma_semaphore, #tpu.memory_space<semaphore_mem>>
      %dma_wait3A_130 = arith.constant 0 : i32
      %dma_wait3A_131 = arith.constant 0 : i32
      %dma_wait3A_132 = tpu.memref_slice %arg7[%dma_wait3A_121, %dma_wait3A_130, %dma_wait3A_131] : memref<2x1024x16xf32, #tpu.memory_space<vmem>> -> memref<1x1024x16xf32, #tpu.memory_space<vmem>>
      %dma_wait3A_133 = tpu.memref_squeeze %dma_wait3A_132 : memref<1x1024x16xf32, #tpu.memory_space<vmem>> -> memref<1024x16xf32, #tpu.memory_space<vmem>>
      %dma_wait3A_134 = tpu.memref_slice %arg4[%mul3A_120, %mul3A_32] : memref<65536x128xf32, #tpu.memory_space<hbm>> -> memref<1024x16xf32, #tpu.memory_space<hbm>>
      tpu.wait_dma2 semaphore(%dma_wait3A_129 : memref<!tpu.dma_semaphore, #tpu.memory_space<semaphore_mem>>) src(%dma_wait3A_134 : memref<1024x16xf32, #tpu.memory_space<hbm>>) dst(%dma_wait3A_133 : memref<1024x16xf32, #tpu.memory_space<vmem>>)
      %ge3A = arith.constant 2 : i32
      %ge3A_135 = arith.cmpi sge, %add3A_118, %ge3A : i32
      %convert_element_type3A = arith.extui %ge3A_135 : i1 to i32
      %cond3A = arith.constant 0 : i32
      %cond3A_136 = arith.cmpi ne, %convert_element_type3A, %cond3A : i32
      scf.if %cond3A_136 {
        %sub3A_272 = arith.constant 2 : i32
        %sub3A_273 = arith.subi %add3A_118, %sub3A_272 : i32
        %mul3A_274 = arith.constant 4 : i32
        %mul3A_275 = arith.muli %sub3A_273, %mul3A_274 : i32
        %dma_wait3A_276 = arith.constant 0 : i32
        %dma_wait3A_277 = arith.constant 0 : i32
        %dma_wait3A_278 = arith.constant 0 : i32
        %dma_wait3A_279 = arith.constant 0 : i32
        %dma_wait3A_280 = arith.constant 0 : i32
        %dma_wait3A_281 = tpu.memref_slice %arg8[%dma_wait3A_276, %dma_wait3A_278, %dma_wait3A_279, %dma_wait3A_280] : memref<2x16x5x257xf32, #tpu.memory_space<vmem>> -> memref<1x16x4x256xf32, #tpu.memory_space<vmem>>
        %dma_wait3A_282 = tpu.memref_squeeze %dma_wait3A_281 : memref<1x16x4x256xf32, #tpu.memory_space<vmem>> -> memref<16x4x256xf32, #tpu.memory_space<vmem>>
        %dma_wait3A_283 = arith.constant 0 : i32
        %dma_wait3A_284 = tpu.memref_slice %arg5[%select_n3A, %mul3A_32, %mul3A_275, %dma_wait3A_283] : memref<4x128x256x256xf32, #tpu.memory_space<hbm>> -> memref<1x16x4x256xf32, #tpu.memory_space<hbm>>
        %dma_wait3A_285 = tpu.memref_squeeze %dma_wait3A_284 : memref<1x16x4x256xf32, #tpu.memory_space<hbm>> -> memref<16x4x256xf32, #tpu.memory_space<hbm>>
        %dma_wait3A_286 = tpu.memref_slice %arg11[%dma_wait3A_277] : memref<2x!tpu.dma_semaphore, #tpu.memory_space<semaphore_mem>> -> memref<1x!tpu.dma_semaphore, #tpu.memory_space<semaphore_mem>>
        %dma_wait3A_287 = tpu.memref_squeeze %dma_wait3A_286 : memref<1x!tpu.dma_semaphore, #tpu.memory_space<semaphore_mem>> -> memref<!tpu.dma_semaphore, #tpu.memory_space<semaphore_mem>>
        %dma_wait3A_288 = arith.constant 0 : i32
        %dma_wait3A_289 = tpu.memref_slice %arg5[%select_n3A, %mul3A_32, %mul3A_275, %dma_wait3A_288] : memref<4x128x256x256xf32, #tpu.memory_space<hbm>> -> memref<1x16x4x256xf32, #tpu.memory_space<hbm>>
        %dma_wait3A_290 = tpu.memref_squeeze %dma_wait3A_289 : memref<1x16x4x256xf32, #tpu.memory_space<hbm>> -> memref<16x4x256xf32, #tpu.memory_space<hbm>>
        %dma_wait3A_291 = arith.constant 0 : i32
        %dma_wait3A_292 = arith.constant 0 : i32
        %dma_wait3A_293 = arith.constant 0 : i32
        %dma_wait3A_294 = tpu.memref_slice %arg8[%dma_wait3A_276, %dma_wait3A_291, %dma_wait3A_292, %dma_wait3A_293] : memref<2x16x5x257xf32, #tpu.memory_space<vmem>> -> memref<1x16x4x256xf32, #tpu.memory_space<vmem>>
        %dma_wait3A_295 = tpu.memref_squeeze %dma_wait3A_294 : memref<1x16x4x256xf32, #tpu.memory_space<vmem>> -> memref<16x4x256xf32, #tpu.memory_space<vmem>>
        tpu.wait_dma2 semaphore(%dma_wait3A_287 : memref<!tpu.dma_semaphore, #tpu.memory_space<semaphore_mem>>) src(%dma_wait3A_295 : memref<16x4x256xf32, #tpu.memory_space<vmem>>) dst(%dma_wait3A_290 : memref<16x4x256xf32, #tpu.memory_space<hbm>>)
      } else {
      }
      %broadcast_in_dim3A = arith.constant 0 : i32
      %broadcast_in_dim3A_137 = vector.broadcast %broadcast_in_dim3A : i32 to vector<16xi32>
      %parallel_loop3A = arith.constant 0 : i32
      %parallel_loop3A_138 = arith.constant 256 : i32
      %parallel_loop3A_139 = arith.constant 1 : i32
      %parallel_loop3A_140 = arith.constant 0 : i32
      %parallel_loop3A_141 = arith.constant 0 : i32
      scf.for %parallel_loop3A_272 = %parallel_loop3A to %parallel_loop3A_138 step %parallel_loop3A_139  : i32 {
        %parallel_loop3A_273 = arith.constant 0 : i32
        %parallel_loop3A_274 = arith.addi %parallel_loop3A_273, %parallel_loop3A_272 : i32
        %parallel_loop3A_275 = arith.constant 0 : i32
        %parallel_loop3A_276 = arith.constant 0 : i32
        %parallel_loop3A_277 = tpu.memref_slice %arg7[%parallel_loop3A_140, %parallel_loop3A_275, %parallel_loop3A_276] : memref<2x1024x16xf32, #tpu.memory_space<vmem>> -> memref<1x1024x16xf32, #tpu.memory_space<vmem>>
        %parallel_loop3A_278 = tpu.memref_squeeze %parallel_loop3A_277 : memref<1x1024x16xf32, #tpu.memory_space<vmem>> -> memref<1024x16xf32, #tpu.memory_space<vmem>>
        %parallel_loop3A_279 = arith.index_cast %parallel_loop3A_274 : i32 to index
        %parallel_loop3A_280 = arith.constant 0 : index
        %parallel_loop3A_281 = tpu.vector_load %parallel_loop3A_278[%parallel_loop3A_279, %parallel_loop3A_280] {strides = array<i32>} : memref<1024x16xf32, #tpu.memory_space<vmem>>, vector<16xf32>,
        %parallel_loop3A_282 = arith.mulf %parallel_loop3A_281, %get3A_33 : vector<16xf32>
        %parallel_loop3A_283 = arith.constant 1.000000e+01 : f32
        %parallel_loop3A_284 = vector.broadcast %parallel_loop3A_283 : f32 to vector<16xf32>
        %parallel_loop3A_285 = arith.subf %parallel_loop3A_282, %parallel_loop3A_284 : vector<16xf32>
        %parallel_loop3A_286 = arith.fptosi %parallel_loop3A_285 : vector<16xf32> to vector<16xi32>
        %parallel_loop3A_287 = arith.sitofp %parallel_loop3A_286 : vector<16xi32> to vector<16xf32>
        %parallel_loop3A_288 = arith.subf %parallel_loop3A_285, %parallel_loop3A_287 : vector<16xf32>
        %parallel_loop3A_289 = tpu.vector_load_idx %arg6[%parallel_loop3A_286, %iota3A] : memref<2048x16xf32, #tpu.memory_space<vmem>>[vector<16xi32>, vector<16xi32>], vector<16xf32>,
        %parallel_loop3A_290 = arith.constant 1 : i32
        %parallel_loop3A_291 = vector.broadcast %parallel_loop3A_290 : i32 to vector<16xi32>
        %parallel_loop3A_292 = arith.addi %parallel_loop3A_286, %parallel_loop3A_291 : vector<16xi32>
        %parallel_loop3A_293 = tpu.vector_load_idx %arg6[%parallel_loop3A_292, %iota3A] : memref<2048x16xf32, #tpu.memory_space<vmem>>[vector<16xi32>, vector<16xi32>], vector<16xf32>,
        %parallel_loop3A_294 = arith.subf %parallel_loop3A_293, %parallel_loop3A_289 : vector<16xf32>
        %parallel_loop3A_295 = arith.mulf %parallel_loop3A_288, %parallel_loop3A_294 : vector<16xf32>
        %parallel_loop3A_296 = arith.addf %parallel_loop3A_289, %parallel_loop3A_295 : vector<16xf32>
        %parallel_loop3A_297 = vector.broadcast %parallel_loop3A_272 : i32 to vector<16xi32>
        %parallel_loop3A_298 = arith.constant 0 : i32
        %parallel_loop3A_299 = arith.constant 0 : i32
        %parallel_loop3A_300 = arith.constant 0 : i32
        %parallel_loop3A_301 = tpu.memref_slice %arg8[%parallel_loop3A_141, %parallel_loop3A_298, %parallel_loop3A_299, %parallel_loop3A_300] : memref<2x16x5x257xf32, #tpu.memory_space<vmem>> -> memref<1x16x5x257xf32, #tpu.memory_space<vmem>>
        %parallel_loop3A_302 = tpu.memref_squeeze %parallel_loop3A_301 : memref<1x16x5x257xf32, #tpu.memory_space<vmem>> -> memref<16x5x257xf32, #tpu.memory_space<vmem>>
        tpu.vector_store_idx %parallel_loop3A_302[%iota3A, %broadcast_in_dim3A_137, %parallel_loop3A_297], %parallel_loop3A_296 : memref<16x5x257xf32, #tpu.memory_space<vmem>>[vector<16xi32>, vector<16xi32>, vector<16xi32>], vector<16xf32>,
      } {sc.loop_unroll_factor = 8 : i64, sc.parallel_access}
      %broadcast_in_dim3A_142 = arith.constant 1 : i32
      %broadcast_in_dim3A_143 = vector.broadcast %broadcast_in_dim3A_142 : i32 to vector<16xi32>
      %parallel_loop3A_144 = arith.constant 0 : i32
      %parallel_loop3A_145 = arith.constant 256 : i32
      %parallel_loop3A_146 = arith.constant 1 : i32
      %parallel_loop3A_147 = arith.constant 0 : i32
      %parallel_loop3A_148 = arith.constant 0 : i32
      scf.for %parallel_loop3A_272 = %parallel_loop3A_144 to %parallel_loop3A_145 step %parallel_loop3A_146  : i32 {
        %parallel_loop3A_273 = arith.constant 256 : i32
        %parallel_loop3A_274 = arith.addi %parallel_loop3A_273, %parallel_loop3A_272 : i32
        %parallel_loop3A_275 = arith.constant 0 : i32
        %parallel_loop3A_276 = arith.constant 0 : i32
        %parallel_loop3A_277 = tpu.memref_slice %arg7[%parallel_loop3A_147, %parallel_loop3A_275, %parallel_loop3A_276] : memref<2x1024x16xf32, #tpu.memory_space<vmem>> -> memref<1x1024x16xf32, #tpu.memory_space<vmem>>
        %parallel_loop3A_278 = tpu.memref_squeeze %parallel_loop3A_277 : memref<1x1024x16xf32, #tpu.memory_space<vmem>> -> memref<1024x16xf32, #tpu.memory_space<vmem>>
        %parallel_loop3A_279 = arith.index_cast %parallel_loop3A_274 : i32 to index
        %parallel_loop3A_280 = arith.constant 0 : index
        %parallel_loop3A_281 = tpu.vector_load %parallel_loop3A_278[%parallel_loop3A_279, %parallel_loop3A_280] {strides = array<i32>} : memref<1024x16xf32, #tpu.memory_space<vmem>>, vector<16xf32>,
        %parallel_loop3A_282 = arith.mulf %parallel_loop3A_281, %get3A_33 : vector<16xf32>
        %parallel_loop3A_283 = arith.constant 1.000000e+01 : f32
        %parallel_loop3A_284 = vector.broadcast %parallel_loop3A_283 : f32 to vector<16xf32>
        %parallel_loop3A_285 = arith.subf %parallel_loop3A_282, %parallel_loop3A_284 : vector<16xf32>
        %parallel_loop3A_286 = arith.fptosi %parallel_loop3A_285 : vector<16xf32> to vector<16xi32>
        %parallel_loop3A_287 = arith.sitofp %parallel_loop3A_286 : vector<16xi32> to vector<16xf32>
        %parallel_loop3A_288 = arith.subf %parallel_loop3A_285, %parallel_loop3A_287 : vector<16xf32>
        %parallel_loop3A_289 = tpu.vector_load_idx %arg6[%parallel_loop3A_286, %iota3A] : memref<2048x16xf32, #tpu.memory_space<vmem>>[vector<16xi32>, vector<16xi32>], vector<16xf32>,
        %parallel_loop3A_290 = arith.constant 1 : i32
        %parallel_loop3A_291 = vector.broadcast %parallel_loop3A_290 : i32 to vector<16xi32>
        %parallel_loop3A_292 = arith.addi %parallel_loop3A_286, %parallel_loop3A_291 : vector<16xi32>
        %parallel_loop3A_293 = tpu.vector_load_idx %arg6[%parallel_loop3A_292, %iota3A] : memref<2048x16xf32, #tpu.memory_space<vmem>>[vector<16xi32>, vector<16xi32>], vector<16xf32>,
        %parallel_loop3A_294 = arith.subf %parallel_loop3A_293, %parallel_loop3A_289 : vector<16xf32>
        %parallel_loop3A_295 = arith.mulf %parallel_loop3A_288, %parallel_loop3A_294 : vector<16xf32>
        %parallel_loop3A_296 = arith.addf %parallel_loop3A_289, %parallel_loop3A_295 : vector<16xf32>
        %parallel_loop3A_297 = vector.broadcast %parallel_loop3A_272 : i32 to vector<16xi32>
        %parallel_loop3A_298 = arith.constant 0 : i32
        %parallel_loop3A_299 = arith.constant 0 : i32
        %parallel_loop3A_300 = arith.constant 0 : i32
        %parallel_loop3A_301 = tpu.memref_slice %arg8[%parallel_loop3A_148, %parallel_loop3A_298, %parallel_loop3A_299, %parallel_loop3A_300] : memref<2x16x5x257xf32, #tpu.memory_space<vmem>> -> memref<1x16x5x257xf32, #tpu.memory_space<vmem>>
        %parallel_loop3A_302 = tpu.memref_squeeze %parallel_loop3A_301 : memref<1x16x5x257xf32, #tpu.memory_space<vmem>> -> memref<16x5x257xf32, #tpu.memory_space<vmem>>
        tpu.vector_store_idx %parallel_loop3A_302[%iota3A, %broadcast_in_dim3A_143, %parallel_loop3A_297], %parallel_loop3A_296 : memref<16x5x257xf32, #tpu.memory_space<vmem>>[vector<16xi32>, vector<16xi32>, vector<16xi32>], vector<16xf32>,
      } {sc.loop_unroll_factor = 8 : i64, sc.parallel_access}
      %broadcast_in_dim3A_149 = arith.constant 2 : i32
      %broadcast_in_dim3A_150 = vector.broadcast %broadcast_in_dim3A_149 : i32 to vector<16xi32>
      %parallel_loop3A_151 = arith.constant 0 : i32
      %parallel_loop3A_152 = arith.constant 256 : i32
      %parallel_loop3A_153 = arith.constant 1 : i32
      %parallel_loop3A_154 = arith.constant 0 : i32
      %parallel_loop3A_155 = arith.constant 0 : i32
      scf.for %parallel_loop3A_272 = %parallel_loop3A_151 to %parallel_loop3A_152 step %parallel_loop3A_153  : i32 {
        %parallel_loop3A_273 = arith.constant 512 : i32
        %parallel_loop3A_274 = arith.addi %parallel_loop3A_273, %parallel_loop3A_272 : i32
        %parallel_loop3A_275 = arith.constant 0 : i32
        %parallel_loop3A_276 = arith.constant 0 : i32
        %parallel_loop3A_277 = tpu.memref_slice %arg7[%parallel_loop3A_154, %parallel_loop3A_275, %parallel_loop3A_276] : memref<2x1024x16xf32, #tpu.memory_space<vmem>> -> memref<1x1024x16xf32, #tpu.memory_space<vmem>>
        %parallel_loop3A_278 = tpu.memref_squeeze %parallel_loop3A_277 : memref<1x1024x16xf32, #tpu.memory_space<vmem>> -> memref<1024x16xf32, #tpu.memory_space<vmem>>
        %parallel_loop3A_279 = arith.index_cast %parallel_loop3A_274 : i32 to index
        %parallel_loop3A_280 = arith.constant 0 : index
        %parallel_loop3A_281 = tpu.vector_load %parallel_loop3A_278[%parallel_loop3A_279, %parallel_loop3A_280] {strides = array<i32>} : memref<1024x16xf32, #tpu.memory_space<vmem>>, vector<16xf32>,
        %parallel_loop3A_282 = arith.mulf %parallel_loop3A_281, %get3A_33 : vector<16xf32>
        %parallel_loop3A_283 = arith.constant 1.000000e+01 : f32
        %parallel_loop3A_284 = vector.broadcast %parallel_loop3A_283 : f32 to vector<16xf32>
        %parallel_loop3A_285 = arith.subf %parallel_loop3A_282, %parallel_loop3A_284 : vector<16xf32>
        %parallel_loop3A_286 = arith.fptosi %parallel_loop3A_285 : vector<16xf32> to vector<16xi32>
        %parallel_loop3A_287 = arith.sitofp %parallel_loop3A_286 : vector<16xi32> to vector<16xf32>
        %parallel_loop3A_288 = arith.subf %parallel_loop3A_285, %parallel_loop3A_287 : vector<16xf32>
        %parallel_loop3A_289 = tpu.vector_load_idx %arg6[%parallel_loop3A_286, %iota3A] : memref<2048x16xf32, #tpu.memory_space<vmem>>[vector<16xi32>, vector<16xi32>], vector<16xf32>,
        %parallel_loop3A_290 = arith.constant 1 : i32
        %parallel_loop3A_291 = vector.broadcast %parallel_loop3A_290 : i32 to vector<16xi32>
        %parallel_loop3A_292 = arith.addi %parallel_loop3A_286, %parallel_loop3A_291 : vector<16xi32>
        %parallel_loop3A_293 = tpu.vector_load_idx %arg6[%parallel_loop3A_292, %iota3A] : memref<2048x16xf32, #tpu.memory_space<vmem>>[vector<16xi32>, vector<16xi32>], vector<16xf32>,
        %parallel_loop3A_294 = arith.subf %parallel_loop3A_293, %parallel_loop3A_289 : vector<16xf32>
        %parallel_loop3A_295 = arith.mulf %parallel_loop3A_288, %parallel_loop3A_294 : vector<16xf32>
        %parallel_loop3A_296 = arith.addf %parallel_loop3A_289, %parallel_loop3A_295 : vector<16xf32>
        %parallel_loop3A_297 = vector.broadcast %parallel_loop3A_272 : i32 to vector<16xi32>
        %parallel_loop3A_298 = arith.constant 0 : i32
        %parallel_loop3A_299 = arith.constant 0 : i32
        %parallel_loop3A_300 = arith.constant 0 : i32
        %parallel_loop3A_301 = tpu.memref_slice %arg8[%parallel_loop3A_155, %parallel_loop3A_298, %parallel_loop3A_299, %parallel_loop3A_300] : memref<2x16x5x257xf32, #tpu.memory_space<vmem>> -> memref<1x16x5x257xf32, #tpu.memory_space<vmem>>
        %parallel_loop3A_302 = tpu.memref_squeeze %parallel_loop3A_301 : memref<1x16x5x257xf32, #tpu.memory_space<vmem>> -> memref<16x5x257xf32, #tpu.memory_space<vmem>>
        tpu.vector_store_idx %parallel_loop3A_302[%iota3A, %broadcast_in_dim3A_150, %parallel_loop3A_297], %parallel_loop3A_296 : memref<16x5x257xf32, #tpu.memory_space<vmem>>[vector<16xi32>, vector<16xi32>, vector<16xi32>], vector<16xf32>,
      } {sc.loop_unroll_factor = 8 : i64, sc.parallel_access}
      %broadcast_in_dim3A_156 = arith.constant 3 : i32
      %broadcast_in_dim3A_157 = vector.broadcast %broadcast_in_dim3A_156 : i32 to vector<16xi32>
      %parallel_loop3A_158 = arith.constant 0 : i32
      %parallel_loop3A_159 = arith.constant 256 : i32
      %parallel_loop3A_160 = arith.constant 1 : i32
      %parallel_loop3A_161 = arith.constant 0 : i32
      %parallel_loop3A_162 = arith.constant 0 : i32
      scf.for %parallel_loop3A_272 = %parallel_loop3A_158 to %parallel_loop3A_159 step %parallel_loop3A_160  : i32 {
        %parallel_loop3A_273 = arith.constant 768 : i32
        %parallel_loop3A_274 = arith.addi %parallel_loop3A_273, %parallel_loop3A_272 : i32
        %parallel_loop3A_275 = arith.constant 0 : i32
        %parallel_loop3A_276 = arith.constant 0 : i32
        %parallel_loop3A_277 = tpu.memref_slice %arg7[%parallel_loop3A_161, %parallel_loop3A_275, %parallel_loop3A_276] : memref<2x1024x16xf32, #tpu.memory_space<vmem>> -> memref<1x1024x16xf32, #tpu.memory_space<vmem>>
        %parallel_loop3A_278 = tpu.memref_squeeze %parallel_loop3A_277 : memref<1x1024x16xf32, #tpu.memory_space<vmem>> -> memref<1024x16xf32, #tpu.memory_space<vmem>>
        %parallel_loop3A_279 = arith.index_cast %parallel_loop3A_274 : i32 to index
        %parallel_loop3A_280 = arith.constant 0 : index
        %parallel_loop3A_281 = tpu.vector_load %parallel_loop3A_278[%parallel_loop3A_279, %parallel_loop3A_280] {strides = array<i32>} : memref<1024x16xf32, #tpu.memory_space<vmem>>, vector<16xf32>,
        %parallel_loop3A_282 = arith.mulf %parallel_loop3A_281, %get3A_33 : vector<16xf32>
        %parallel_loop3A_283 = arith.constant 1.000000e+01 : f32
        %parallel_loop3A_284 = vector.broadcast %parallel_loop3A_283 : f32 to vector<16xf32>
        %parallel_loop3A_285 = arith.subf %parallel_loop3A_282, %parallel_loop3A_284 : vector<16xf32>
        %parallel_loop3A_286 = arith.fptosi %parallel_loop3A_285 : vector<16xf32> to vector<16xi32>
        %parallel_loop3A_287 = arith.sitofp %parallel_loop3A_286 : vector<16xi32> to vector<16xf32>
        %parallel_loop3A_288 = arith.subf %parallel_loop3A_285, %parallel_loop3A_287 : vector<16xf32>
        %parallel_loop3A_289 = tpu.vector_load_idx %arg6[%parallel_loop3A_286, %iota3A] : memref<2048x16xf32, #tpu.memory_space<vmem>>[vector<16xi32>, vector<16xi32>], vector<16xf32>,
        %parallel_loop3A_290 = arith.constant 1 : i32
        %parallel_loop3A_291 = vector.broadcast %parallel_loop3A_290 : i32 to vector<16xi32>
        %parallel_loop3A_292 = arith.addi %parallel_loop3A_286, %parallel_loop3A_291 : vector<16xi32>
        %parallel_loop3A_293 = tpu.vector_load_idx %arg6[%parallel_loop3A_292, %iota3A] : memref<2048x16xf32, #tpu.memory_space<vmem>>[vector<16xi32>, vector<16xi32>], vector<16xf32>,
        %parallel_loop3A_294 = arith.subf %parallel_loop3A_293, %parallel_loop3A_289 : vector<16xf32>
        %parallel_loop3A_295 = arith.mulf %parallel_loop3A_288, %parallel_loop3A_294 : vector<16xf32>
        %parallel_loop3A_296 = arith.addf %parallel_loop3A_289, %parallel_loop3A_295 : vector<16xf32>
        %parallel_loop3A_297 = vector.broadcast %parallel_loop3A_272 : i32 to vector<16xi32>
        %parallel_loop3A_298 = arith.constant 0 : i32
        %parallel_loop3A_299 = arith.constant 0 : i32
        %parallel_loop3A_300 = arith.constant 0 : i32
        %parallel_loop3A_301 = tpu.memref_slice %arg8[%parallel_loop3A_162, %parallel_loop3A_298, %parallel_loop3A_299, %parallel_loop3A_300] : memref<2x16x5x257xf32, #tpu.memory_space<vmem>> -> memref<1x16x5x257xf32, #tpu.memory_space<vmem>>
        %parallel_loop3A_302 = tpu.memref_squeeze %parallel_loop3A_301 : memref<1x16x5x257xf32, #tpu.memory_space<vmem>> -> memref<16x5x257xf32, #tpu.memory_space<vmem>>
        tpu.vector_store_idx %parallel_loop3A_302[%iota3A, %broadcast_in_dim3A_157, %parallel_loop3A_297], %parallel_loop3A_296 : memref<16x5x257xf32, #tpu.memory_space<vmem>>[vector<16xi32>, vector<16xi32>, vector<16xi32>], vector<16xf32>,
      } {sc.loop_unroll_factor = 8 : i64, sc.parallel_access}
      %add3A_163 = arith.constant 2 : i32
      %add3A_164 = arith.addi %add3A_118, %add3A_163 : i32
      %lt3A_165 = arith.constant 64 : i32
      %lt3A_166 = arith.cmpi slt, %add3A_164, %lt3A_165 : i32
      %convert_element_type3A_167 = arith.extui %lt3A_166 : i1 to i32
      %cond3A_168 = arith.constant 0 : i32
      %cond3A_169 = arith.cmpi ne, %convert_element_type3A_167, %cond3A_168 : i32
      scf.if %cond3A_169 {
        %add3A_272 = arith.constant 2 : i32
        %add3A_273 = arith.addi %add3A_118, %add3A_272 : i32
        %mul3A_274 = arith.constant 1024 : i32
        %mul3A_275 = arith.muli %add3A_273, %mul3A_274 : i32
        %dma_start3A_276 = arith.constant 0 : i32
        %dma_start3A_277 = arith.constant 0 : i32
        %dma_start3A_278 = arith.constant 0 : i32
        %dma_start3A_279 = arith.constant 0 : i32
        %dma_start3A_280 = tpu.memref_slice %arg7[%dma_start3A_276, %dma_start3A_278, %dma_start3A_279] : memref<2x1024x16xf32, #tpu.memory_space<vmem>> -> memref<1x1024x16xf32, #tpu.memory_space<vmem>>
        %dma_start3A_281 = tpu.memref_squeeze %dma_start3A_280 : memref<1x1024x16xf32, #tpu.memory_space<vmem>> -> memref<1024x16xf32, #tpu.memory_space<vmem>>
        %dma_start3A_282 = tpu.memref_slice %arg4[%mul3A_275, %mul3A_32] : memref<65536x128xf32, #tpu.memory_space<hbm>> -> memref<1024x16xf32, #tpu.memory_space<hbm>>
        %dma_start3A_283 = tpu.memref_slice %arg10[%dma_start3A_277] : memref<2x!tpu.dma_semaphore, #tpu.memory_space<semaphore_mem>> -> memref<1x!tpu.dma_semaphore, #tpu.memory_space<semaphore_mem>>
        %dma_start3A_284 = tpu.memref_squeeze %dma_start3A_283 : memref<1x!tpu.dma_semaphore, #tpu.memory_space<semaphore_mem>> -> memref<!tpu.dma_semaphore, #tpu.memory_space<semaphore_mem>>
        %dma_start3A_285 = arith.constant 0 : i32
        %dma_start3A_286 = arith.constant 0 : i32
        %dma_start3A_287 = tpu.memref_slice %arg7[%dma_start3A_276, %dma_start3A_285, %dma_start3A_286] : memref<2x1024x16xf32, #tpu.memory_space<vmem>> -> memref<1x1024x16xf32, #tpu.memory_space<vmem>>
        %dma_start3A_288 = tpu.memref_squeeze %dma_start3A_287 : memref<1x1024x16xf32, #tpu.memory_space<vmem>> -> memref<1024x16xf32, #tpu.memory_space<vmem>>
        %dma_start3A_289 = tpu.memref_slice %arg4[%mul3A_275, %mul3A_32] : memref<65536x128xf32, #tpu.memory_space<hbm>> -> memref<1024x16xf32, #tpu.memory_space<hbm>>
        tpu.enqueue_dma source(%dma_start3A_289 : memref<1024x16xf32, #tpu.memory_space<hbm>>) target(%dma_start3A_288 : memref<1024x16xf32, #tpu.memory_space<vmem>>) target_semaphore(%dma_start3A_284 : memref<!tpu.dma_semaphore, #tpu.memory_space<semaphore_mem>>)
      } else {
      }
      %mul3A_170 = arith.constant 4 : i32
      %mul3A_171 = arith.muli %add3A_118, %mul3A_170 : i32
      %dma_start3A_172 = arith.constant 0 : i32
      %dma_start3A_173 = arith.constant 0 : i32
      %dma_start3A_174 = arith.constant 0 : i32
      %dma_start3A_175 = arith.constant 0 : i32
      %dma_start3A_176 = arith.constant 0 : i32
      %dma_start3A_177 = tpu.memref_slice %arg8[%dma_start3A_172, %dma_start3A_174, %dma_start3A_175, %dma_start3A_176] : memref<2x16x5x257xf32, #tpu.memory_space<vmem>> -> memref<1x16x4x256xf32, #tpu.memory_space<vmem>>
      %dma_start3A_178 = tpu.memref_squeeze %dma_start3A_177 : memref<1x16x4x256xf32, #tpu.memory_space<vmem>> -> memref<16x4x256xf32, #tpu.memory_space<vmem>>
      %dma_start3A_179 = arith.constant 0 : i32
      %dma_start3A_180 = tpu.memref_slice %arg5[%select_n3A, %mul3A_32, %mul3A_171, %dma_start3A_179] : memref<4x128x256x256xf32, #tpu.memory_space<hbm>> -> memref<1x16x4x256xf32, #tpu.memory_space<hbm>>
      %dma_start3A_181 = tpu.memref_squeeze %dma_start3A_180 : memref<1x16x4x256xf32, #tpu.memory_space<hbm>> -> memref<16x4x256xf32, #tpu.memory_space<hbm>>
      %dma_start3A_182 = tpu.memref_slice %arg11[%dma_start3A_173] : memref<2x!tpu.dma_semaphore, #tpu.memory_space<semaphore_mem>> -> memref<1x!tpu.dma_semaphore, #tpu.memory_space<semaphore_mem>>
      %dma_start3A_183 = tpu.memref_squeeze %dma_start3A_182 : memref<1x!tpu.dma_semaphore, #tpu.memory_space<semaphore_mem>> -> memref<!tpu.dma_semaphore, #tpu.memory_space<semaphore_mem>>
      %dma_start3A_184 = arith.constant 0 : i32
      %dma_start3A_185 = tpu.memref_slice %arg5[%select_n3A, %mul3A_32, %mul3A_171, %dma_start3A_184] : memref<4x128x256x256xf32, #tpu.memory_space<hbm>> -> memref<1x16x4x256xf32, #tpu.memory_space<hbm>>
      %dma_start3A_186 = tpu.memref_squeeze %dma_start3A_185 : memref<1x16x4x256xf32, #tpu.memory_space<hbm>> -> memref<16x4x256xf32, #tpu.memory_space<hbm>>
      %dma_start3A_187 = arith.constant 0 : i32
      %dma_start3A_188 = arith.constant 0 : i32
      %dma_start3A_189 = arith.constant 0 : i32
      %dma_start3A_190 = tpu.memref_slice %arg8[%dma_start3A_172, %dma_start3A_187, %dma_start3A_188, %dma_start3A_189] : memref<2x16x5x257xf32, #tpu.memory_space<vmem>> -> memref<1x16x4x256xf32, #tpu.memory_space<vmem>>
      %dma_start3A_191 = tpu.memref_squeeze %dma_start3A_190 : memref<1x16x4x256xf32, #tpu.memory_space<vmem>> -> memref<16x4x256xf32, #tpu.memory_space<vmem>>
      tpu.enqueue_dma source(%dma_start3A_191 : memref<16x4x256xf32, #tpu.memory_space<vmem>>) target(%dma_start3A_186 : memref<16x4x256xf32, #tpu.memory_space<hbm>>) target_semaphore(%dma_start3A_183 : memref<!tpu.dma_semaphore, #tpu.memory_space<semaphore_mem>>)
      %add3A_192 = arith.constant 1 : i32
      %add3A_193 = arith.addi %add3A_116, %add3A_192 : i32
      %mul3A_194 = arith.constant 1024 : i32
      %mul3A_195 = arith.muli %add3A_193, %mul3A_194 : i32
      %dma_wait3A_196 = arith.constant 1 : i32
      %dma_wait3A_197 = arith.constant 1 : i32
      %dma_wait3A_198 = arith.constant 0 : i32
      %dma_wait3A_199 = arith.constant 0 : i32
      %dma_wait3A_200 = tpu.memref_slice %arg7[%dma_wait3A_196, %dma_wait3A_198, %dma_wait3A_199] : memref<2x1024x16xf32, #tpu.memory_space<vmem>> -> memref<1x1024x16xf32, #tpu.memory_space<vmem>>
      %dma_wait3A_201 = tpu.memref_squeeze %dma_wait3A_200 : memref<1x1024x16xf32, #tpu.memory_space<vmem>> -> memref<1024x16xf32, #tpu.memory_space<vmem>>
      %dma_wait3A_202 = tpu.memref_slice %arg4[%mul3A_195, %mul3A_32] : memref<65536x128xf32, #tpu.memory_space<hbm>> -> memref<1024x16xf32, #tpu.memory_space<hbm>>
      %dma_wait3A_203 = tpu.memref_slice %arg10[%dma_wait3A_197] : memref<2x!tpu.dma_semaphore, #tpu.memory_space<semaphore_mem>> -> memref<1x!tpu.dma_semaphore, #tpu.memory_space<semaphore_mem>>
      %dma_wait3A_204 = tpu.memref_squeeze %dma_wait3A_203 : memref<1x!tpu.dma_semaphore, #tpu.memory_space<semaphore_mem>> -> memref<!tpu.dma_semaphore, #tpu.memory_space<semaphore_mem>>
      %dma_wait3A_205 = arith.constant 0 : i32
      %dma_wait3A_206 = arith.constant 0 : i32
      %dma_wait3A_207 = tpu.memref_slice %arg7[%dma_wait3A_196, %dma_wait3A_205, %dma_wait3A_206] : memref<2x1024x16xf32, #tpu.memory_space<vmem>> -> memref<1x1024x16xf32, #tpu.memory_space<vmem>>
      %dma_wait3A_208 = tpu.memref_squeeze %dma_wait3A_207 : memref<1x1024x16xf32, #tpu.memory_space<vmem>> -> memref<1024x16xf32, #tpu.memory_space<vmem>>
      %dma_wait3A_209 = tpu.memref_slice %arg4[%mul3A_195, %mul3A_32] : memref<65536x128xf32, #tpu.memory_space<hbm>> -> memref<1024x16xf32, #tpu.memory_space<hbm>>
      tpu.wait_dma2 semaphore(%dma_wait3A_204 : memref<!tpu.dma_semaphore, #tpu.memory_space<semaphore_mem>>) src(%dma_wait3A_209 : memref<1024x16xf32, #tpu.memory_space<hbm>>) dst(%dma_wait3A_208 : memref<1024x16xf32, #tpu.memory_space<vmem>>)
      %ge3A_210 = arith.constant 2 : i32
      %ge3A_211 = arith.cmpi sge, %add3A_193, %ge3A_210 : i32
      %convert_element_type3A_212 = arith.extui %ge3A_211 : i1 to i32
      %cond3A_213 = arith.constant 0 : i32
      %cond3A_214 = arith.cmpi ne, %convert_element_type3A_212, %cond3A_213 : i32
      scf.if %cond3A_214 {
        %sub3A_272 = arith.constant 2 : i32
        %sub3A_273 = arith.subi %add3A_193, %sub3A_272 : i32
        %mul3A_274 = arith.constant 4 : i32
        %mul3A_275 = arith.muli %sub3A_273, %mul3A_274 : i32
        %dma_wait3A_276 = arith.constant 1 : i32
        %dma_wait3A_277 = arith.constant 1 : i32
        %dma_wait3A_278 = arith.constant 0 : i32
        %dma_wait3A_279 = arith.constant 0 : i32
        %dma_wait3A_280 = arith.constant 0 : i32
        %dma_wait3A_281 = tpu.memref_slice %arg8[%dma_wait3A_276, %dma_wait3A_278, %dma_wait3A_279, %dma_wait3A_280] : memref<2x16x5x257xf32, #tpu.memory_space<vmem>> -> memref<1x16x4x256xf32, #tpu.memory_space<vmem>>
        %dma_wait3A_282 = tpu.memref_squeeze %dma_wait3A_281 : memref<1x16x4x256xf32, #tpu.memory_space<vmem>> -> memref<16x4x256xf32, #tpu.memory_space<vmem>>
        %dma_wait3A_283 = arith.constant 0 : i32
        %dma_wait3A_284 = tpu.memref_slice %arg5[%select_n3A, %mul3A_32, %mul3A_275, %dma_wait3A_283] : memref<4x128x256x256xf32, #tpu.memory_space<hbm>> -> memref<1x16x4x256xf32, #tpu.memory_space<hbm>>
        %dma_wait3A_285 = tpu.memref_squeeze %dma_wait3A_284 : memref<1x16x4x256xf32, #tpu.memory_space<hbm>> -> memref<16x4x256xf32, #tpu.memory_space<hbm>>
        %dma_wait3A_286 = tpu.memref_slice %arg11[%dma_wait3A_277] : memref<2x!tpu.dma_semaphore, #tpu.memory_space<semaphore_mem>> -> memref<1x!tpu.dma_semaphore, #tpu.memory_space<semaphore_mem>>
        %dma_wait3A_287 = tpu.memref_squeeze %dma_wait3A_286 : memref<1x!tpu.dma_semaphore, #tpu.memory_space<semaphore_mem>> -> memref<!tpu.dma_semaphore, #tpu.memory_space<semaphore_mem>>
        %dma_wait3A_288 = arith.constant 0 : i32
        %dma_wait3A_289 = tpu.memref_slice %arg5[%select_n3A, %mul3A_32, %mul3A_275, %dma_wait3A_288] : memref<4x128x256x256xf32, #tpu.memory_space<hbm>> -> memref<1x16x4x256xf32, #tpu.memory_space<hbm>>
        %dma_wait3A_290 = tpu.memref_squeeze %dma_wait3A_289 : memref<1x16x4x256xf32, #tpu.memory_space<hbm>> -> memref<16x4x256xf32, #tpu.memory_space<hbm>>
        %dma_wait3A_291 = arith.constant 0 : i32
        %dma_wait3A_292 = arith.constant 0 : i32
        %dma_wait3A_293 = arith.constant 0 : i32
        %dma_wait3A_294 = tpu.memref_slice %arg8[%dma_wait3A_276, %dma_wait3A_291, %dma_wait3A_292, %dma_wait3A_293] : memref<2x16x5x257xf32, #tpu.memory_space<vmem>> -> memref<1x16x4x256xf32, #tpu.memory_space<vmem>>
        %dma_wait3A_295 = tpu.memref_squeeze %dma_wait3A_294 : memref<1x16x4x256xf32, #tpu.memory_space<vmem>> -> memref<16x4x256xf32, #tpu.memory_space<vmem>>
        tpu.wait_dma2 semaphore(%dma_wait3A_287 : memref<!tpu.dma_semaphore, #tpu.memory_space<semaphore_mem>>) src(%dma_wait3A_295 : memref<16x4x256xf32, #tpu.memory_space<vmem>>) dst(%dma_wait3A_290 : memref<16x4x256xf32, #tpu.memory_space<hbm>>)
      } else {
      }
      %broadcast_in_dim3A_215 = arith.constant 0 : i32
      %broadcast_in_dim3A_216 = vector.broadcast %broadcast_in_dim3A_215 : i32 to vector<16xi32>
      %parallel_loop3A_217 = arith.constant 0 : i32
      %parallel_loop3A_218 = arith.constant 256 : i32
      %parallel_loop3A_219 = arith.constant 1 : i32
      %parallel_loop3A_220 = arith.constant 1 : i32
      %parallel_loop3A_221 = arith.constant 1 : i32
      scf.for %parallel_loop3A_272 = %parallel_loop3A_217 to %parallel_loop3A_218 step %parallel_loop3A_219  : i32 {
        %parallel_loop3A_273 = arith.constant 0 : i32
        %parallel_loop3A_274 = arith.addi %parallel_loop3A_273, %parallel_loop3A_272 : i32
        %parallel_loop3A_275 = arith.constant 0 : i32
        %parallel_loop3A_276 = arith.constant 0 : i32
        %parallel_loop3A_277 = tpu.memref_slice %arg7[%parallel_loop3A_220, %parallel_loop3A_275, %parallel_loop3A_276] : memref<2x1024x16xf32, #tpu.memory_space<vmem>> -> memref<1x1024x16xf32, #tpu.memory_space<vmem>>
        %parallel_loop3A_278 = tpu.memref_squeeze %parallel_loop3A_277 : memref<1x1024x16xf32, #tpu.memory_space<vmem>> -> memref<1024x16xf32, #tpu.memory_space<vmem>>
        %parallel_loop3A_279 = arith.index_cast %parallel_loop3A_274 : i32 to index
        %parallel_loop3A_280 = arith.constant 0 : index
        %parallel_loop3A_281 = tpu.vector_load %parallel_loop3A_278[%parallel_loop3A_279, %parallel_loop3A_280] {strides = array<i32>} : memref<1024x16xf32, #tpu.memory_space<vmem>>, vector<16xf32>,
        %parallel_loop3A_282 = arith.mulf %parallel_loop3A_281, %get3A_33 : vector<16xf32>
        %parallel_loop3A_283 = arith.constant 1.000000e+01 : f32
        %parallel_loop3A_284 = vector.broadcast %parallel_loop3A_283 : f32 to vector<16xf32>
        %parallel_loop3A_285 = arith.subf %parallel_loop3A_282, %parallel_loop3A_284 : vector<16xf32>
        %parallel_loop3A_286 = arith.fptosi %parallel_loop3A_285 : vector<16xf32> to vector<16xi32>
        %parallel_loop3A_287 = arith.sitofp %parallel_loop3A_286 : vector<16xi32> to vector<16xf32>
        %parallel_loop3A_288 = arith.subf %parallel_loop3A_285, %parallel_loop3A_287 : vector<16xf32>
        %parallel_loop3A_289 = tpu.vector_load_idx %arg6[%parallel_loop3A_286, %iota3A] : memref<2048x16xf32, #tpu.memory_space<vmem>>[vector<16xi32>, vector<16xi32>], vector<16xf32>,
        %parallel_loop3A_290 = arith.constant 1 : i32
        %parallel_loop3A_291 = vector.broadcast %parallel_loop3A_290 : i32 to vector<16xi32>
        %parallel_loop3A_292 = arith.addi %parallel_loop3A_286, %parallel_loop3A_291 : vector<16xi32>
        %parallel_loop3A_293 = tpu.vector_load_idx %arg6[%parallel_loop3A_292, %iota3A] : memref<2048x16xf32, #tpu.memory_space<vmem>>[vector<16xi32>, vector<16xi32>], vector<16xf32>,
        %parallel_loop3A_294 = arith.subf %parallel_loop3A_293, %parallel_loop3A_289 : vector<16xf32>
        %parallel_loop3A_295 = arith.mulf %parallel_loop3A_288, %parallel_loop3A_294 : vector<16xf32>
        %parallel_loop3A_296 = arith.addf %parallel_loop3A_289, %parallel_loop3A_295 : vector<16xf32>
        %parallel_loop3A_297 = vector.broadcast %parallel_loop3A_272 : i32 to vector<16xi32>
        %parallel_loop3A_298 = arith.constant 0 : i32
        %parallel_loop3A_299 = arith.constant 0 : i32
        %parallel_loop3A_300 = arith.constant 0 : i32
        %parallel_loop3A_301 = tpu.memref_slice %arg8[%parallel_loop3A_221, %parallel_loop3A_298, %parallel_loop3A_299, %parallel_loop3A_300] : memref<2x16x5x257xf32, #tpu.memory_space<vmem>> -> memref<1x16x5x257xf32, #tpu.memory_space<vmem>>
        %parallel_loop3A_302 = tpu.memref_squeeze %parallel_loop3A_301 : memref<1x16x5x257xf32, #tpu.memory_space<vmem>> -> memref<16x5x257xf32, #tpu.memory_space<vmem>>
        tpu.vector_store_idx %parallel_loop3A_302[%iota3A, %broadcast_in_dim3A_216, %parallel_loop3A_297], %parallel_loop3A_296 : memref<16x5x257xf32, #tpu.memory_space<vmem>>[vector<16xi32>, vector<16xi32>, vector<16xi32>], vector<16xf32>,
      } {sc.loop_unroll_factor = 8 : i64, sc.parallel_access}
      %broadcast_in_dim3A_222 = arith.constant 1 : i32
      %broadcast_in_dim3A_223 = vector.broadcast %broadcast_in_dim3A_222 : i32 to vector<16xi32>
      %parallel_loop3A_224 = arith.constant 0 : i32
      %parallel_loop3A_225 = arith.constant 256 : i32
      %parallel_loop3A_226 = arith.constant 1 : i32
      %parallel_loop3A_227 = arith.constant 1 : i32
      %parallel_loop3A_228 = arith.constant 1 : i32
      scf.for %parallel_loop3A_272 = %parallel_loop3A_224 to %parallel_loop3A_225 step %parallel_loop3A_226  : i32 {
        %parallel_loop3A_273 = arith.constant 256 : i32
        %parallel_loop3A_274 = arith.addi %parallel_loop3A_273, %parallel_loop3A_272 : i32
        %parallel_loop3A_275 = arith.constant 0 : i32
        %parallel_loop3A_276 = arith.constant 0 : i32
        %parallel_loop3A_277 = tpu.memref_slice %arg7[%parallel_loop3A_227, %parallel_loop3A_275, %parallel_loop3A_276] : memref<2x1024x16xf32, #tpu.memory_space<vmem>> -> memref<1x1024x16xf32, #tpu.memory_space<vmem>>
        %parallel_loop3A_278 = tpu.memref_squeeze %parallel_loop3A_277 : memref<1x1024x16xf32, #tpu.memory_space<vmem>> -> memref<1024x16xf32, #tpu.memory_space<vmem>>
        %parallel_loop3A_279 = arith.index_cast %parallel_loop3A_274 : i32 to index
        %parallel_loop3A_280 = arith.constant 0 : index
        %parallel_loop3A_281 = tpu.vector_load %parallel_loop3A_278[%parallel_loop3A_279, %parallel_loop3A_280] {strides = array<i32>} : memref<1024x16xf32, #tpu.memory_space<vmem>>, vector<16xf32>,
        %parallel_loop3A_282 = arith.mulf %parallel_loop3A_281, %get3A_33 : vector<16xf32>
        %parallel_loop3A_283 = arith.constant 1.000000e+01 : f32
        %parallel_loop3A_284 = vector.broadcast %parallel_loop3A_283 : f32 to vector<16xf32>
        %parallel_loop3A_285 = arith.subf %parallel_loop3A_282, %parallel_loop3A_284 : vector<16xf32>
        %parallel_loop3A_286 = arith.fptosi %parallel_loop3A_285 : vector<16xf32> to vector<16xi32>
        %parallel_loop3A_287 = arith.sitofp %parallel_loop3A_286 : vector<16xi32> to vector<16xf32>
        %parallel_loop3A_288 = arith.subf %parallel_loop3A_285, %parallel_loop3A_287 : vector<16xf32>
        %parallel_loop3A_289 = tpu.vector_load_idx %arg6[%parallel_loop3A_286, %iota3A] : memref<2048x16xf32, #tpu.memory_space<vmem>>[vector<16xi32>, vector<16xi32>], vector<16xf32>,
        %parallel_loop3A_290 = arith.constant 1 : i32
        %parallel_loop3A_291 = vector.broadcast %parallel_loop3A_290 : i32 to vector<16xi32>
        %parallel_loop3A_292 = arith.addi %parallel_loop3A_286, %parallel_loop3A_291 : vector<16xi32>
        %parallel_loop3A_293 = tpu.vector_load_idx %arg6[%parallel_loop3A_292, %iota3A] : memref<2048x16xf32, #tpu.memory_space<vmem>>[vector<16xi32>, vector<16xi32>], vector<16xf32>,
        %parallel_loop3A_294 = arith.subf %parallel_loop3A_293, %parallel_loop3A_289 : vector<16xf32>
        %parallel_loop3A_295 = arith.mulf %parallel_loop3A_288, %parallel_loop3A_294 : vector<16xf32>
        %parallel_loop3A_296 = arith.addf %parallel_loop3A_289, %parallel_loop3A_295 : vector<16xf32>
        %parallel_loop3A_297 = vector.broadcast %parallel_loop3A_272 : i32 to vector<16xi32>
        %parallel_loop3A_298 = arith.constant 0 : i32
        %parallel_loop3A_299 = arith.constant 0 : i32
        %parallel_loop3A_300 = arith.constant 0 : i32
        %parallel_loop3A_301 = tpu.memref_slice %arg8[%parallel_loop3A_228, %parallel_loop3A_298, %parallel_loop3A_299, %parallel_loop3A_300] : memref<2x16x5x257xf32, #tpu.memory_space<vmem>> -> memref<1x16x5x257xf32, #tpu.memory_space<vmem>>
        %parallel_loop3A_302 = tpu.memref_squeeze %parallel_loop3A_301 : memref<1x16x5x257xf32, #tpu.memory_space<vmem>> -> memref<16x5x257xf32, #tpu.memory_space<vmem>>
        tpu.vector_store_idx %parallel_loop3A_302[%iota3A, %broadcast_in_dim3A_223, %parallel_loop3A_297], %parallel_loop3A_296 : memref<16x5x257xf32, #tpu.memory_space<vmem>>[vector<16xi32>, vector<16xi32>, vector<16xi32>], vector<16xf32>,
      } {sc.loop_unroll_factor = 8 : i64, sc.parallel_access}
      %broadcast_in_dim3A_229 = arith.constant 2 : i32
      %broadcast_in_dim3A_230 = vector.broadcast %broadcast_in_dim3A_229 : i32 to vector<16xi32>
      %parallel_loop3A_231 = arith.constant 0 : i32
      %parallel_loop3A_232 = arith.constant 256 : i32
      %parallel_loop3A_233 = arith.constant 1 : i32
      %parallel_loop3A_234 = arith.constant 1 : i32
      %parallel_loop3A_235 = arith.constant 1 : i32
      scf.for %parallel_loop3A_272 = %parallel_loop3A_231 to %parallel_loop3A_232 step %parallel_loop3A_233  : i32 {
        %parallel_loop3A_273 = arith.constant 512 : i32
        %parallel_loop3A_274 = arith.addi %parallel_loop3A_273, %parallel_loop3A_272 : i32
        %parallel_loop3A_275 = arith.constant 0 : i32
        %parallel_loop3A_276 = arith.constant 0 : i32
        %parallel_loop3A_277 = tpu.memref_slice %arg7[%parallel_loop3A_234, %parallel_loop3A_275, %parallel_loop3A_276] : memref<2x1024x16xf32, #tpu.memory_space<vmem>> -> memref<1x1024x16xf32, #tpu.memory_space<vmem>>
        %parallel_loop3A_278 = tpu.memref_squeeze %parallel_loop3A_277 : memref<1x1024x16xf32, #tpu.memory_space<vmem>> -> memref<1024x16xf32, #tpu.memory_space<vmem>>
        %parallel_loop3A_279 = arith.index_cast %parallel_loop3A_274 : i32 to index
        %parallel_loop3A_280 = arith.constant 0 : index
        %parallel_loop3A_281 = tpu.vector_load %parallel_loop3A_278[%parallel_loop3A_279, %parallel_loop3A_280] {strides = array<i32>} : memref<1024x16xf32, #tpu.memory_space<vmem>>, vector<16xf32>,
        %parallel_loop3A_282 = arith.mulf %parallel_loop3A_281, %get3A_33 : vector<16xf32>
        %parallel_loop3A_283 = arith.constant 1.000000e+01 : f32
        %parallel_loop3A_284 = vector.broadcast %parallel_loop3A_283 : f32 to vector<16xf32>
        %parallel_loop3A_285 = arith.subf %parallel_loop3A_282, %parallel_loop3A_284 : vector<16xf32>
        %parallel_loop3A_286 = arith.fptosi %parallel_loop3A_285 : vector<16xf32> to vector<16xi32>
        %parallel_loop3A_287 = arith.sitofp %parallel_loop3A_286 : vector<16xi32> to vector<16xf32>
        %parallel_loop3A_288 = arith.subf %parallel_loop3A_285, %parallel_loop3A_287 : vector<16xf32>
        %parallel_loop3A_289 = tpu.vector_load_idx %arg6[%parallel_loop3A_286, %iota3A] : memref<2048x16xf32, #tpu.memory_space<vmem>>[vector<16xi32>, vector<16xi32>], vector<16xf32>,
        %parallel_loop3A_290 = arith.constant 1 : i32
        %parallel_loop3A_291 = vector.broadcast %parallel_loop3A_290 : i32 to vector<16xi32>
        %parallel_loop3A_292 = arith.addi %parallel_loop3A_286, %parallel_loop3A_291 : vector<16xi32>
        %parallel_loop3A_293 = tpu.vector_load_idx %arg6[%parallel_loop3A_292, %iota3A] : memref<2048x16xf32, #tpu.memory_space<vmem>>[vector<16xi32>, vector<16xi32>], vector<16xf32>,
        %parallel_loop3A_294 = arith.subf %parallel_loop3A_293, %parallel_loop3A_289 : vector<16xf32>
        %parallel_loop3A_295 = arith.mulf %parallel_loop3A_288, %parallel_loop3A_294 : vector<16xf32>
        %parallel_loop3A_296 = arith.addf %parallel_loop3A_289, %parallel_loop3A_295 : vector<16xf32>
        %parallel_loop3A_297 = vector.broadcast %parallel_loop3A_272 : i32 to vector<16xi32>
        %parallel_loop3A_298 = arith.constant 0 : i32
        %parallel_loop3A_299 = arith.constant 0 : i32
        %parallel_loop3A_300 = arith.constant 0 : i32
        %parallel_loop3A_301 = tpu.memref_slice %arg8[%parallel_loop3A_235, %parallel_loop3A_298, %parallel_loop3A_299, %parallel_loop3A_300] : memref<2x16x5x257xf32, #tpu.memory_space<vmem>> -> memref<1x16x5x257xf32, #tpu.memory_space<vmem>>
        %parallel_loop3A_302 = tpu.memref_squeeze %parallel_loop3A_301 : memref<1x16x5x257xf32, #tpu.memory_space<vmem>> -> memref<16x5x257xf32, #tpu.memory_space<vmem>>
        tpu.vector_store_idx %parallel_loop3A_302[%iota3A, %broadcast_in_dim3A_230, %parallel_loop3A_297], %parallel_loop3A_296 : memref<16x5x257xf32, #tpu.memory_space<vmem>>[vector<16xi32>, vector<16xi32>, vector<16xi32>], vector<16xf32>,
      } {sc.loop_unroll_factor = 8 : i64, sc.parallel_access}
      %broadcast_in_dim3A_236 = arith.constant 3 : i32
      %broadcast_in_dim3A_237 = vector.broadcast %broadcast_in_dim3A_236 : i32 to vector<16xi32>
      %parallel_loop3A_238 = arith.constant 0 : i32
      %parallel_loop3A_239 = arith.constant 256 : i32
      %parallel_loop3A_240 = arith.constant 1 : i32
      %parallel_loop3A_241 = arith.constant 1 : i32
      %parallel_loop3A_242 = arith.constant 1 : i32
      scf.for %parallel_loop3A_272 = %parallel_loop3A_238 to %parallel_loop3A_239 step %parallel_loop3A_240  : i32 {
        %parallel_loop3A_273 = arith.constant 768 : i32
        %parallel_loop3A_274 = arith.addi %parallel_loop3A_273, %parallel_loop3A_272 : i32
        %parallel_loop3A_275 = arith.constant 0 : i32
        %parallel_loop3A_276 = arith.constant 0 : i32
        %parallel_loop3A_277 = tpu.memref_slice %arg7[%parallel_loop3A_241, %parallel_loop3A_275, %parallel_loop3A_276] : memref<2x1024x16xf32, #tpu.memory_space<vmem>> -> memref<1x1024x16xf32, #tpu.memory_space<vmem>>
        %parallel_loop3A_278 = tpu.memref_squeeze %parallel_loop3A_277 : memref<1x1024x16xf32, #tpu.memory_space<vmem>> -> memref<1024x16xf32, #tpu.memory_space<vmem>>
        %parallel_loop3A_279 = arith.index_cast %parallel_loop3A_274 : i32 to index
        %parallel_loop3A_280 = arith.constant 0 : index
        %parallel_loop3A_281 = tpu.vector_load %parallel_loop3A_278[%parallel_loop3A_279, %parallel_loop3A_280] {strides = array<i32>} : memref<1024x16xf32, #tpu.memory_space<vmem>>, vector<16xf32>,
        %parallel_loop3A_282 = arith.mulf %parallel_loop3A_281, %get3A_33 : vector<16xf32>
        %parallel_loop3A_283 = arith.constant 1.000000e+01 : f32
        %parallel_loop3A_284 = vector.broadcast %parallel_loop3A_283 : f32 to vector<16xf32>
        %parallel_loop3A_285 = arith.subf %parallel_loop3A_282, %parallel_loop3A_284 : vector<16xf32>
        %parallel_loop3A_286 = arith.fptosi %parallel_loop3A_285 : vector<16xf32> to vector<16xi32>
        %parallel_loop3A_287 = arith.sitofp %parallel_loop3A_286 : vector<16xi32> to vector<16xf32>
        %parallel_loop3A_288 = arith.subf %parallel_loop3A_285, %parallel_loop3A_287 : vector<16xf32>
        %parallel_loop3A_289 = tpu.vector_load_idx %arg6[%parallel_loop3A_286, %iota3A] : memref<2048x16xf32, #tpu.memory_space<vmem>>[vector<16xi32>, vector<16xi32>], vector<16xf32>,
        %parallel_loop3A_290 = arith.constant 1 : i32
        %parallel_loop3A_291 = vector.broadcast %parallel_loop3A_290 : i32 to vector<16xi32>
        %parallel_loop3A_292 = arith.addi %parallel_loop3A_286, %parallel_loop3A_291 : vector<16xi32>
        %parallel_loop3A_293 = tpu.vector_load_idx %arg6[%parallel_loop3A_292, %iota3A] : memref<2048x16xf32, #tpu.memory_space<vmem>>[vector<16xi32>, vector<16xi32>], vector<16xf32>,
        %parallel_loop3A_294 = arith.subf %parallel_loop3A_293, %parallel_loop3A_289 : vector<16xf32>
        %parallel_loop3A_295 = arith.mulf %parallel_loop3A_288, %parallel_loop3A_294 : vector<16xf32>
        %parallel_loop3A_296 = arith.addf %parallel_loop3A_289, %parallel_loop3A_295 : vector<16xf32>
        %parallel_loop3A_297 = vector.broadcast %parallel_loop3A_272 : i32 to vector<16xi32>
        %parallel_loop3A_298 = arith.constant 0 : i32
        %parallel_loop3A_299 = arith.constant 0 : i32
        %parallel_loop3A_300 = arith.constant 0 : i32
        %parallel_loop3A_301 = tpu.memref_slice %arg8[%parallel_loop3A_242, %parallel_loop3A_298, %parallel_loop3A_299, %parallel_loop3A_300] : memref<2x16x5x257xf32, #tpu.memory_space<vmem>> -> memref<1x16x5x257xf32, #tpu.memory_space<vmem>>
        %parallel_loop3A_302 = tpu.memref_squeeze %parallel_loop3A_301 : memref<1x16x5x257xf32, #tpu.memory_space<vmem>> -> memref<16x5x257xf32, #tpu.memory_space<vmem>>
        tpu.vector_store_idx %parallel_loop3A_302[%iota3A, %broadcast_in_dim3A_237, %parallel_loop3A_297], %parallel_loop3A_296 : memref<16x5x257xf32, #tpu.memory_space<vmem>>[vector<16xi32>, vector<16xi32>, vector<16xi32>], vector<16xf32>,
      } {sc.loop_unroll_factor = 8 : i64, sc.parallel_access}
      %add3A_243 = arith.constant 2 : i32
      %add3A_244 = arith.addi %add3A_193, %add3A_243 : i32
      %lt3A_245 = arith.constant 64 : i32
      %lt3A_246 = arith.cmpi slt, %add3A_244, %lt3A_245 : i32
      %convert_element_type3A_247 = arith.extui %lt3A_246 : i1 to i32
      %cond3A_248 = arith.constant 0 : i32
      %cond3A_249 = arith.cmpi ne, %convert_element_type3A_247, %cond3A_248 : i32
      scf.if %cond3A_249 {
        %add3A_272 = arith.constant 2 : i32
        %add3A_273 = arith.addi %add3A_193, %add3A_272 : i32
        %mul3A_274 = arith.constant 1024 : i32
        %mul3A_275 = arith.muli %add3A_273, %mul3A_274 : i32
        %dma_start3A_276 = arith.constant 1 : i32
        %dma_start3A_277 = arith.constant 1 : i32
        %dma_start3A_278 = arith.constant 0 : i32
        %dma_start3A_279 = arith.constant 0 : i32
        %dma_start3A_280 = tpu.memref_slice %arg7[%dma_start3A_276, %dma_start3A_278, %dma_start3A_279] : memref<2x1024x16xf32, #tpu.memory_space<vmem>> -> memref<1x1024x16xf32, #tpu.memory_space<vmem>>
        %dma_start3A_281 = tpu.memref_squeeze %dma_start3A_280 : memref<1x1024x16xf32, #tpu.memory_space<vmem>> -> memref<1024x16xf32, #tpu.memory_space<vmem>>
        %dma_start3A_282 = tpu.memref_slice %arg4[%mul3A_275, %mul3A_32] : memref<65536x128xf32, #tpu.memory_space<hbm>> -> memref<1024x16xf32, #tpu.memory_space<hbm>>
        %dma_start3A_283 = tpu.memref_slice %arg10[%dma_start3A_277] : memref<2x!tpu.dma_semaphore, #tpu.memory_space<semaphore_mem>> -> memref<1x!tpu.dma_semaphore, #tpu.memory_space<semaphore_mem>>
        %dma_start3A_284 = tpu.memref_squeeze %dma_start3A_283 : memref<1x!tpu.dma_semaphore, #tpu.memory_space<semaphore_mem>> -> memref<!tpu.dma_semaphore, #tpu.memory_space<semaphore_mem>>
        %dma_start3A_285 = arith.constant 0 : i32
        %dma_start3A_286 = arith.constant 0 : i32
        %dma_start3A_287 = tpu.memref_slice %arg7[%dma_start3A_276, %dma_start3A_285, %dma_start3A_286] : memref<2x1024x16xf32, #tpu.memory_space<vmem>> -> memref<1x1024x16xf32, #tpu.memory_space<vmem>>
        %dma_start3A_288 = tpu.memref_squeeze %dma_start3A_287 : memref<1x1024x16xf32, #tpu.memory_space<vmem>> -> memref<1024x16xf32, #tpu.memory_space<vmem>>
        %dma_start3A_289 = tpu.memref_slice %arg4[%mul3A_275, %mul3A_32] : memref<65536x128xf32, #tpu.memory_space<hbm>> -> memref<1024x16xf32, #tpu.memory_space<hbm>>
        tpu.enqueue_dma source(%dma_start3A_289 : memref<1024x16xf32, #tpu.memory_space<hbm>>) target(%dma_start3A_288 : memref<1024x16xf32, #tpu.memory_space<vmem>>) target_semaphore(%dma_start3A_284 : memref<!tpu.dma_semaphore, #tpu.memory_space<semaphore_mem>>)
      } else {
      }
      %mul3A_250 = arith.constant 4 : i32
      %mul3A_251 = arith.muli %add3A_193, %mul3A_250 : i32
      %dma_start3A_252 = arith.constant 1 : i32
      %dma_start3A_253 = arith.constant 1 : i32
      %dma_start3A_254 = arith.constant 0 : i32
      %dma_start3A_255 = arith.constant 0 : i32
      %dma_start3A_256 = arith.constant 0 : i32
      %dma_start3A_257 = tpu.memref_slice %arg8[%dma_start3A_252, %dma_start3A_254, %dma_start3A_255, %dma_start3A_256] : memref<2x16x5x257xf32, #tpu.memory_space<vmem>> -> memref<1x16x4x256xf32, #tpu.memory_space<vmem>>
      %dma_start3A_258 = tpu.memref_squeeze %dma_start3A_257 : memref<1x16x4x256xf32, #tpu.memory_space<vmem>> -> memref<16x4x256xf32, #tpu.memory_space<vmem>>
      %dma_start3A_259 = arith.constant 0 : i32
      %dma_start3A_260 = tpu.memref_slice %arg5[%select_n3A, %mul3A_32, %mul3A_251, %dma_start3A_259] : memref<4x128x256x256xf32, #tpu.memory_space<hbm>> -> memref<1x16x4x256xf32, #tpu.memory_space<hbm>>
      %dma_start3A_261 = tpu.memref_squeeze %dma_start3A_260 : memref<1x16x4x256xf32, #tpu.memory_space<hbm>> -> memref<16x4x256xf32, #tpu.memory_space<hbm>>
      %dma_start3A_262 = tpu.memref_slice %arg11[%dma_start3A_253] : memref<2x!tpu.dma_semaphore, #tpu.memory_space<semaphore_mem>> -> memref<1x!tpu.dma_semaphore, #tpu.memory_space<semaphore_mem>>
      %dma_start3A_263 = tpu.memref_squeeze %dma_start3A_262 : memref<1x!tpu.dma_semaphore, #tpu.memory_space<semaphore_mem>> -> memref<!tpu.dma_semaphore, #tpu.memory_space<semaphore_mem>>
      %dma_start3A_264 = arith.constant 0 : i32
      %dma_start3A_265 = tpu.memref_slice %arg5[%select_n3A, %mul3A_32, %mul3A_251, %dma_start3A_264] : memref<4x128x256x256xf32, #tpu.memory_space<hbm>> -> memref<1x16x4x256xf32, #tpu.memory_space<hbm>>
      %dma_start3A_266 = tpu.memref_squeeze %dma_start3A_265 : memref<1x16x4x256xf32, #tpu.memory_space<hbm>> -> memref<16x4x256xf32, #tpu.memory_space<hbm>>
      %dma_start3A_267 = arith.constant 0 : i32
      %dma_start3A_268 = arith.constant 0 : i32
      %dma_start3A_269 = arith.constant 0 : i32
      %dma_start3A_270 = tpu.memref_slice %arg8[%dma_start3A_252, %dma_start3A_267, %dma_start3A_268, %dma_start3A_269] : memref<2x16x5x257xf32, #tpu.memory_space<vmem>> -> memref<1x16x4x256xf32, #tpu.memory_space<vmem>>
      %dma_start3A_271 = tpu.memref_squeeze %dma_start3A_270 : memref<1x16x4x256xf32, #tpu.memory_space<vmem>> -> memref<16x4x256xf32, #tpu.memory_space<vmem>>
      tpu.enqueue_dma source(%dma_start3A_271 : memref<16x4x256xf32, #tpu.memory_space<vmem>>) target(%dma_start3A_266 : memref<16x4x256xf32, #tpu.memory_space<hbm>>) target_semaphore(%dma_start3A_263 : memref<!tpu.dma_semaphore, #tpu.memory_space<semaphore_mem>>)
    }
    %scan3A_68 = arith.constant 32 : i32
    %dma_wait3A = arith.constant 0 : i32
    %dma_wait3A_69 = arith.constant 0 : i32
    %dma_wait3A_70 = arith.constant 0 : i32
    %dma_wait3A_71 = arith.constant 0 : i32
    %dma_wait3A_72 = arith.constant 0 : i32
    %dma_wait3A_73 = tpu.memref_slice %arg8[%dma_wait3A, %dma_wait3A_70, %dma_wait3A_71, %dma_wait3A_72] : memref<2x16x5x257xf32, #tpu.memory_space<vmem>> -> memref<1x16x4x256xf32, #tpu.memory_space<vmem>>
    %dma_wait3A_74 = tpu.memref_squeeze %dma_wait3A_73 : memref<1x16x4x256xf32, #tpu.memory_space<vmem>> -> memref<16x4x256xf32, #tpu.memory_space<vmem>>
    %dma_wait3A_75 = arith.constant 248 : i32
    %dma_wait3A_76 = arith.constant 0 : i32
    %dma_wait3A_77 = tpu.memref_slice %arg5[%select_n3A, %mul3A_32, %dma_wait3A_75, %dma_wait3A_76] : memref<4x128x256x256xf32, #tpu.memory_space<hbm>> -> memref<1x16x4x256xf32, #tpu.memory_space<hbm>>
    %dma_wait3A_78 = tpu.memref_squeeze %dma_wait3A_77 : memref<1x16x4x256xf32, #tpu.memory_space<hbm>> -> memref<16x4x256xf32, #tpu.memory_space<hbm>>
    %dma_wait3A_79 = tpu.memref_slice %arg11[%dma_wait3A_69] : memref<2x!tpu.dma_semaphore, #tpu.memory_space<semaphore_mem>> -> memref<1x!tpu.dma_semaphore, #tpu.memory_space<semaphore_mem>>
    %dma_wait3A_80 = tpu.memref_squeeze %dma_wait3A_79 : memref<1x!tpu.dma_semaphore, #tpu.memory_space<semaphore_mem>> -> memref<!tpu.dma_semaphore, #tpu.memory_space<semaphore_mem>>
    %dma_wait3A_81 = arith.constant 248 : i32
    %dma_wait3A_82 = arith.constant 0 : i32
    %dma_wait3A_83 = tpu.memref_slice %arg5[%select_n3A, %mul3A_32, %dma_wait3A_81, %dma_wait3A_82] : memref<4x128x256x256xf32, #tpu.memory_space<hbm>> -> memref<1x16x4x256xf32, #tpu.memory_space<hbm>>
    %dma_wait3A_84 = tpu.memref_squeeze %dma_wait3A_83 : memref<1x16x4x256xf32, #tpu.memory_space<hbm>> -> memref<16x4x256xf32, #tpu.memory_space<hbm>>
    %dma_wait3A_85 = arith.constant 0 : i32
    %dma_wait3A_86 = arith.constant 0 : i32
    %dma_wait3A_87 = arith.constant 0 : i32
    %dma_wait3A_88 = tpu.memref_slice %arg8[%dma_wait3A, %dma_wait3A_85, %dma_wait3A_86, %dma_wait3A_87] : memref<2x16x5x257xf32, #tpu.memory_space<vmem>> -> memref<1x16x4x256xf32, #tpu.memory_space<vmem>>
    %dma_wait3A_89 = tpu.memref_squeeze %dma_wait3A_88 : memref<1x16x4x256xf32, #tpu.memory_space<vmem>> -> memref<16x4x256xf32, #tpu.memory_space<vmem>>
    tpu.wait_dma2 semaphore(%dma_wait3A_80 : memref<!tpu.dma_semaphore, #tpu.memory_space<semaphore_mem>>) src(%dma_wait3A_89 : memref<16x4x256xf32, #tpu.memory_space<vmem>>) dst(%dma_wait3A_84 : memref<16x4x256xf32, #tpu.memory_space<hbm>>)
    %dma_wait3A_90 = arith.constant 1 : i32
    %dma_wait3A_91 = arith.constant 1 : i32
    %dma_wait3A_92 = arith.constant 0 : i32
    %dma_wait3A_93 = arith.constant 0 : i32
    %dma_wait3A_94 = arith.constant 0 : i32
    %dma_wait3A_95 = tpu.memref_slice %arg8[%dma_wait3A_90, %dma_wait3A_92, %dma_wait3A_93, %dma_wait3A_94] : memref<2x16x5x257xf32, #tpu.memory_space<vmem>> -> memref<1x16x4x256xf32, #tpu.memory_space<vmem>>
    %dma_wait3A_96 = tpu.memref_squeeze %dma_wait3A_95 : memref<1x16x4x256xf32, #tpu.memory_space<vmem>> -> memref<16x4x256xf32, #tpu.memory_space<vmem>>
    %dma_wait3A_97 = arith.constant 252 : i32
    %dma_wait3A_98 = arith.constant 0 : i32
    %dma_wait3A_99 = tpu.memref_slice %arg5[%select_n3A, %mul3A_32, %dma_wait3A_97, %dma_wait3A_98] : memref<4x128x256x256xf32, #tpu.memory_space<hbm>> -> memref<1x16x4x256xf32, #tpu.memory_space<hbm>>
    %dma_wait3A_100 = tpu.memref_squeeze %dma_wait3A_99 : memref<1x16x4x256xf32, #tpu.memory_space<hbm>> -> memref<16x4x256xf32, #tpu.memory_space<hbm>>
    %dma_wait3A_101 = tpu.memref_slice %arg11[%dma_wait3A_91] : memref<2x!tpu.dma_semaphore, #tpu.memory_space<semaphore_mem>> -> memref<1x!tpu.dma_semaphore, #tpu.memory_space<semaphore_mem>>
    %dma_wait3A_102 = tpu.memref_squeeze %dma_wait3A_101 : memref<1x!tpu.dma_semaphore, #tpu.memory_space<semaphore_mem>> -> memref<!tpu.dma_semaphore, #tpu.memory_space<semaphore_mem>>
    %dma_wait3A_103 = arith.constant 252 : i32
    %dma_wait3A_104 = arith.constant 0 : i32
    %dma_wait3A_105 = tpu.memref_slice %arg5[%select_n3A, %mul3A_32, %dma_wait3A_103, %dma_wait3A_104] : memref<4x128x256x256xf32, #tpu.memory_space<hbm>> -> memref<1x16x4x256xf32, #tpu.memory_space<hbm>>
    %dma_wait3A_106 = tpu.memref_squeeze %dma_wait3A_105 : memref<1x16x4x256xf32, #tpu.memory_space<hbm>> -> memref<16x4x256xf32, #tpu.memory_space<hbm>>
    %dma_wait3A_107 = arith.constant 0 : i32
    %dma_wait3A_108 = arith.constant 0 : i32
    %dma_wait3A_109 = arith.constant 0 : i32
    %dma_wait3A_110 = tpu.memref_slice %arg8[%dma_wait3A_90, %dma_wait3A_107, %dma_wait3A_108, %dma_wait3A_109] : memref<2x16x5x257xf32, #tpu.memory_space<vmem>> -> memref<1x16x4x256xf32, #tpu.memory_space<vmem>>
    %dma_wait3A_111 = tpu.memref_squeeze %dma_wait3A_110 : memref<1x16x4x256xf32, #tpu.memory_space<vmem>> -> memref<16x4x256xf32, #tpu.memory_space<vmem>>
    tpu.wait_dma2 semaphore(%dma_wait3A_102 : memref<!tpu.dma_semaphore, #tpu.memory_space<semaphore_mem>>) src(%dma_wait3A_111 : memref<16x4x256xf32, #tpu.memory_space<vmem>>) dst(%dma_wait3A_106 : memref<16x4x256xf32, #tpu.memory_space<hbm>>)
    return
  }
}

</mosaic_0001>

<sc_bundles>
// kernel: kernel.3.cloned.1.call-start
scs
__scs_entry_jumppad:
0x0: {  	(pc) =	sbr.rel $0x88, $3  }
0x1: {  	(tag) =	ssettag $0x0;
	lr =	simm.s32 $0x1  }
0x2: {  	[smem:$0x3F9E] =	sst lr;
	_ =	strace $0xD0000000  }
0x3: {  	_ = 	snop  }
0x4: {  	_ = 	snop  }
0x5: {  	_ = 	snop  }
0x6: {  	_ = 	snop  }
0x7: {  	_ = 	snop  }
__scs_overlays_trampoline_lowered:
0x8: {  	[smem:$0x3FAD] =	sst s0  }
0x9: {  	[smem:$0x3FAE] =	sst s1  }
0xa: {  	[smem:$0x3FAF] =	sst s2  }
0xb: {  	[smem:$0x3FB0] =	sst s3  }
0xc: {  	[smem:$0x3FB1] =	sst s4  }
0xd: {  	[smem:$0x3FB2] =	sst s5  }
0xe: {  	[smem:$0x3FB3] =	sst s6  }
0xf: {  	[smem:$0x3FB4] =	sst s7  }
0x10: {  	[smem:$0x3FB5] =	sst s8  }
0x11: {  	[smem:$0x3FB6] =	sst s9;
	s0 =	simm.s32 @!p0 $0x0  }
0x12: {  	s1 =	sld [smem:$0x3F9C];
	s0 =	simm.s32 @p0 $0x1  }
0x13: {  	[smem:$0x3FB7] =	sst s0;
	s0 =	simm.s32 @!p1 $0x0  }
0x14: {  	s2 =	sld [smem:$0x3F9B];
	s0 =	simm.s32 @p1 $0x1  }
0x15: {  	[smem:$0x3FB8] =	sst s0;
	s0 =	simm.s32 @!p2 $0x0  }
0x16: {  	s3 =	sld [smem:$0x3FDB];
	s0 =	simm.s32 @p2 $0x1  }
0x17: {  	s4 =	simm.s32 $0x1BF5;
	[smem:$0x3FBA] =	sst s0  }
0x18: {  	s0 =	sld [smem:$0x3F9D];
	_ =	swait.ge [sflag:s4], $0x0  }
0x19: {  	s7 =	sld [smem:$0x3F9E]  }
0x1a: {  	s8 =	sadd.s32 $0xFFFFE003, lr  }
0x1b: {  	s9 =	sadd.s32 $0xFFFFFEF7, lr;
	s5 =	simm.s32 $0xFFFFFFFF;
	p2 =	slt.u32 s8, $0xFFFFF086  }
0x1c: {  	p1 =	slt.u32 s9, $0xF7A;
	s5 =	simm.s32 @!p2 $0x0  }
0x1d: {  	s5 =	simm.s32 @p1 $0x1;
	p0 =	seq.s32 s7, s2  }
0x1e: {  	s7 =	smul.u32 @!p0 $0xF7A, s2;
	p2 =	seq.s32 @!p0 s5, $0x0  }
0x1f: {  	s9 =	smul.u32 $0xF7A, s1;
	s8 =	simm.s32 @!p0 $0x1BF5;
	p2 =	por !p2, p0  }
0x20: {  	[sflag:s8] =	ssyncset.s32 @!p0 $0xFFFFF086;
	s6 =	sadd.s32 @!p0 s3, s7;
	s7 =	simm.s32 @!p0 $0x108  }
0x21: {  	s3 =	sadd.s32 s3, s9;
	s6 =	sadd.s32 @!p0 $0x88, s6;
	s7 =	simm.s32 @p2 $0x1082  }
0x22: {  	[simem:s7], [sflag:s8] =	dma.local @!p0 [hbm:s6], $0xF7A  }
0x23: {  	s9 =	sor.u32 $0xD0000000, s2;
	s6 =	simm.s32 $0x108;
	_ =	swait.ge @!p0 [sflag:s8], $0x0  }
0x24: {  	s3 =	sadd.s32 $0x88, s3;
	s6 =	simm.s32 @!p1 $0x1082;
	[sflag:s4] =	ssyncset.s32 $0xFFFFF086  }
0x25: {  	[simem:s6], [sflag:s4] =	dma.local [hbm:s3], $0xF7A  }
0x26: {  	[smem:$0x3F9E] =	sst s1;
	(tag) =	ssettag s2;
	_ =	strace s9  }
0x27: {  	s1 =	sld [smem:$0x3FAE]  }
0x28: {  	s2 =	sld [smem:$0x3FAF]  }
0x29: {  	s4 =	sld [smem:$0x3FB1]  }
0x2a: {  	p0 =	seq.s32 s5, $0x0;
	s5 =	sld [smem:$0x3FB2]  }
0x2b: {  	s6 =	sld [smem:$0x3FB3]  }
0x2c: {  	s7 =	sld [smem:$0x3FB4]  }
0x2d: {  	s3 =	simm.s32 $0x108;
	s8 =	sld [smem:$0x3FB5]  }
0x2e: {  	s3 =	simm.s32 @!p0 $0x1082;
	s9 =	sld [smem:$0x3FB6]  }
0x2f: {  	lr =	sadd.s32 s0, s3;
	s0 =	sld [smem:$0x3FAD]  }
0x30: {  	s3 =	sld [smem:$0x3FB0]  }
0x31: {  	[smem:$0x3FB9] =	sst s10  }
0x32: {  	s10 =	sld [smem:$0x3FB7];
	_ =	sdelay $0x3  }
0x33: {  	p0 =	seq.s32 s10, $0x1;
	s10 =	sld [smem:$0x3FB9];
	_ =	sdelay $0x3  }
0x34: {  	[smem:$0x3FB9] =	sst s10  }
0x35: {  	s10 =	sld [smem:$0x3FB8];
	_ =	sdelay $0x3  }
0x36: {  	p1 =	seq.s32 s10, $0x1;
	s10 =	sld [smem:$0x3FB9];
	_ =	sdelay $0x3  }
0x37: {  	[smem:$0x3FB9] =	sst s10  }
0x38: {  	s10 =	sld [smem:$0x3FBA]  }
0x39: {  	_ = 	snop;
	(pc) =	sbr.ind lr, $3  }
0x3a: {  	_ = 	snop  }
0x3b: {  	_ = 	snop  }
0x3c: {  	p2 =	seq.s32 s10, $0x1;
	s10 =	sld [smem:$0x3FB9]  }
0x3d: {  	_ =	shalt  }
0x3e: {  	_ =	shalt  }
0x3f: {  	_ =	shalt  }
0x40: {  	_ =	shalt  }
0x41: {  	_ =	shalt  }
0x42: {  	_ =	shalt  }
0x43: {  	_ =	shalt  }
0x44: {  	_ =	shalt  }
0x45: {  	_ =	shalt  }
0x46: {  	_ =	shalt  }
0x47: {  	_ =	shalt  }
0x48: {  	_ =	shalt  }
0x49: {  	_ =	shalt  }
0x4a: {  	_ =	shalt  }
0x4b: {  	_ =	shalt  }
0x4c: {  	_ =	shalt  }
0x4d: {  	_ =	shalt  }
0x4e: {  	_ =	shalt  }
0x4f: {  	_ =	shalt  }
0x50: {  	_ =	shalt  }
0x51: {  	_ =	shalt  }
0x52: {  	_ =	shalt  }
0x53: {  	_ =	shalt  }
0x54: {  	_ =	shalt  }
0x55: {  	_ =	shalt  }
0x56: {  	_ =	shalt  }
0x57: {  	_ =	shalt  }
0x58: {  	_ =	shalt  }
0x59: {  	_ =	shalt  }
0x5a: {  	_ =	shalt  }
0x5b: {  	_ =	shalt  }
0x5c: {  	_ =	shalt  }
0x5d: {  	_ =	shalt  }
0x5e: {  	_ =	shalt  }
0x5f: {  	_ =	shalt  }
0x60: {  	_ =	shalt  }
0x61: {  	_ =	shalt  }
0x62: {  	_ =	shalt  }
0x63: {  	_ =	shalt  }
0x64: {  	_ =	shalt  }
0x65: {  	_ =	shalt  }
0x66: {  	_ =	shalt  }
0x67: {  	_ =	shalt  }
0x68: {  	_ =	shalt  }
0x69: {  	_ =	shalt  }
0x6a: {  	_ =	shalt  }
0x6b: {  	_ =	shalt  }
0x6c: {  	_ =	shalt  }
0x6d: {  	_ =	shalt  }
0x6e: {  	_ =	shalt  }
0x6f: {  	_ =	shalt  }
0x70: {  	_ =	shalt  }
0x71: {  	_ =	shalt  }
0x72: {  	_ =	shalt  }
0x73: {  	_ =	shalt  }
0x74: {  	_ =	shalt  }
0x75: {  	_ =	shalt  }
0x76: {  	_ =	shalt  }
0x77: {  	_ =	shalt  }
0x78: {  	_ =	shalt  }
0x79: {  	_ =	shalt  }
0x7a: {  	_ =	shalt  }
0x7b: {  	_ =	shalt  }
0x7c: {  	_ =	shalt  }
0x7d: {  	_ =	shalt  }
0x7e: {  	_ =	shalt  }
0x7f: {  	_ =	shalt  }
0x80: {  	_ =	shalt  }
0x81: {  	_ =	shalt  }
0x82: {  	_ =	shalt  }
0x83: {  	_ =	shalt  }
0x84: {  	_ =	shalt  }
0x85: {  	_ =	shalt  }
0x86: {  	_ =	shalt  }
0x87: {  	_ =	shalt  }
.Lfunc_end0:
.L_simem_size_0:
called_computation_lowered:
.L_overlay_start_0:
0x88: {  	s2 =	sld [smem:$0x3FD9]  }
0x89: {  	s3 =	sld [smem:$0x3FFE];
	_ =	sdelay $0x1  }
0x8a: {  	s1 =	srdreg.scid  }
0x8b: {  	s0 =	sand.u32 $0x1, s1  }
0x8c: {  	s17 =	sshll.u32 s0, $0xA;
	s2 =	sadd.s32 s3, s2  }
0x8d: {  	s2 =	sadd.s32 s2, s17  }
0x8e: {  	[smem:$0x3FC5] =	sst s2  }
0x8f: {  	_ = 	snop  }
0x90: {  	s2 =	sld [smem:$0x3FC9]  }
0x91: {  	s18 =	sld [smem:$0x3FC7]  }
0x92: {  	s4 =	sld [smem:$0x3FD0];
	(tm) =	ssettm $0x1  }
0x93: {  	s5 =	sld [smem:$0x3FFB];
	_ =	sdelay $0x3  }
0x94: {  	_ =	strace s5  }
0x95: {  	s5 =	sld [smem:$0x3FFC];
	_ =	sdelay $0x3  }
0x96: {  	_ =	strace s5  }
0x97: {  	s5 =	sld [smem:$0x3FFD];
	_ =	sdelay $0x3  }
0x98: {  	_ =	strace s5  }
0x99: {  	_ =	strace $0x8FFFFFFF  }
0x9a: {  	s19 =	sld [smem:$0x3FDB];
	_ =	sdelay $0x1  }
0x9b: {  	s6 =	simm.s32 $_scs_section_size  }
0x9c: {  	s7 =	simm.s32 $_size__tile_overlayer_lowered;
	s8 =	simm.s32 $_tile_overlayer_lowered  }
0x9d: {  	s22 =	simm.s32 $0x1BFF;
	s21 =	sshll.u32 s8, $0x1;
	s5 =	sadd.s32 s6, s19  }
0x9e: {  	s9 =	simm.s32 $0x0;
	s20 =	sshll.u32 s7, $0x1;
	s7 =	sadd.s32 s21, s5  }
0x9f: {  	[timem:s9], [sflag:s22] =	dma.local [hbm:s7], s20  }
0xa0: {  	_ =	swait.ge [sflag:s22], s20  }
0xa1: {  	s6 =	ssub.s32 $0x0, s20;
	[sflag:s22] =	ssyncset.done $0x0  }
0xa2: {  	[sflag:s22] =	ssyncadd.s32 s6;
	_ =	sdelay $0x1  }
0xa3: {  	s23 =	simm.s32 $0x1B8B  }
0xa4: {  	_ =	swait.ge [sflag:s23], $0x1  }
0xa5: {  	[sflag:s23] =	ssyncset.done $0x0  }
0xa6: {  	s25 =	simm.s32 $0x1B8E;
	s24 =	sld [smem:$0x3FFE];
	[sflag:s23] =	ssyncadd.s32 $0xFFFFFFFF  }
0xa7: {  	s26 =	simm.s32 $execute0_lowered;
	[smem:$0x3FD2] =	sst s25  }
0xa8: {  	s7 =	sshll.u32 s26, $0x1;
	_ =	strace $0x80000046;
	[dreg:$0x1] =	wrdreg $0xFFFFFFFF  }
0xa9: {  	s28 =	simm.s32 $_size_execute0_lowered;
	s5 =	sadd.s32 s5, s7;
	[dreg:$0x0] =	wrdreg $0x0  }
0xaa: {  	s7 =	sshll.u32 s28, $0x1;
	[dreg:$0x2] =	wrdreg s5  }
0xab: {  	[dreg:$0x3] =	wrdreg s7  }
0xac: {  	[dreg:$0x4] =	wrdreg $0xC0  }
0xad: {  	_ =	task [dreg:s9], $0x5FFFF  }
0xae: {  	[dreg:$0x1] =	wrdreg $0xFFFFFFFF  }
0xaf: {  	[dreg:$0x0] =	wrdreg $0x60  }
0xb0: {  	[dreg:$0x2] =	wrdreg s2  }
0xb1: {  	[dreg:$0x3] =	wrdreg s4  }
0xb2: {  	[dreg:$0x4] =	wrdreg s18  }
0xb3: {  	[dreg:$0x5] =	wrdreg s24  }
0xb4: {  	[dreg:$0x6] =	wrdreg $0x9  }
0xb5: {  	_ =	task.clear_ibuf [dreg:s9], $0x7FFFF;
	_ =	strace $0x90000046  }
0xb6: {  	s29 =	simm.s32 $0x9;
	_ =	strace $0x80000048  }
0xb7: {  	_ =	swait.ge [sflag:s29], $0x1  }
0xb8: {  	[sflag:s29] =	ssyncadd.s32 $0xFFFFFFFF  }
0xb9: {  	_ =	strace $0x90000048  }
0xba: {  	_ =	sfence  }
0xbb: {  	s30 =	sld [smem:$0x0];
	_ =	sdelay $0x2  }
0xbc: {  	s31 =	sshll.u32 s1, $0xD;
	s1 =	sshrl.u32 s1, $0x2  }
0xbd: {  	s3 =	sand.u32 $0x4000, s31;
	s1 =	sadd.s32 s1, s30  }
0xbe: {  	s0 =	sor.u32 s3, s0;
	s1 =	sshll.u32 s1, $0x11  }
0xbf: {  	s0 =	sor.u32 s1, s0  }
0xc0: {  	s0 =	sadd.s32 $0x8F2B, s0  }
0xc1: {  	[sflag:s0] =	ssyncadd.remote.s32 $0x1  }
0xc2: {  	_ =	sfence.sel $0xFFFF  }
0xc3: {  	[dreg:$0x0] =	wrdreg $0xFFFFFFFF;
	(pc) =	sbr.abs _section_cstart, $3  }
0xc4: {  	[dreg:$0x1] =	wrdreg $0xFFFFFFFF  }
0xc5: {  	_ =	task.clear_ibuf [dreg:s9], $0x2FFFF;
	_ =	strace $0x9FFFFFFF  }
0xc6: {  	(tm) =	ssettm $0x7FFFFFFF  }
0xc7: {  	_ =	shalt  }
tec
execute0_lowered:
.L_overlay_start_1:
0x0: {  	(tag) =	ssettag $0x1  }
0x1: {  	s0 =	rddreg [dreg:$0x0];
	v0 =	vlaneseq.u32  }
0x2: {  	s2 =	rddreg [dreg:$0x1];
	v1 =	vmul.u32 $0x528, v0  }
0x3: {  	s1 =	rddreg [dreg:$0x2];
	s3 =	simm.s32 $0x0  }
0x4: {  	[smem:$0x7FF] =	sst s3;
	v57 =	vor.u32 $0x1, v1  }
0x5: {  	s4 =	rddreg [dreg:$0x3];
	_ =	strace $0x80000047;
	v58 =	vor.u32 $0x2, v1;
	[tilespmem:$0x1FF10] =	vst v57  }
0x6: {  	v59 =	vor.u32 $0x3, v1;
	[tilespmem:$0x1FF20] =	vst v58  }
0x7: {  	s5 =	srdreg.scid;
	s9 =	stileid.u32;
	s14 =	simm.s32 $0x5;
	v60 =	vor.u32 $0x4, v1;
	[tilespmem:$0x1FF30] =	vst v59  }
0x8: {  	s15 =	simm.s32 $0x10;
	s16 =	simm.s32 $0x80;
	s18 =	simm.s32 $0xC000;
	v61 =	vor.u32 $0x5, v1;
	[tilespmem:$0x1FF40] =	vst v60  }
0x9: {  	s19 =	simm.s32 $0x1;
	s20 =	simm.s32 $0x10000;
	s21 =	simm.s32 $0x2;
	v62 =	vor.u32 $0x6, v1;
	[tilespmem:$0x1FF50] =	vst v61  }
0xa: {  	s22 =	simm.s32 $0x15280;
	s23 =	simm.s32 $0x3;
	s5 =	sand.u32 $0x1, s5;
	v8 =	vor.u32 $0x7, v1;
	[tilespmem:$0x1FF60] =	vst v62  }
0xb: {  	s6 =	sshll.u32 s9, $0x1;
	s4 =	sadd.s32 $0x400, s4;
	s11 =	sshrl.u32 s9, $0x2;
	v9 =	vadd.s32 $0x108, v1;
	[tilespmem:$0x1FF70] =	vst v8  }
0xc: {  	s7 =	ssub.s32 $0x2, s5;
	s6 =	sand.u32 $0x6, s6;
	s24 =	sshll.u32 s11, $0x12;
	v10 =	vadd.s32 $0x109, v1;
	[tilespmem:$0x1FF80] =	vst v9  }
0xd: {  	s25 =	sshll.u32 s11, $0x1;
	s30 =	sshll.u32 s11, $0x17;
	s8 =	sshrl.u32 s7, $0x1;
	v14 =	vadd.s32 $0x10A, v1;
	[tilespmem:$0x1FF90] =	vst v10  }
0xe: {  	s12 =	sor.u32 s5, s6;
	s5 =	sadd.s32 s2, s25;
	v13 =	vadd.s32 $0x10B, v1;
	s25 =	simm.s32 $0x0;
	[tilespmem:$0x1FFA0] =	vst v14  }
.Ltmp0:
0xf: {  	v15 =	vadd.s32 $0x10C, v1;
	s13 =	ssub.s32 s7, s8;
	s10 =	sshll.u32 s12, $0x4;
	[tilespmem:$0x1FFB0] =	vst v13;
	(pc) =	sbr.rel .LBB2_1-.Ltmp0, $4  }
0x10: {  	v16 =	vadd.s32 $0x10D, v1;
	s28 =	sshll.u32 s12, $0x1;
	s31 =	sshll.u32 s12, $0x14;
	[tilespmem:$0x1FFC0] =	vst v15;
	s26 =	sor.u32 s24, s10  }
0x11: {  	v17 =	vadd.s32 $0x10E, v1;
	[tilespmem:$0x1FFD0] =	vst v16;
	s6 =	sadd.s32 s1, s28;
	s9 =	sor.u32 $0x40000, s10;
	s10 =	sor.u32 $0x60000, s10  }
0x12: {  	v3 =	vimm.s32 $0x0;
	vm0 =	vcmask $0x300;
	v18 =	vadd.s32 $0x10F, v1;
	[tilespmem:$0x1FFE0] =	vst v17;
	s11 =	sor.u32 s30, s31;
	s12 =	smax.u32 s13, $0x1;
	s29 =	sshrl.u32 s26, $0x3  }
0x13: {  	v2 =	vor.u32 $0x10, v0;
	v3 =	vsel vm0, $0x3, v3;
	[tilespmem:$0x1FFF0] =	vst v18;
	s24 =	simm.s32 $0x4;
	s8 =	sadd.s32 $0x4000, s6;
	s7 =	sadd.s32 s0, s29  }
.LBB2_47:
0x14: {  	s25 =	sadd.s32 $0x1, s25  }
0x15: {  	_ =	swait.ge [sflag:s23], $0x4000;
	p0 =	sne.s32 s25, s12  }
.Ltmp1:
0x16: {  	[sflag:s23] =	ssyncset.done $0x0;
	(pc) =	sbr.rel @!p0 .LBB2_48-.Ltmp1, $4  }
0x17: {  	[sflag:s23] =	ssyncadd.s32 $0xFFFFC000  }
0x18: {  	_ =	swait.ge [sflag:s24], $0x4000  }
0x19: {  	[sflag:s24] =	ssyncset.done $0x0  }
0x1a: {  	[sflag:s24] =	ssyncadd.s32 $0xFFFFC000  }
.LBB2_1:
0x1b: {  	s0 =	simm.s32 $0x1A500  }
0x1c: {  	[tilespmem:s0], [sflag:$0x5] =	stream.linear.gather [hbm4b:s5+s3], $0x10, $0x38;
	[tilespmem:$0x1A510] =	vst v63  }
0x1d: {  	_ =	swait.ge [sflag:s14], $0x10  }
0x1e: {  	[sflag:s14] =	ssyncset.done $0x0  }
0x1f: {  	[sflag:s14] =	ssyncadd.s32 $0xFFFFFFF0  }
0x20: {  	[tilespmem:s3], [sflag:$0x5] =	stream.strided.gather [hbm4b:s7+s15], $0x8000, s16, s15, $0x38;
	[tilespmem:$0x1A510] =	vst v63  }
0x21: {  	_ =	swait.ge [sflag:s14], $0x8000  }
0x22: {  	[sflag:s14] =	ssyncset.done $0x0  }
0x23: {  	s31 =	simm.s32 $0x8000;
	[sflag:s14] =	ssyncadd.s32 $0xFFFF8000  }
0x24: {  	v19 =	vld [tilespmem:$0x1A500];
	[tilespmem:s31], [sflag:$0x1] =	stream.strided.gather [hbm4b:s6+s15], $0x4000, s16, s15, $0x38  }
0x25: {  	s26 =	simm.s32 $0x0  }
0x26: {  	[tilespmem:s18], [sflag:$0x2] =	stream.strided.gather [hbm4b:s8+s15], $0x4000, s16, s15, $0x38;
	[tilespmem:$0x1A510] =	vst v63  }
.LBB2_2:
0x27: {  	_ =	swait.ge [sflag:s19], $0x4000  }
0x28: {  	p0 =	seq.s32 s26, $0x0;
	[sflag:s19] =	ssyncset.done $0x0  }
0x29: {  	s0 =	simm.s32 @!p0 $0x3;
	[sflag:s19] =	ssyncadd.s32 $0xFFFFC000  }
0x2a: {  	_ =	swait.ge @!p0 [sflag:s0], $0x4000  }
0x2b: {  	[sflag:s0] =	ssyncset.done @!p0 $0x0  }
0x2c: {  	[sflag:s0] =	ssyncadd.s32 @!p0 $0xFFFFC000;
	s0 =	simm.s32 $0x8040  }
0x2d: {  	s2 =	simm.s32 $0x0;
	s31 =	simm.s32 $0x1;
	s13 =	simm.s32 $0x2;
	v4 =	vld [tilespmem:s0+$0x30]  }
0x2e: {  	s28 =	simm.s32 $0x3;
	s17 =	simm.s32 $0x4;
	v7 =	vmov s2;
	v12 =	vmov s31;
	v21 =	vmov s13  }
0x2f: {  	v22 =	vmov s28;
	s31 =	simm.s32 $0x5;
	v24 =	vmov s17;
	s17 =	simm.s32 $0x6;
	v7 =	vshrl.u32 v7, $0x3  }
0x30: {  	v25 =	vmov s31;
	v28 =	vmov s17;
	v12 =	vshrl.u32 v12, $0x3  }
0x31: {  	v21 =	vshrl.u32 v21, $0x3;
	v22 =	vshrl.u32 v22, $0x3;
	v24 =	vshrl.u32 v24, $0x3;
	v5 =	vld [tilespmem:s0+$0xFFFFFFD0]  }
0x32: {  	s31 =	simm.s32 $0x7;
	v7 =	vshll.u32 v7, v3;
	v39 =	vshrl.u32 v25, $0x3;
	v6 =	vld [tilespmem:s0+$0xFFFFFFE0];
	v4 =	vmul.f32 v4, v19  }
0x33: {  	v44 =	vmov s31;
	v12 =	vshll.u32 v12, v3;
	v21 =	vshll.u32 v21, v3;
	v11 =	vld [tilespmem:s0+$0xFFFFFFF0]  }
0x34: {  	v22 =	vshll.u32 v22, v3;
	v7 =	vbroadcast v7, $0x0;
	v27 =	vld [tilespmem:s0+$0xFFFFFFC0];
	v4 =	vadd.f32 $-1.000000000e+01, v4  }
0x35: {  	v44 =	vshrl.u32 v44, $0x3;
	v12 =	vbroadcast v12, $0x0;
	v21 =	vbroadcast v21, $0x0;
	v20 =	vld [tilespmem:s0+$0x0]  }
0x36: {  	v22 =	vbroadcast v22, $0x0;
	v44 =	vshll.u32 v44, v3;
	v23 =	vld [tilespmem:s0+$0x10];
	v29 =	vtrunc.f32 v4  }
0x37: {  	v24 =	vshll.u32 v24, v3;
	v26 =	vld [tilespmem:s0+$0x20];
	v44 =	vbroadcast v44, $0x0;
	v29 =	vcvt.f32.s32 v29  }
0x38: {  	v7 =	vadd.s32 v1, v7;
	v12 =	vadd.s32 v57, v12;
	v5 =	vmul.f32 v5, v19  }
0x39: {  	v6 =	vmul.f32 v6, v19;
	v27 =	vmul.f32 v27, v19;
	v31 =	vshll.u32 v29, $0x4  }
0x3a: {  	v11 =	vmul.f32 v11, v19;
	v20 =	vmul.f32 v20, v19;
	v33 =	vor.u32 v0, v31  }
0x3b: {  	v23 =	vmul.f32 v23, v19;
	v27 =	vadd.f32 $-1.000000000e+01, v27;
	v31 =	vadd.s32 v2, v31  }
0x3c: {  	v26 =	vmul.f32 v26, v19;
	v5 =	vadd.f32 $-1.000000000e+01, v5;
	v6 =	vadd.f32 $-1.000000000e+01, v6  }
0x3d: {  	v11 =	vadd.f32 $-1.000000000e+01, v11;
	v20 =	vadd.f32 $-1.000000000e+01, v20;
	v37 =	vtrunc.f32 v27  }
0x3e: {  	v23 =	vadd.f32 $-1.000000000e+01, v23;
	v30 =	vtrunc.f32 v5;
	v37 =	vcvt.f32.s32 v37  }
0x3f: {  	v26 =	vadd.f32 $-1.000000000e+01, v26;
	v32 =	vtrunc.f32 v6;
	v34 =	vtrunc.f32 v11;
	v33 =	vld.idx.msk [tilespmem:v33+s3+$0x0], $0xffff  }
0x40: {  	v35 =	vtrunc.f32 v20;
	v30 =	vcvt.f32.s32 v30;
	v25 =	vshll.u32 v37, $0x4;
	v31 =	vld.idx.msk [tilespmem:v31+s3+$0x0], $0xffff  }
0x41: {  	v36 =	vtrunc.f32 v23;
	v32 =	vcvt.f32.s32 v32;
	v47 =	vor.u32 v0, v25  }
0x42: {  	v38 =	vtrunc.f32 v26;
	v40 =	vshll.u32 v30, $0x4;
	v25 =	vadd.s32 v2, v25  }
0x43: {  	v41 =	vshll.u32 v32, $0x4;
	v29 =	vcvt.s32.f32 v29;
	v48 =	vor.u32 v0, v40  }
0x44: {  	v34 =	vcvt.f32.s32 v34;
	v40 =	vadd.s32 v2, v40;
	v55 =	vor.u32 v0, v41  }
0x45: {  	v41 =	vadd.s32 v2, v41;
	v4 =	vsub.f32 v4, v29;
	v29 =	vsub.f32 v31, v33  }
0x46: {  	v44 =	vadd.s32 v8, v44;
	v35 =	vcvt.f32.s32 v35;
	v36 =	vcvt.f32.s32 v36;
	v47 =	vld.idx.msk [tilespmem:v47+s3+$0x0], $0xffff  }
0x47: {  	v38 =	vcvt.f32.s32 v38;
	v42 =	vshll.u32 v34, $0x4;
	v25 =	vld.idx.msk [tilespmem:v25+s3+$0x0], $0xffff;
	v4 =	vmul.f32 v4, v29  }
0x48: {  	v43 =	vshll.u32 v35, $0x4;
	v45 =	vshll.u32 v36, $0x4;
	v49 =	vor.u32 v0, v42;
	v63 =	vld.idx.msk [tilespmem:v48+s3+$0x0], $0xffff  }
0x49: {  	v56 =	vcvt.s32.f32 v37;
	v42 =	vadd.s32 v2, v42;
	v40 =	vld.idx.msk [tilespmem:v40+s3+$0x0], $0xffff;
	v4 =	vadd.f32 v4, v33  }
0x4a: {  	v46 =	vshll.u32 v38, $0x4;
	v30 =	vcvt.s32.f32 v30;
	v52 =	vld.idx.msk [tilespmem:v41+s3+$0x0], $0xffff;
	v29 =	vor.u32 v0, v43  }
0x4b: {  	v43 =	vadd.s32 v2, v43;
	[tilespmem:v44+s20+$0x0] =	vst.idx.msk $0xffff, v4;
	v4 =	vsub.f32 v27, v56;
	v27 =	vcvt.s32.f32 v35  }
0x4c: {  	v32 =	vcvt.s32.f32 v32;
	v50 =	vor.u32 v0, v45;
	v45 =	vadd.s32 v2, v45;
	v31 =	vld.idx.msk [tilespmem:v55+s3+$0x0], $0xffff  }
0x4d: {  	v51 =	vor.u32 v0, v46;
	v54 =	vld.idx.msk [tilespmem:v49+s3+$0x0], $0xffff;
	v53 =	vsub.f32 v20, v27;
	v20 =	vsub.f32 v25, v47  }
0x4e: {  	v46 =	vadd.s32 v2, v46;
	v48 =	vcvt.s32.f32 v38;
	v55 =	vld.idx.msk [tilespmem:v42+s3+$0x0], $0xffff;
	v44 =	vcvt.s32.f32 v36  }
0x4f: {  	v5 =	vsub.f32 v5, v30;
	v29 =	vld.idx.msk [tilespmem:v29+s3+$0x0], $0xffff;
	v4 =	vmul.f32 v4, v20;
	v20 =	vsub.f32 v40, v63  }
0x50: {  	v34 =	vcvt.s32.f32 v34;
	v33 =	vsub.f32 v23, v44;
	v23 =	vsub.f32 v26, v48;
	v26 =	vld.idx.msk [tilespmem:v43+s3+$0x0], $0xffff  }
0x51: {  	v6 =	vsub.f32 v6, v32;
	v56 =	vld.idx.msk [tilespmem:v45+s3+$0x0], $0xffff;
	v5 =	vmul.f32 v5, v20;
	v20 =	vsub.f32 v52, v31  }
0x52: {  	v21 =	vadd.s32 v58, v21;
	v22 =	vadd.s32 v59, v22;
	v27 =	vld.idx.msk [tilespmem:v50+s3+$0x0], $0xffff;
	v4 =	vadd.f32 v4, v47  }
0x53: {  	v11 =	vsub.f32 v11, v34;
	v25 =	vld.idx.msk [tilespmem:v51+s3+$0x0], $0xffff;
	v5 =	vadd.f32 v5, v63;
	v6 =	vmul.f32 v6, v20  }
0x54: {  	v28 =	vshrl.u32 v28, $0x3;
	v20 =	vsub.f32 v55, v54;
	v63 =	vld.idx.msk [tilespmem:v46+s3+$0x0], $0xffff;
	[tilespmem:v7+s20+$0x0] =	vst.idx.msk $0xffff, v4;
	v4 =	vbroadcast v24, $0x0  }
0x55: {  	v7 =	vshll.u32 v39, v3;
	v24 =	vsub.f32 v26, v29;
	v6 =	vadd.f32 v6, v31  }
0x56: {  	v11 =	vmul.f32 v11, v20;
	[tilespmem:v12+s20+$0x0] =	vst.idx.msk $0xffff, v5;
	v20 =	vadd.s32 v60, v4;
	v5 =	vbroadcast v7, $0x0  }
0x57: {  	s29 =	simm.s32 $0x80C0;
	v7 =	vshll.u32 v28, v3;
	v12 =	vmul.f32 v53, v24;
	v28 =	vsub.f32 v56, v27  }
0x58: {  	v4 =	vld [tilespmem:s29+$0x30];
	v26 =	vadd.f32 v11, v54;
	[tilespmem:v21+s20+$0x0] =	vst.idx.msk $0xffff, v6;
	v21 =	vadd.s32 v61, v5;
	v11 =	vbroadcast v7, $0x0  }
0x59: {  	s30 =	simm.s32 $0x10;
	s28 =	sshll.u32 s26, $0x12;
	s0 =	simm.s32 $0x8;
	v5 =	vld [tilespmem:s29+$0xFFFFFFD0];
	v24 =	vadd.f32 v12, v29;
	v7 =	vmul.f32 v33, v28;
	v6 =	vsub.f32 v63, v25  }
.LBB2_3:
0x5a: {  	p1 =	slt.u32 s30, $0xF8;
	v12 =	vmov s0;
	v28 =	vld [tilespmem:s29+$0xFFFFFFE0];
	[tilespmem:v22+s20+$0x0] =	vst.idx.msk $0xffff, v26;
	v11 =	vadd.s32 v62, v11  }
0x5b: {  	s2 =	sadd.s32 $0x1, s0;
	s13 =	sadd.s32 $0x2, s0;
	s31 =	sadd.s32 $0x3, s0;
	v12 =	vshrl.u32 v12, $0x3;
	v22 =	vld [tilespmem:s29+$0xFFFFFFF0];
	[tilespmem:v20+s20+$0x0] =	vst.idx.msk $0xffff, v24;
	v7 =	vadd.f32 v7, v27;
	v6 =	vmul.f32 v23, v6  }
0x5c: {  	v20 =	vmov s2;
	v23 =	vmov s13;
	v24 =	vmov s31;
	s2 =	sadd.s32 $0x4, s0;
	v26 =	vld [tilespmem:s29+$0x0]  }
0x5d: {  	s13 =	sadd.s32 $0x6, s0;
	v27 =	vmov s2;
	s2 =	sadd.s32 $0x5, s0;
	v29 =	vld [tilespmem:s29+$0x10];
	v4 =	vmul.f32 v4, v19;
	[tilespmem:v21+s20+$0x0] =	vst.idx.msk $0xffff, v7;
	v6 =	vadd.f32 v6, v25  }
0x5e: {  	v7 =	vmov s2;
	v25 =	vmov s13;
	v5 =	vmul.f32 v5, v19;
	v21 =	vld [tilespmem:s29+$0x20]  }
0x5f: {  	v12 =	vshll.u32 v12, v3;
	v30 =	vld [tilespmem:s29+$0xFFFFFFC0];
	v28 =	vmul.f32 v28, v19;
	v4 =	vadd.f32 $-1.000000000e+01, v4;
	[tilespmem:v11+s20+$0x0] =	vst.idx.msk $0xffff, v6  }
0x60: {  	v6 =	vshrl.u32 v20, $0x3;
	v5 =	vadd.f32 $-1.000000000e+01, v5;
	v11 =	vmul.f32 v22, v19  }
0x61: {  	v20 =	vadd.f32 $-1.000000000e+01, v28;
	v22 =	vmul.f32 v26, v19;
	v26 =	vtrunc.f32 v4  }
0x62: {  	v11 =	vadd.f32 $-1.000000000e+01, v11;
	v28 =	vmul.f32 v29, v19;
	v26 =	vcvt.f32.s32 v26  }
0x63: {  	v29 =	vtrunc.f32 v5;
	v22 =	vadd.f32 $-1.000000000e+01, v22;
	v21 =	vmul.f32 v21, v19  }
0x64: {  	v30 =	vmul.f32 v30, v19;
	v28 =	vadd.f32 $-1.000000000e+01, v28;
	v31 =	vshll.u32 v26, $0x4  }
0x65: {  	v32 =	vtrunc.f32 v20;
	v21 =	vadd.f32 $-1.000000000e+01, v21;
	v33 =	vor.u32 v0, v31  }
0x66: {  	v34 =	vtrunc.f32 v11;
	v31 =	vadd.s32 v2, v31;
	v30 =	vadd.f32 $-1.000000000e+01, v30  }
0x67: {  	v23 =	vshrl.u32 v23, $0x3;
	v35 =	vtrunc.f32 v22;
	v36 =	vtrunc.f32 v28  }
0x68: {  	v24 =	vshrl.u32 v24, $0x3;
	v38 =	vtrunc.f32 v21;
	v37 =	vtrunc.f32 v30  }
0x69: {  	v39 =	vshrl.u32 v27, $0x3;
	v29 =	vcvt.f32.s32 v29;
	v37 =	vcvt.f32.s32 v37  }
0x6a: {  	v7 =	vshrl.u32 v7, $0x3;
	v27 =	vcvt.f32.s32 v32;
	v32 =	vcvt.f32.s32 v34;
	v33 =	vld.idx.msk [tilespmem:v33+s3+$0x0], $0xffff  }
0x6b: {  	v35 =	vcvt.f32.s32 v35;
	v36 =	vcvt.f32.s32 v36;
	v34 =	vshll.u32 v37, $0x4;
	v31 =	vld.idx.msk [tilespmem:v31+s3+$0x0], $0xffff  }
0x6c: {  	s2 =	sadd.s32 $0x7, s0;
	s0 =	smov.u32 s30;
	v40 =	vshll.u32 v29, $0x4;
	v41 =	vshll.u32 v27, $0x4;
	v38 =	vcvt.f32.s32 v38  }
0x6d: {  	v44 =	vmov s2;
	v42 =	vshll.u32 v32, $0x4;
	v43 =	vshll.u32 v35, $0x4  }
0x6e: {  	v44 =	vshrl.u32 v44, $0x3;
	v45 =	vshll.u32 v36, $0x4;
	v46 =	vshll.u32 v38, $0x4  }
0x6f: {  	v44 =	vshll.u32 v44, v3;
	v26 =	vcvt.s32.f32 v26;
	v47 =	vor.u32 v0, v34  }
0x70: {  	v44 =	vbroadcast v44, $0x0;
	v48 =	vor.u32 v0, v40;
	v34 =	vadd.s32 v2, v34  }
0x71: {  	v40 =	vadd.s32 v2, v40;
	v4 =	vsub.f32 v4, v26;
	v26 =	vsub.f32 v31, v33  }
0x72: {  	v44 =	vadd.s32 v8, v44;
	v31 =	vor.u32 v0, v41;
	v41 =	vadd.s32 v2, v41  }
0x73: {  	v49 =	vor.u32 v0, v42;
	v42 =	vadd.s32 v2, v42;
	v4 =	vmul.f32 v4, v26  }
0x74: {  	v50 =	vor.u32 v0, v45;
	v26 =	vld.idx.msk [tilespmem:v47+s3+$0x0], $0xffff;
	v47 =	vor.u32 v0, v43;
	v43 =	vadd.s32 v2, v43  }
0x75: {  	v45 =	vadd.s32 v2, v45;
	v51 =	vor.u32 v0, v46;
	v4 =	vadd.f32 v4, v33;
	v34 =	vld.idx.msk [tilespmem:v34+s3+$0x0], $0xffff  }
0x76: {  	v29 =	vcvt.s32.f32 v29;
	v46 =	vadd.s32 v2, v46;
	v33 =	vcvt.s32.f32 v37;
	v37 =	vld.idx.msk [tilespmem:v48+s3+$0x0], $0xffff  }
0x77: {  	v27 =	vcvt.s32.f32 v27;
	v32 =	vcvt.s32.f32 v32;
	v48 =	vshrl.u32 v25, $0x3;
	v40 =	vld.idx.msk [tilespmem:v40+s3+$0x0], $0xffff;
	[tilespmem:v44+s20+$0x0] =	vst.idx.msk $0xffff, v4  }
0x78: {  	v25 =	vcvt.s32.f32 v35;
	v4 =	vsub.f32 v30, v33;
	v30 =	vld.idx.msk [tilespmem:v31+s3+$0x0], $0xffff;
	v31 =	vcvt.s32.f32 v36  }
0x79: {  	v5 =	vsub.f32 v5, v29;
	v20 =	vsub.f32 v20, v27;
	v27 =	vcvt.s32.f32 v38;
	v29 =	vld.idx.msk [tilespmem:v41+s3+$0x0], $0xffff  }
0x7a: {  	v12 =	vbroadcast v12, $0x0;
	v11 =	vsub.f32 v11, v32;
	v33 =	vsub.f32 v22, v25;
	v32 =	vld.idx.msk [tilespmem:v49+s3+$0x0], $0xffff  }
0x7b: {  	v6 =	vshll.u32 v6, v3;
	v22 =	vsub.f32 v34, v26;
	v28 =	vsub.f32 v28, v31;
	v34 =	vld.idx.msk [tilespmem:v42+s3+$0x0], $0xffff  }
0x7c: {  	v6 =	vbroadcast v6, $0x0;
	v25 =	vshll.u32 v23, v3;
	v23 =	vsub.f32 v21, v27;
	v31 =	vld.idx.msk [tilespmem:v47+s3+$0x0], $0xffff  }
0x7d: {  	v12 =	vadd.s32 v1, v12;
	v4 =	vmul.f32 v4, v22;
	v21 =	vsub.f32 v40, v37;
	v35 =	vld.idx.msk [tilespmem:v43+s3+$0x0], $0xffff  }
0x7e: {  	v24 =	vshll.u32 v24, v3;
	v6 =	vadd.s32 v57, v6;
	v22 =	vbroadcast v25, $0x0;
	v27 =	vld.idx.msk [tilespmem:v50+s3+$0x0], $0xffff  }
0x7f: {  	v4 =	vadd.f32 v4, v26;
	v5 =	vmul.f32 v5, v21;
	v21 =	vsub.f32 v29, v30;
	v29 =	vld.idx.msk [tilespmem:v45+s3+$0x0], $0xffff  }
0x80: {  	v36 =	vadd.s32 v58, v22;
	v22 =	vbroadcast v24, $0x0;
	v24 =	vshll.u32 v39, v3;
	v25 =	vld.idx.msk [tilespmem:v51+s3+$0x0], $0xffff  }
0x81: {  	v5 =	vadd.f32 v5, v37;
	v20 =	vmul.f32 v20, v21;
	v21 =	vsub.f32 v34, v32;
	v34 =	vld.idx.msk [tilespmem:v46+s3+$0x0], $0xffff  }
0x82: {  	v7 =	vshll.u32 v7, v3;
	v22 =	vadd.s32 v59, v22;
	[tilespmem:v12+s20+$0x0] =	vst.idx.msk $0xffff, v4;
	v4 =	vbroadcast v24, $0x0  }
.Ltmp2:
0x83: {  	v12 =	vadd.f32 v20, v30;
	v11 =	vmul.f32 v11, v21;
	v21 =	vsub.f32 v35, v31;
	(pc) =	sbr.rel @p1 .LBB2_3-.Ltmp2, $4  }
0x84: {  	[tilespmem:v6+s20+$0x0] =	vst.idx.msk $0xffff, v5;
	v20 =	vadd.s32 v60, v4;
	v5 =	vbroadcast v7, $0x0;
	v6 =	vshll.u32 v48, v3  }
0x85: {  	s29 =	sadd.s32 $0x80, s29;
	v26 =	vadd.f32 v11, v32;
	v7 =	vmul.f32 v33, v21;
	v29 =	vsub.f32 v29, v27  }
0x86: {  	v11 =	vbroadcast v6, $0x0;
	v4 =	vld [tilespmem:s29+$0x30];
	[tilespmem:v36+s20+$0x0] =	vst.idx.msk $0xffff, v12;
	v21 =	vadd.s32 v61, v5  }
0x87: {  	s30 =	sadd.s32 $0x8, s30;
	v24 =	vadd.f32 v7, v31;
	v7 =	vmul.f32 v28, v29;
	v6 =	vsub.f32 v34, v25;
	v5 =	vld [tilespmem:s29+$0xFFFFFFD0]  }
0x88: {  	v28 =	vld [tilespmem:s29+$0xFFFFFFE0]  }
0x89: {  	v12 =	vmov s0;
	v29 =	vld [tilespmem:s29+$0xFFFFFFF0]  }
0x8a: {  	v11 =	vadd.s32 v62, v11;
	s2 =	sadd.s32 $0x1, s0;
	s13 =	sadd.s32 $0x2, s0;
	v30 =	vld [tilespmem:s29+$0x0];
	v12 =	vshrl.u32 v12, $0x3;
	v7 =	vadd.f32 v7, v27  }
0x8b: {  	s30 =	sadd.s32 $0x3, s0;
	v33 =	vld [tilespmem:s29+$0x10];
	s31 =	sadd.s32 $0x6, s0;
	v6 =	vmul.f32 v23, v6;
	v23 =	vmov s2;
	v27 =	vmov s13;
	s13 =	sadd.s32 $0x4, s0  }
0x8c: {  	v34 =	vld [tilespmem:s29+$0x20];
	v31 =	vmov s30;
	v35 =	vmov s31;
	v32 =	vmov s13  }
0x8d: {  	v36 =	vld [tilespmem:s29+$0xFFFFFFC0];
	v12 =	vshll.u32 v12, v3;
	v23 =	vshrl.u32 v23, $0x3;
	v27 =	vshrl.u32 v27, $0x3  }
0x8e: {  	s17 =	sadd.s32 $0x5, s0;
	v31 =	vshrl.u32 v31, $0x3;
	s13 =	sadd.s32 $0x7, s0;
	v4 =	vmul.f32 v4, v19;
	v6 =	vadd.f32 v6, v25  }
0x8f: {  	v25 =	vmov s17;
	v52 =	vmov s13;
	v5 =	vmul.f32 v5, v19  }
0x90: {  	v52 =	vshrl.u32 v52, $0x3;
	v28 =	vmul.f32 v28, v19;
	v29 =	vmul.f32 v29, v19  }
0x91: {  	v4 =	vadd.f32 $-1.000000000e+01, v4;
	v30 =	vmul.f32 v30, v19;
	v33 =	vmul.f32 v33, v19  }
0x92: {  	v34 =	vmul.f32 v34, v19;
	v36 =	vmul.f32 v36, v19;
	v52 =	vshll.u32 v52, v3  }
0x93: {  	[tilespmem:v22+s20+$0x0] =	vst.idx.msk $0xffff, v26;
	v5 =	vadd.f32 $-1.000000000e+01, v5;
	v22 =	vbroadcast v52, $0x0;
	v28 =	vadd.f32 $-1.000000000e+01, v28  }
0x94: {  	v37 =	vtrunc.f32 v4;
	v29 =	vadd.f32 $-1.000000000e+01, v29;
	v30 =	vadd.f32 $-1.000000000e+01, v30  }
0x95: {  	v36 =	vadd.f32 $-1.000000000e+01, v36;
	v37 =	vcvt.f32.s32 v37;
	v38 =	vtrunc.f32 v5  }
0x96: {  	v34 =	vadd.f32 $-1.000000000e+01, v34;
	v40 =	vtrunc.f32 v28;
	v42 =	vtrunc.f32 v29  }
0x97: {  	v32 =	vshrl.u32 v32, $0x3;
	v43 =	vtrunc.f32 v30;
	v45 =	vtrunc.f32 v36  }
0x98: {  	[tilespmem:v21+s20+$0x0] =	vst.idx.msk $0xffff, v7;
	v21 =	vshrl.u32 v35, $0x3;
	v46 =	vtrunc.f32 v34;
	v38 =	vcvt.f32.s32 v38  }
0x99: {  	v39 =	vshll.u32 v37, $0x4;
	v45 =	vcvt.f32.s32 v45;
	v40 =	vcvt.f32.s32 v40  }
0x9a: {  	v42 =	vcvt.f32.s32 v42;
	v43 =	vcvt.f32.s32 v43;
	v41 =	vor.u32 v0, v39  }
0x9b: {  	v46 =	vcvt.f32.s32 v46;
	v37 =	vcvt.s32.f32 v37;
	v39 =	vadd.s32 v2, v39  }
0x9c: {  	v48 =	vshll.u32 v38, $0x4;
	v47 =	vshll.u32 v45, $0x4;
	v49 =	vshll.u32 v40, $0x4  }
0x9d: {  	v50 =	vshll.u32 v42, $0x4;
	v4 =	vsub.f32 v4, v37;
	v37 =	vadd.s32 v2, v48  }
0x9e: {  	v51 =	vshll.u32 v43, $0x4;
	v55 =	vor.u32 v0, v47;
	v47 =	vadd.s32 v2, v47  }
0x9f: {  	v54 =	vshll.u32 v46, $0x4;
	v56 =	vor.u32 v0, v48;
	v48 =	vadd.s32 v2, v49;
	v41 =	vld.idx.msk [tilespmem:v41+s3+$0x0], $0xffff  }
0xa0: {  	v45 =	vcvt.s32.f32 v45;
	v63 =	vor.u32 v0, v49;
	v49 =	vor.u32 v0, v50;
	v39 =	vld.idx.msk [tilespmem:v39+s3+$0x0], $0xffff  }
0xa1: {  	[tilespmem:v20+s20+$0x0] =	vst.idx.msk $0xffff, v24;
	v20 =	vcvt.s32.f32 v38;
	v52 =	vor.u32 v0, v51;
	v24 =	vadd.s32 v2, v54  }
0xa2: {  	v36 =	vsub.f32 v36, v45;
	v45 =	vor.u32 v0, v54;
	v54 =	vcvt.s32.f32 v40;
	v37 =	vld.idx.msk [tilespmem:v37+s3+$0x0], $0xffff  }
0xa3: {  	v23 =	vshll.u32 v23, v3;
	v27 =	vshll.u32 v27, v3;
	v33 =	vadd.f32 $-1.000000000e+01, v33;
	v47 =	vld.idx.msk [tilespmem:v47+s3+$0x0], $0xffff  }
0xa4: {  	v31 =	vshll.u32 v31, v3;
	v5 =	vsub.f32 v5, v20;
	v20 =	vsub.f32 v28, v54;
	v28 =	vld.idx.msk [tilespmem:v48+s3+$0x0], $0xffff  }
0xa5: {  	[tilespmem:v11+s20+$0x0] =	vst.idx.msk $0xffff, v6;
	v11 =	vbroadcast v12, $0x0;
	v44 =	vtrunc.f32 v33;
	v12 =	vld.idx.msk [tilespmem:v49+s3+$0x0], $0xffff;
	v26 =	vsub.f32 v39, v41  }
0xa6: {  	v25 =	vshrl.u32 v25, $0x3;
	v44 =	vcvt.f32.s32 v44;
	v6 =	vcvt.s32.f32 v46;
	v46 =	vld.idx.msk [tilespmem:v52+s3+$0x0], $0xffff  }
0xa7: {  	v23 =	vbroadcast v23, $0x0;
	v4 =	vmul.f32 v4, v26;
	v26 =	vadd.s32 v2, v50;
	v50 =	vld.idx.msk [tilespmem:v55+s3+$0x0], $0xffff  }
0xa8: {  	v27 =	vbroadcast v27, $0x0;
	v53 =	vshll.u32 v44, $0x4;
	v51 =	vadd.s32 v2, v51;
	v55 =	vld.idx.msk [tilespmem:v56+s3+$0x0], $0xffff  }
0xa9: {  	v7 =	vcvt.s32.f32 v42;
	v24 =	vld.idx.msk [tilespmem:v24+s3+$0x0], $0xffff;
	v4 =	vadd.f32 v4, v41;
	v41 =	vor.u32 v0, v53  }
0xaa: {  	v31 =	vbroadcast v31, $0x0;
	v56 =	vld.idx.msk [tilespmem:v63+s3+$0x0], $0xffff;
	v63 =	vcvt.s32.f32 v43;
	v53 =	vadd.s32 v2, v53  }
0xab: {  	v32 =	vshll.u32 v32, v3;
	v21 =	vshll.u32 v21, v3;
	v7 =	vsub.f32 v29, v7;
	v52 =	vld.idx.msk [tilespmem:v45+s3+$0x0], $0xffff  }
0xac: {  	v22 =	vadd.s32 v8, v22;
	v29 =	vsub.f32 v30, v63;
	v30 =	vsub.f32 v47, v50;
	v26 =	vld.idx.msk [tilespmem:v26+s3+$0x0], $0xffff  }
0xad: {  	v11 =	vadd.s32 v1, v11;
	v44 =	vcvt.s32.f32 v44;
	v47 =	vld.idx.msk [tilespmem:v51+s3+$0x0], $0xffff;
	v48 =	vsub.f32 v37, v55  }
0xae: {  	v25 =	vshll.u32 v25, v3;
	v23 =	vadd.s32 v57, v23;
	v30 =	vmul.f32 v36, v30;
	v49 =	vld.idx.msk [tilespmem:v41+s3+$0x0], $0xffff  }
0xaf: {  	v33 =	vsub.f32 v33, v44;
	v6 =	vsub.f32 v34, v6;
	v51 =	vld.idx.msk [tilespmem:v53+s3+$0x0], $0xffff;
	v5 =	vmul.f32 v5, v48  }
0xb0: {  	v27 =	vadd.s32 v58, v27;
	v28 =	vsub.f32 v28, v56;
	v30 =	vadd.f32 v30, v50  }
0xb1: {  	v21 =	vbroadcast v21, $0x0;
	v24 =	vsub.f32 v24, v52;
	[tilespmem:v22+s20+$0x0] =	vst.idx.msk $0xffff, v4;
	v4 =	vadd.f32 v5, v55  }
0xb2: {  	v22 =	vbroadcast v32, $0x0;
	v20 =	vmul.f32 v20, v28;
	v26 =	vsub.f32 v26, v12;
	[tilespmem:v11+s20+$0x0] =	vst.idx.msk $0xffff, v30  }
0xb3: {  	v25 =	vbroadcast v25, $0x0;
	v5 =	vadd.s32 v59, v31;
	v11 =	vsub.f32 v47, v46;
	[tilespmem:v23+s20+$0x0] =	vst.idx.msk $0xffff, v4  }
0xb4: {  	v4 =	vadd.s32 v60, v22;
	v7 =	vmul.f32 v7, v26;
	v22 =	vsub.f32 v51, v49  }
0xb5: {  	v20 =	vadd.f32 v20, v56;
	v23 =	vadd.s32 v61, v25;
	v11 =	vmul.f32 v29, v11  }
0xb6: {  	v21 =	vadd.s32 v62, v21;
	v7 =	vadd.f32 v7, v12;
	v12 =	vmul.f32 v33, v22  }
0xb7: {  	v6 =	vmul.f32 v6, v24;
	[tilespmem:v27+s20+$0x0] =	vst.idx.msk $0xffff, v20;
	v11 =	vadd.f32 v11, v46  }
0xb8: {  	[tilespmem:v5+s20+$0x0] =	vst.idx.msk $0xffff, v7;
	v5 =	vadd.f32 v12, v49  }
0xb9: {  	[tilespmem:v4+s20+$0x0] =	vst.idx.msk $0xffff, v11;
	v4 =	vadd.f32 v6, v52  }
0xba: {  	[tilespmem:v23+s20+$0x0] =	vst.idx.msk $0xffff, v5  }
0xbb: {  	s17 =	simm.s32 $0x9070;
	[tilespmem:v21+s20+$0x0] =	vst.idx.msk $0xffff, v4  }
0xbc: {  	v4 =	vld [tilespmem:s17+$0x0]  }
0xbd: {  	v5 =	vld [tilespmem:s17+$0xFFFFFF90]  }
0xbe: {  	v6 =	vld [tilespmem:s17+$0xFFFFFFA0]  }
0xbf: {  	v7 =	vld [tilespmem:s17+$0xFFFFFFB0]  }
0xc0: {  	v11 =	vld [tilespmem:s17+$0xFFFFFFC0]  }
0xc1: {  	v12 =	vld [tilespmem:s17+$0xFFFFFFD0]  }
0xc2: {  	v20 =	vld [tilespmem:s17+$0xFFFFFFE0]  }
0xc3: {  	v21 =	vld [tilespmem:s17+$0xFFFFFFF0]  }
0xc4: {  	v4 =	vmul.f32 v4, v19  }
0xc5: {  	v5 =	vmul.f32 v5, v19;
	v6 =	vmul.f32 v6, v19  }
0xc6: {  	v7 =	vmul.f32 v7, v19;
	v11 =	vmul.f32 v11, v19  }
0xc7: {  	v12 =	vmul.f32 v12, v19;
	v20 =	vmul.f32 v20, v19;
	v4 =	vadd.f32 $-1.000000000e+01, v4  }
0xc8: {  	v21 =	vmul.f32 v21, v19;
	v5 =	vadd.f32 $-1.000000000e+01, v5;
	v6 =	vadd.f32 $-1.000000000e+01, v6  }
0xc9: {  	v7 =	vadd.f32 $-1.000000000e+01, v7;
	v12 =	vadd.f32 $-1.000000000e+01, v12;
	v22 =	vtrunc.f32 v4  }
0xca: {  	v20 =	vadd.f32 $-1.000000000e+01, v20;
	v23 =	vtrunc.f32 v5;
	v22 =	vcvt.f32.s32 v22  }
0xcb: {  	v24 =	vadd.f32 $-1.000000000e+01, v21;
	v26 =	vtrunc.f32 v6;
	v28 =	vtrunc.f32 v7  }
0xcc: {  	v29 =	vtrunc.f32 v12;
	v30 =	vtrunc.f32 v20;
	v25 =	vshll.u32 v22, $0x4  }
0xcd: {  	v31 =	vtrunc.f32 v24;
	v26 =	vcvt.f32.s32 v26;
	v27 =	vor.u32 v0, v25  }
0xce: {  	v28 =	vcvt.f32.s32 v28;
	v29 =	vcvt.f32.s32 v29;
	v21 =	vadd.s32 v2, v25  }
0xcf: {  	v11 =	vadd.f32 $-1.000000000e+01, v11;
	v30 =	vcvt.f32.s32 v30;
	v36 =	vcvt.f32.s32 v31  }
0xd0: {  	v23 =	vcvt.f32.s32 v23;
	v53 =	vshll.u32 v26, $0x4;
	v55 =	vshll.u32 v28, $0x4  }
0xd1: {  	v37 =	vshll.u32 v29, $0x4;
	v38 =	vshll.u32 v30, $0x4;
	v39 =	vshll.u32 v36, $0x4  }
0xd2: {  	v22 =	vcvt.s32.f32 v22;
	v25 =	vtrunc.f32 v11;
	v57 =	vor.u32 v0, v53;
	v27 =	vld.idx.msk [tilespmem:v27+s3+$0x0], $0xffff  }
0xd3: {  	v58 =	vadd.s32 v2, v53;
	v32 =	vcvt.f32.s32 v25;
	v25 =	vshll.u32 v23, $0x4;
	v54 =	vld.idx.msk [tilespmem:v21+s3+$0x0], $0xffff  }
0xd4: {  	s31 =	simm.s32 $0x0;
	v28 =	vcvt.s32.f32 v28;
	v59 =	vor.u32 v0, v55;
	v56 =	vor.u32 v0, v25  }
0xd5: {  	v60 =	vadd.s32 v2, v55;
	v25 =	vadd.s32 v2, v25;
	v21 =	vmov s31  }
0xd6: {  	v35 =	vor.u32 v0, v37;
	v34 =	vadd.s32 v2, v37;
	v21 =	vshrl.u32 v21, $0x3  }
0xd7: {  	v4 =	vsub.f32 v4, v22;
	v31 =	vshll.u32 v32, $0x4;
	v41 =	vld.idx.msk [tilespmem:v57+s3+$0x0], $0xffff;
	v21 =	vshll.u32 v21, $0x3  }
0xd8: {  	v62 =	vor.u32 v0, v31;
	v46 =	vld.idx.msk [tilespmem:v58+s3+$0x0], $0xffff;
	v21 =	vbroadcast v21, $0x0;
	v22 =	vsub.f32 v54, v27  }
0xd9: {  	v33 =	vor.u32 v0, v38;
	v23 =	vcvt.s32.f32 v23;
	v63 =	vadd.s32 v2, v31;
	v42 =	vld.idx.msk [tilespmem:v56+s3+$0x0], $0xffff  }
0xda: {  	p2 =	por $0x1, $0x1;
	v32 =	vcvt.s32.f32 v32;
	v61 =	vadd.s32 v18, v21;
	v4 =	vmul.f32 v4, v22;
	v22 =	vld.idx.msk [tilespmem:v25+s3+$0x0], $0xffff  }
.Ltmp3:
0xdb: {  	v45 =	vsub.f32 v7, v28;
	v50 =	vsub.f32 v5, v23;
	v23 =	vcvt.s32.f32 v30;
	v43 =	vld.idx.msk [tilespmem:v59+s3+$0x0], $0xffff;
	(pc) =	sbr.rel @!p2 .LBB2_5-.Ltmp3, $4  }
0xdc: {  	v5 =	vcvt.s32.f32 v29;
	v31 =	vadd.s32 v2, v38;
	v49 =	vld.idx.msk [tilespmem:v60+s3+$0x0], $0xffff;
	v44 =	vsub.f32 v11, v32  }
0xdd: {  	v51 =	vsub.f32 v20, v23;
	v32 =	vld.idx.msk [tilespmem:v62+s3+$0x0], $0xffff;
	v4 =	vadd.f32 v4, v27;
	v27 =	vcvt.s32.f32 v26  }
0xde: {  	s29 =	simm.s32 $0xFFFFFFF8;
	v47 =	vld.idx.msk [tilespmem:v63+s3+$0x0], $0xffff;
	v25 =	vor.u32 v0, v39;
	v26 =	vadd.s32 v2, v39;
	v39 =	vsub.f32 v12, v5  }
0xdf: {  	p1 =	por $0x0, $0x0;
	s30 =	simm.s32 $0xA070;
	s0 =	simm.s32 $0x90F0;
	v5 =	vcvt.s32.f32 v36;
	v48 =	vsub.f32 v6, v27;
	[tilespmem:v61+s20+$0x0] =	vst.idx.msk $0xffff, v4;
	v6 =	vsub.f32 v22, v42  }
0xe0: {  	v4 =	vld [tilespmem:s0+$0x0];
	_ =	sdelay $0x2  }
0xe1: {  	v7 =	vld [tilespmem:s0+$0xFFFFFF90]  }
0xe2: {  	v27 =	vld [tilespmem:s0+$0xFFFFFFC0]  }
0xe3: {  	v22 =	vadd.s32 v14, v21;
	v20 =	vsub.f32 v24, v5;
	v5 =	vld [tilespmem:s0+$0xFFFFFFA0];
	v4 =	vmul.f32 v4, v19  }
0xe4: {  	v24 =	vld [tilespmem:s0+$0xFFFFFFB0];
	v23 =	vsub.f32 v49, v43;
	[tilespmem:$0x1FED0] =	vst v22;
	v22 =	vadd.s32 v13, v21  }
0xe5: {  	[tilespmem:$0x1FEE0] =	vst v22;
	v4 =	vadd.f32 $-1.000000000e+01, v4  }
0xe6: {  	v29 =	vld [tilespmem:s0+$0xFFFFFFD0];
	v28 =	vmul.f32 v45, v23  }
0xe7: {  	v11 =	vsub.f32 v46, v41;
	v34 =	vld.idx.msk [tilespmem:v34+s3+$0x0], $0xffff;
	v57 =	vtrunc.f32 v4  }
0xe8: {  	v43 =	vadd.f32 v28, v43;
	v28 =	vld.idx.msk [tilespmem:v35+s3+$0x0], $0xffff;
	v35 =	vcvt.f32.s32 v57  }
0xe9: {  	v6 =	vmul.f32 v50, v6;
	v11 =	vmul.f32 v48, v11  }
0xea: {  	v36 =	vsub.f32 v47, v32;
	v7 =	vmul.f32 v7, v19;
	v59 =	vshll.u32 v35, $0x4  }
0xeb: {  	v50 =	vld [tilespmem:s0+$0xFFFFFFE0];
	v11 =	vadd.f32 v11, v41;
	v24 =	vmul.f32 v24, v19;
	v61 =	vor.u32 v0, v59  }
0xec: {  	v31 =	vld.idx.msk [tilespmem:v31+s3+$0x0], $0xffff;
	v36 =	vmul.f32 v44, v36;
	v53 =	vadd.f32 $-1.000000000e+01, v7;
	v41 =	vadd.s32 v2, v59  }
0xed: {  	v44 =	vadd.f32 $-1.000000000e+01, v24;
	v24 =	vmul.f32 v29, v19;
	v29 =	vld.idx.msk [tilespmem:v33+s3+$0x0], $0xffff;
	v7 =	vsub.f32 v34, v28  }
0xee: {  	v12 =	vadd.s32 v9, v21;
	v56 =	vld [tilespmem:s0+$0xFFFFFFF0];
	v27 =	vmul.f32 v27, v19;
	[tilespmem:$0x1FEF0] =	vst v39  }
0xef: {  	v30 =	vadd.s32 v10, v21;
	v58 =	vtrunc.f32 v53;
	[tilespmem:$0x1FF00] =	vst v7  }
0xf0: {  	v47 =	vadd.f32 $-1.000000000e+01, v27;
	v27 =	vmul.f32 v50, v19;
	v50 =	vcvt.f32.s32 v58;
	v45 =	vld.idx.msk [tilespmem:v61+s3+$0x0], $0xffff  }
0xf1: {  	v6 =	vadd.f32 v6, v42;
	v33 =	vld.idx.msk [tilespmem:v41+s3+$0x0], $0xffff  }
0xf2: {  	s0 =	simm.s32 $0x8;
	v55 =	vsub.f32 v31, v29;
	v31 =	vshll.u32 v50, $0x4  }
0xf3: {  	v49 =	vmov s0;
	[tilespmem:v12+s20+$0x0] =	vst.idx.msk $0xffff, v6;
	v6 =	vor.u32 v0, v31  }
0xf4: {  	v62 =	vtrunc.f32 v47;
	v35 =	vcvt.s32.f32 v35;
	[tilespmem:v30+s20+$0x0] =	vst.idx.msk $0xffff, v11;
	v11 =	vadd.s32 v2, v31  }
0xf5: {  	v32 =	vadd.f32 v36, v32;
	v36 =	vshrl.u32 v49, $0x3;
	v57 =	vcvt.f32.s32 v62  }
0xf6: {  	v12 =	vshll.u32 v36, $0x3;
	v36 =	vld.idx.msk [tilespmem:v25+s3+$0x0], $0xffff;
	v4 =	vsub.f32 v4, v35;
	v25 =	vsub.f32 v33, v45  }
0xf7: {  	v42 =	vshll.u32 v57, $0x4  }
0xf8: {  	v7 =	vor.u32 v0, v42;
	v40 =	vadd.s32 v2, v42;
	v42 =	vld.idx.msk [tilespmem:v6+s3+$0x0], $0xffff;
	v4 =	vmul.f32 v4, v25  }
0xf9: {  	v6 =	vld.idx.msk [tilespmem:v11+s3+$0x0], $0xffff  }
0xfa: {  	v11 =	vadd.f32 v4, v45;
	v4 =	vld [tilespmem:$0x1FED0];
	_ =	sdelay $0x5  }
0xfb: {  	v39 =	vadd.f32 $-1.000000000e+01, v24;
	v24 =	vmul.f32 v56, v19  }
0xfc: {  	v5 =	vmul.f32 v5, v19  }
0xfd: {  	v24 =	vadd.f32 $-1.000000000e+01, v24;
	[tilespmem:v4+s20+$0x0] =	vst.idx.msk $0xffff, v43  }
0xfe: {  	v5 =	vadd.f32 $-1.000000000e+01, v5;
	v30 =	vbroadcast v12, $0x0;
	v4 =	vld [tilespmem:$0x1FEE0]  }
0xff: {  	v22 =	vadd.s32 v15, v21;
	v38 =	vtrunc.f32 v24  }
0x100: {  	v60 =	vtrunc.f32 v5;
	v59 =	vcvt.f32.s32 v38;
	v38 =	vadd.s32 v18, v30  }
0x101: {  	v52 =	vadd.f32 $-1.000000000e+01, v27;
	v27 =	vtrunc.f32 v44;
	v54 =	vcvt.f32.s32 v60  }
0x102: {  	v23 =	vadd.s32 v16, v21;
	v56 =	vcvt.f32.s32 v27;
	v63 =	vtrunc.f32 v39  }
0x103: {  	v27 =	vadd.s32 v17, v21;
	v37 =	vtrunc.f32 v52;
	v48 =	vcvt.f32.s32 v63  }
0x104: {  	v58 =	vcvt.f32.s32 v37;
	v34 =	vshll.u32 v54, $0x4;
	v50 =	vcvt.s32.f32 v50  }
0x105: {  	v62 =	vld.idx.msk [tilespmem:v26+s3+$0x0], $0xffff;
	v54 =	vcvt.s32.f32 v54;
	v12 =	vor.u32 v0, v34;
	v46 =	vshll.u32 v48, $0x4;
	[tilespmem:v38+s20+$0x0] =	vst.idx.msk $0xffff, v11  }
0x106: {  	v41 =	vshll.u32 v56, $0x4;
	v61 =	vadd.s32 v2, v34;
	v11 =	vcvt.s32.f32 v48;
	[tilespmem:v4+s20+$0x0] =	vst.idx.msk $0xffff, v32;
	v32 =	vld.idx.msk [tilespmem:v7+s3+$0x0], $0xffff  }
0x107: {  	v49 =	vshll.u32 v58, $0x4;
	v50 =	vsub.f32 v53, v50;
	v63 =	vor.u32 v0, v41;
	v7 =	vld [tilespmem:$0x1FEF0]  }
0x108: {  	v35 =	vor.u32 v0, v46;
	v37 =	vadd.s32 v2, v41;
	v39 =	vsub.f32 v39, v11;
	v11 =	vld [tilespmem:$0x1FF00]  }
0x109: {  	p4 =	por $0x1, $0x1;
	v31 =	vadd.s32 v2, v49;
	v60 =	vshll.u32 v59, $0x4;
	v34 =	vadd.s32 v2, v46  }
.Ltmp4:
0x10a: {  	v26 =	vadd.s32 v2, v60;
	v41 =	vld.idx.msk [tilespmem:v12+s3+$0x0], $0xffff;
	v12 =	vcvt.s32.f32 v56;
	v33 =	vor.u32 v0, v49;
	(pc) =	sbr.rel @!p4 .LBB2_7-.Ltmp4, $4  }
0x10b: {  	v46 =	vld.idx.msk [tilespmem:v61+s3+$0x0], $0xffff;
	v61 =	vcvt.s32.f32 v57;
	v6 =	vsub.f32 v6, v42;
	v25 =	vor.u32 v0, v60  }
0x10c: {  	v45 =	vsub.f32 v44, v12;
	v43 =	vld.idx.msk [tilespmem:v63+s3+$0x0], $0xffff;
	v63 =	vcvt.s32.f32 v58;
	v48 =	vsub.f32 v5, v54  }
0x10d: {  	v49 =	vld.idx.msk [tilespmem:v37+s3+$0x0], $0xffff;
	v5 =	vcvt.s32.f32 v59;
	v4 =	vsub.f32 v62, v36;
	v12 =	vmul.f32 v7, v11  }
0x10e: {  	s31 =	simm.s32 $0x9170;
	p3 =	por $0x1, $0x1;
	v44 =	vsub.f32 v47, v61;
	v47 =	vld.idx.msk [tilespmem:v40+s3+$0x0], $0xffff;
	v40 =	vsub.f32 v52, v63;
	v11 =	vmul.f32 v51, v55  }
.LBB2_8:
0x10f: {  	v7 =	vld [tilespmem:s31+$0x0];
	v12 =	vadd.f32 v12, v28;
	v4 =	vmul.f32 v20, v4;
	v20 =	vsub.f32 v24, v5  }
0x110: {  	v24 =	vsub.f32 v46, v41;
	v5 =	vld [tilespmem:s31+$0xFFFFFF90];
	v6 =	vmul.f32 v50, v6;
	v11 =	vadd.f32 v11, v29  }
0x111: {  	v37 =	vadd.s32 v10, v30;
	v29 =	vadd.s32 v9, v30;
	v28 =	vld [tilespmem:s31+$0xFFFFFFA0];
	v4 =	vadd.f32 v4, v36  }
0x112: {  	v24 =	vmul.f32 v48, v24;
	v38 =	vsub.f32 v49, v43;
	v36 =	vld [tilespmem:s31+$0xFFFFFFB0];
	v6 =	vadd.f32 v6, v42  }
0x113: {  	v46 =	vadd.s32 v14, v30;
	v48 =	vadd.s32 v13, v30;
	v49 =	vadd.s32 v15, v30;
	v42 =	vld [tilespmem:s31+$0xFFFFFFC0]  }
0x114: {  	v38 =	vmul.f32 v45, v38;
	v45 =	vsub.f32 v47, v32;
	v50 =	vld [tilespmem:s31+$0xFFFFFFD0];
	v7 =	vmul.f32 v7, v19  }
0x115: {  	v24 =	vadd.f32 v24, v41;
	v41 =	vadd.s32 v16, v30;
	v5 =	vmul.f32 v5, v19;
	v47 =	vld [tilespmem:s31+$0xFFFFFFE0]  }
0x116: {  	v51 =	vmul.f32 v28, v19;
	v52 =	vld [tilespmem:s31+$0xFFFFFFF0];
	v7 =	vadd.f32 $-1.000000000e+01, v7;
	[tilespmem:v29+s20+$0x0] =	vst.idx.msk $0xffff, v6;
	v6 =	vmul.f32 v44, v45  }
0x117: {  	v5 =	vadd.f32 $-1.000000000e+01, v5;
	v29 =	vmul.f32 v36, v19;
	v36 =	vadd.f32 v38, v43;
	v28 =	vld.idx.msk [tilespmem:v35+s3+$0x0], $0xffff  }
0x118: {  	v38 =	vadd.f32 $-1.000000000e+01, v51;
	v35 =	vmul.f32 v42, v19;
	v42 =	vtrunc.f32 v7;
	[tilespmem:v37+s20+$0x0] =	vst.idx.msk $0xffff, v24;
	v34 =	vld.idx.msk [tilespmem:v34+s3+$0x0], $0xffff  }
0x119: {  	v37 =	vadd.f32 $-1.000000000e+01, v29;
	v24 =	vmul.f32 v50, v19;
	v42 =	vcvt.f32.s32 v42;
	[tilespmem:v46+s20+$0x0] =	vst.idx.msk $0xffff, v36;
	v29 =	vld.idx.msk [tilespmem:v33+s3+$0x0], $0xffff  }
0x11a: {  	v33 =	vtrunc.f32 v5;
	v44 =	vadd.f32 $-1.000000000e+01, v35;
	v35 =	vmul.f32 v47, v19;
	v31 =	vld.idx.msk [tilespmem:v31+s3+$0x0], $0xffff;
	[tilespmem:v22+s20+$0x0] =	vst.idx.msk $0xffff, v12  }
0x11b: {  	v47 =	vadd.f32 $-1.000000000e+01, v24;
	v12 =	vmul.f32 v52, v19;
	v8 =	vshll.u32 v42, $0x4;
	v36 =	vld.idx.msk [tilespmem:v25+s3+$0x0], $0xffff;
	[tilespmem:v23+s20+$0x0] =	vst.idx.msk $0xffff, v11  }
0x11c: {  	v11 =	vtrunc.f32 v38;
	v51 =	vadd.f32 $-1.000000000e+01, v35;
	v25 =	vor.u32 v0, v8;
	v43 =	vld.idx.msk [tilespmem:v26+s3+$0x0], $0xffff;
	[tilespmem:v27+s20+$0x0] =	vst.idx.msk $0xffff, v4  }
0x11d: {  	v22 =	vmovc v49;
	v23 =	vmovc v41;
	v4 =	vtrunc.f32 v37;
	v24 =	vadd.f32 $-1.000000000e+01, v12;
	v12 =	vadd.s32 v2, v8  }
0x11e: {  	v26 =	vtrunc.f32 v44;
	v35 =	vtrunc.f32 v47;
	v52 =	vsub.f32 v34, v28  }
0x11f: {  	v6 =	vadd.f32 v6, v32;
	v34 =	vtrunc.f32 v51;
	v41 =	vtrunc.f32 v24  }
0x120: {  	v32 =	vcvt.f32.s32 v33;
	v11 =	vcvt.f32.s32 v11;
	v53 =	vsub.f32 v31, v29  }
0x121: {  	v27 =	vadd.s32 v17, v30;
	v4 =	vcvt.f32.s32 v4;
	v45 =	vcvt.f32.s32 v26;
	v26 =	vld.idx.msk [tilespmem:v25+s3+$0x0], $0xffff;
	[tilespmem:v48+s20+$0x0] =	vst.idx.msk $0xffff, v6  }
0x122: {  	v49 =	vcvt.f32.s32 v34;
	v6 =	vshll.u32 v32, $0x4;
	v48 =	vcvt.f32.s32 v35;
	v12 =	vld.idx.msk [tilespmem:v12+s3+$0x0], $0xffff  }
0x123: {  	s0 =	sadd.s32 $0x8, s0;
	v31 =	vshll.u32 v4, $0x4;
	v54 =	vcvt.f32.s32 v41;
	v25 =	vshll.u32 v11, $0x4  }
0x124: {  	p4 =	slt.u32 s0, $0xF8;
	v30 =	vmov s0;
	v33 =	vshll.u32 v45, $0x4;
	v34 =	vshll.u32 v48, $0x4  }
0x125: {  	v30 =	vshrl.u32 v30, $0x3;
	v41 =	vshll.u32 v49, $0x4;
	v46 =	vshll.u32 v54, $0x4  }
0x126: {  	v42 =	vcvt.s32.f32 v42;
	v30 =	vshll.u32 v30, $0x3;
	v35 =	vor.u32 v0, v6  }
0x127: {  	v30 =	vbroadcast v30, $0x0;
	v6 =	vadd.s32 v2, v6;
	v50 =	vor.u32 v0, v25  }
0x128: {  	v7 =	vsub.f32 v7, v42;
	v55 =	vadd.s32 v2, v25;
	v12 =	vsub.f32 v12, v26  }
0x129: {  	v56 =	vor.u32 v0, v31;
	v57 =	vadd.s32 v2, v31;
	v58 =	vadd.s32 v18, v30  }
0x12a: {  	v59 =	vor.u32 v0, v33;
	v60 =	vadd.s32 v2, v33;
	v7 =	vmul.f32 v7, v12  }
0x12b: {  	v33 =	vor.u32 v0, v41;
	v42 =	vld.idx.msk [tilespmem:v35+s3+$0x0], $0xffff;
	v35 =	vor.u32 v0, v34;
	v34 =	vadd.s32 v2, v34  }
0x12c: {  	v31 =	vadd.s32 v2, v41;
	v25 =	vor.u32 v0, v46;
	v7 =	vadd.f32 v7, v26;
	v6 =	vld.idx.msk [tilespmem:v6+s3+$0x0], $0xffff  }
0x12d: {  	v11 =	vcvt.s32.f32 v11;
	v12 =	vcvt.s32.f32 v32;
	v26 =	vadd.s32 v2, v46;
	v41 =	vld.idx.msk [tilespmem:v50+s3+$0x0], $0xffff  }
.Ltmp5:
0x12e: {  	v32 =	vcvt.s32.f32 v4;
	v4 =	vsub.f32 v43, v36;
	v46 =	vld.idx.msk [tilespmem:v55+s3+$0x0], $0xffff;
	v55 =	vcvt.s32.f32 v45;
	[tilespmem:v58+s20+$0x0] =	vst.idx.msk $0xffff, v7;
	(pc) =	sbr.rel @p4 .LBB2_8-.Ltmp5, $4  }
0x12f: {  	v50 =	vsub.f32 v5, v12;
	v7 =	vcvt.s32.f32 v48;
	v43 =	vld.idx.msk [tilespmem:v56+s3+$0x0], $0xffff;
	v56 =	vcvt.s32.f32 v49  }
0x130: {  	v5 =	vcvt.s32.f32 v54;
	v48 =	vsub.f32 v38, v11;
	v45 =	vsub.f32 v37, v32;
	v49 =	vld.idx.msk [tilespmem:v57+s3+$0x0], $0xffff  }
0x131: {  	v12 =	vmul.f32 v39, v52;
	v44 =	vsub.f32 v44, v55;
	v39 =	vsub.f32 v47, v7;
	v32 =	vld.idx.msk [tilespmem:v59+s3+$0x0], $0xffff  }
0x132: {  	s31 =	sadd.s32 $0x80, s31;
	v11 =	vmul.f32 v40, v53;
	v6 =	vsub.f32 v6, v42;
	v40 =	vsub.f32 v51, v56;
	v47 =	vld.idx.msk [tilespmem:v60+s3+$0x0], $0xffff  }
0x133: {  	_ = 	snop  }
0x134: {  	v51 =	vmov v40  }
.LBB2_10:
0x135: {  	_ =	sdelay $0x3  }
0x136: {  	v5 =	vsub.f32 v24, v5;
	v7 =	vld.idx.msk [tilespmem:v35+s3+$0x0], $0xffff  }
0x137: {  	v12 =	vadd.f32 @p3 v12, v28;
	v24 =	vsub.f32 v46, v41;
	v34 =	vld.idx.msk [tilespmem:v34+s3+$0x0], $0xffff  }
0x138: {  	v28 =	vadd.s32 v9, v30;
	v6 =	vmul.f32 v50, v6;
	v46 =	vadd.s32 v10, v30;
	v25 =	vld.idx.msk [tilespmem:v25+s3+$0x0], $0xffff  }
0x139: {  	v37 =	vsub.f32 v49, v43;
	v4 =	vmul.f32 @p3 v20, v4;
	v11 =	vadd.f32 @p3 v11, v29;
	v26 =	vld.idx.msk [tilespmem:v26+s3+$0x0], $0xffff  }
0x13a: {  	v33 =	vld.idx.msk [tilespmem:v33+s3+$0x0], $0xffff;
	v50 =	vadd.s32 v13, v30;
	v20 =	vmul.f32 v48, v24;
	v24 =	vadd.s32 v14, v30  }
0x13b: {  	v31 =	vld.idx.msk [tilespmem:v31+s3+$0x0], $0xffff;
	v6 =	vadd.f32 v6, v42;
	v29 =	vmul.f32 v45, v37;
	[tilespmem:v22+s20+$0x0] =	vst.idx.msk @p3 $0xffff, v12  }
0x13c: {  	v4 =	vadd.f32 @p3 v4, v36;
	[tilespmem:v23+s20+$0x0] =	vst.idx.msk @p3 $0xffff, v11;
	v23 =	vadd.s32 v17, v30  }
0x13d: {  	[tilespmem:v28+s20+$0x0] =	vst.idx.msk $0xffff, v6;
	v6 =	vadd.f32 v29, v43;
	v29 =	vsub.f32 v47, v32  }
0x13e: {  	v20 =	vadd.f32 v20, v41;
	v28 =	vadd.s32 v15, v30;
	v11 =	vsub.f32 v26, v25  }
0x13f: {  	[tilespmem:v24+s20+$0x0] =	vst.idx.msk $0xffff, v6;
	v6 =	vsub.f32 v34, v7;
	v24 =	vmul.f32 v44, v29  }
0x140: {  	v12 =	vsub.f32 v31, v33;
	[tilespmem:v46+s20+$0x0] =	vst.idx.msk $0xffff, v20;
	v5 =	vmul.f32 v5, v11  }
0x141: {  	v20 =	vadd.s32 v16, v30;
	v6 =	vmul.f32 v39, v6;
	v22 =	vadd.f32 v24, v32  }
0x142: {  	[tilespmem:v27+s20+$0x0] =	vst.idx.msk @p3 $0xffff, v4;
	v12 =	vmul.f32 v51, v12;
	v5 =	vadd.f32 v5, v25  }
0x143: {  	v4 =	vadd.f32 v6, v7;
	[tilespmem:v50+s20+$0x0] =	vst.idx.msk $0xffff, v22  }
0x144: {  	v6 =	vadd.f32 v12, v33;
	[tilespmem:v23+s20+$0x0] =	vst.idx.msk $0xffff, v5  }
0x145: {  	[tilespmem:v28+s20+$0x0] =	vst.idx.msk $0xffff, v4  }
0x146: {  	[tilespmem:v20+s20+$0x0] =	vst.idx.msk $0xffff, v6  }
0x147: {  	v4 =	vld [tilespmem:s30+$0x0]  }
0x148: {  	v5 =	vld [tilespmem:s30+$0xFFFFFF90]  }
0x149: {  	v6 =	vld [tilespmem:s30+$0xFFFFFFA0]  }
0x14a: {  	v7 =	vld [tilespmem:s30+$0xFFFFFFB0]  }
0x14b: {  	v11 =	vld [tilespmem:s30+$0xFFFFFFC0]  }
0x14c: {  	v12 =	vld [tilespmem:s30+$0xFFFFFFD0]  }
0x14d: {  	v8 =	vadd.s32 $0x210, v1;
	v13 =	vadd.s32 $0x211, v1;
	v20 =	vld [tilespmem:s30+$0xFFFFFFE0]  }
0x14e: {  	v35 =	vadd.s32 v8, v21;
	v27 =	vadd.s32 $0x215, v1;
	v26 =	vadd.s32 $0x214, v1;
	v22 =	vld [tilespmem:s30+$0xFFFFFFF0]  }
0x14f: {  	v30 =	vadd.s32 $0x212, v1;
	v34 =	vadd.s32 $0x217, v1;
	v4 =	vmul.f32 v4, v19  }
0x150: {  	v61 =	vadd.s32 v34, v21;
	v5 =	vmul.f32 v5, v19;
	v6 =	vmul.f32 v6, v19  }
0x151: {  	v33 =	vadd.s32 $0x213, v1;
	v7 =	vmul.f32 v7, v19;
	v11 =	vmul.f32 v11, v19  }
0x152: {  	v12 =	vmul.f32 v12, v19;
	v20 =	vmul.f32 v20, v19;
	v4 =	vadd.f32 $-1.000000000e+01, v4  }
0x153: {  	v22 =	vmul.f32 v22, v19;
	v5 =	vadd.f32 $-1.000000000e+01, v5;
	v6 =	vadd.f32 $-1.000000000e+01, v6  }
0x154: {  	v7 =	vadd.f32 $-1.000000000e+01, v7;
	v11 =	vadd.f32 $-1.000000000e+01, v11;
	v23 =	vtrunc.f32 v4  }
0x155: {  	v12 =	vadd.f32 $-1.000000000e+01, v12;
	v29 =	vadd.f32 $-1.000000000e+01, v20;
	v24 =	vcvt.f32.s32 v23  }
0x156: {  	v38 =	vadd.f32 $-1.000000000e+01, v22;
	v28 =	vtrunc.f32 v6;
	v20 =	vtrunc.f32 v7  }
0x157: {  	v51 =	vtrunc.f32 v11;
	v52 =	vtrunc.f32 v12;
	v25 =	vshll.u32 v24, $0x4  }
0x158: {  	v23 =	vtrunc.f32 v5;
	v28 =	vcvt.f32.s32 v28;
	v31 =	vor.u32 v0, v25  }
0x159: {  	v53 =	vtrunc.f32 v29;
	v37 =	vcvt.f32.s32 v23;
	v25 =	vadd.s32 v2, v25  }
0x15a: {  	v54 =	vtrunc.f32 v38;
	v39 =	vcvt.f32.s32 v20;
	v56 =	vshll.u32 v28, $0x4  }
0x15b: {  	v24 =	vcvt.s32.f32 v24;
	v55 =	vshll.u32 v37, $0x4;
	v62 =	vor.u32 v0, v56  }
0x15c: {  	v40 =	vcvt.f32.s32 v51;
	v42 =	vcvt.f32.s32 v52;
	v58 =	vor.u32 v0, v55  }
0x15d: {  	v45 =	vcvt.f32.s32 v53;
	v4 =	vsub.f32 v4, v24;
	v24 =	vadd.s32 v2, v56;
	v31 =	vld.idx.msk [tilespmem:v31+s3+$0x0], $0xffff  }
0x15e: {  	v46 =	vcvt.f32.s32 v54;
	v57 =	vshll.u32 v39, $0x4;
	v32 =	vadd.s32 v2, v55;
	v25 =	vld.idx.msk [tilespmem:v25+s3+$0x0], $0xffff  }
0x15f: {  	v23 =	vadd.s32 $0x216, v1;
	v59 =	vshll.u32 v40, $0x4;
	v52 =	vadd.s32 v2, v57  }
0x160: {  	v44 =	vshll.u32 v42, $0x4;
	v47 =	vshll.u32 v45, $0x4;
	v63 =	vshll.u32 v46, $0x4;
	v43 =	vld.idx.msk [tilespmem:v62+s3+$0x0], $0xffff  }
0x161: {  	v60 =	vor.u32 v0, v57;
	v54 =	vor.u32 v0, v59;
	v57 =	vadd.s32 v2, v44;
	v41 =	vld.idx.msk [tilespmem:v58+s3+$0x0], $0xffff  }
0x162: {  	v36 =	vadd.s32 v2, v47;
	v55 =	vor.u32 v0, v44;
	v62 =	vld.idx.msk [tilespmem:v24+s3+$0x0], $0xffff;
	v24 =	vcvt.s32.f32 v28  }
0x163: {  	v56 =	vld.idx.msk [tilespmem:v32+s3+$0x0], $0xffff;
	v58 =	vor.u32 v0, v47;
	v32 =	vadd.s32 v2, v63;
	v25 =	vsub.f32 v25, v31  }
0x164: {  	v53 =	vld.idx.msk [tilespmem:v52+s3+$0x0], $0xffff;
	v28 =	vcvt.s32.f32 v39;
	v52 =	vsub.f32 v6, v24;
	v6 =	vcvt.s32.f32 v45  }
0x165: {  	v24 =	vcvt.s32.f32 v46;
	v4 =	vmul.f32 v4, v25;
	v25 =	vadd.s32 v2, v59  }
0x166: {  	v44 =	vld.idx.msk [tilespmem:v60+s3+$0x0], $0xffff;
	v39 =	vadd.s32 v13, v21;
	v50 =	vsub.f32 v7, v28;
	v28 =	vsub.f32 v29, v6  }
.Ltmp6:
0x167: {  	v45 =	vld.idx.msk [tilespmem:v54+s3+$0x0], $0xffff;
	v24 =	vsub.f32 v38, v24;
	v4 =	vadd.f32 v4, v31;
	v31 =	vcvt.s32.f32 v37;
	(pc) =	sbr.rel @!p2 .LBB2_11-.Ltmp6, $4  }
0x168: {  	v54 =	vld.idx.msk [tilespmem:v57+s3+$0x0], $0xffff;
	v38 =	vadd.s32 v33, v21;
	v37 =	vor.u32 v0, v63;
	v63 =	vcvt.s32.f32 v42  }
0x169: {  	v7 =	vsub.f32 v56, v41;
	v42 =	vld.idx.msk [tilespmem:v55+s3+$0x0], $0xffff;
	v5 =	vsub.f32 v5, v31;
	v31 =	vcvt.s32.f32 v40  }
0x16a: {  	v6 =	vsub.f32 v62, v43;
	[tilespmem:v61+s20+$0x0] =	vst.idx.msk $0xffff, v4;
	v46 =	vsub.f32 v12, v63;
	v4 =	vld.idx.msk [tilespmem:v25+s3+$0x0], $0xffff  }
0x16b: {  	s31 =	simm.s32 $0xB070;
	s2 =	sadd.s32 $0x80, s30;
	v40 =	vadd.s32 v30, v21;
	v25 =	vld.idx.msk [tilespmem:v58+s3+$0x0], $0xffff;
	v48 =	vsub.f32 v11, v31;
	v5 =	vmul.f32 v5, v7  }
0x16c: {  	_ =	sdelay $0x1  }
0x16d: {  	v7 =	vld [tilespmem:s2+$0x0]  }
0x16e: {  	v12 =	vld [tilespmem:s2+$0xFFFFFF90];
	v4 =	vsub.f32 v4, v45  }
0x16f: {  	v20 =	vadd.s32 v26, v21;
	v34 =	vld [tilespmem:s2+$0xFFFFFFA0]  }
0x170: {  	v29 =	vadd.s32 v27, v21;
	v31 =	vadd.s32 v23, v21;
	v21 =	vld [tilespmem:s2+$0xFFFFFFB0];
	v4 =	vmul.f32 v48, v4  }
0x171: {  	v6 =	vmul.f32 v52, v6;
	v58 =	vld [tilespmem:s2+$0xFFFFFFC0]  }
0x172: {  	v60 =	vld [tilespmem:s2+$0xFFFFFFD0];
	v59 =	vsub.f32 v54, v42;
	v7 =	vmul.f32 v7, v19;
	v4 =	vadd.f32 v4, v45  }
0x173: {  	v11 =	vsub.f32 v53, v44;
	v61 =	vld [tilespmem:s2+$0xFFFFFFE0]  }
0x174: {  	v6 =	vadd.f32 v6, v43;
	v43 =	vmul.f32 v46, v59;
	v46 =	vld [tilespmem:s2+$0xFFFFFFF0];
	v7 =	vadd.f32 $-1.000000000e+01, v7;
	[tilespmem:$0x1FE70] =	vst v4  }
0x175: {  	v11 =	vmul.f32 v50, v11;
	v36 =	vld.idx.msk [tilespmem:v36+s3+$0x0], $0xffff  }
0x176: {  	v62 =	vtrunc.f32 v7;
	v22 =	vld.idx.msk [tilespmem:v37+s3+$0x0], $0xffff  }
0x177: {  	v11 =	vadd.f32 v11, v44;
	v44 =	vcvt.f32.s32 v62;
	v32 =	vld.idx.msk [tilespmem:v32+s3+$0x0], $0xffff  }
0x178: {  	v4 =	vadd.f32 v43, v42  }
0x179: {  	v34 =	vmul.f32 v34, v19;
	v48 =	vmul.f32 v61, v19;
	v61 =	vshll.u32 v44, $0x4  }
0x17a: {  	v53 =	vmul.f32 v46, v19;
	[tilespmem:$0x1FE80] =	vst v4;
	v46 =	vor.u32 v0, v61;
	v4 =	vsub.f32 v36, v25  }
0x17b: {  	v55 =	vadd.f32 $-1.000000000e+01, v34;
	v34 =	vadd.s32 v2, v61  }
0x17c: {  	[tilespmem:$0x1FE90] =	vst v4;
	v4 =	vsub.f32 v32, v22  }
0x17d: {  	v12 =	vmul.f32 v12, v19  }
0x17e: {  	v5 =	vadd.f32 v5, v41;
	v21 =	vmul.f32 v21, v19;
	v41 =	vmul.f32 v58, v19;
	[tilespmem:$0x1FEA0] =	vst v4  }
0x17f: {  	v49 =	vadd.f32 $-1.000000000e+01, v12;
	v32 =	vld.idx.msk [tilespmem:v46+s3+$0x0], $0xffff  }
0x180: {  	v63 =	vmul.f32 v60, v19;
	v58 =	vadd.f32 $-1.000000000e+01, v21;
	v54 =	vadd.f32 $-1.000000000e+01, v41;
	v34 =	vld.idx.msk [tilespmem:v34+s3+$0x0], $0xffff  }
0x181: {  	v21 =	vtrunc.f32 v49  }
0x182: {  	v60 =	vadd.f32 $-1.000000000e+01, v63;
	v63 =	vtrunc.f32 v58;
	v45 =	vtrunc.f32 v54  }
0x183: {  	v62 =	vtrunc.f32 v55;
	v57 =	vadd.f32 $-1.000000000e+01, v53;
	v51 =	vcvt.s32.f32 v44  }
0x184: {  	v56 =	vadd.f32 $-1.000000000e+01, v48;
	v48 =	vcvt.f32.s32 v63;
	v53 =	vcvt.f32.s32 v21  }
0x185: {  	v42 =	vtrunc.f32 v57;
	v7 =	vsub.f32 v7, v51;
	[tilespmem:v40+s20+$0x0] =	vst.idx.msk $0xffff, v11;
	v11 =	vsub.f32 v34, v32  }
0x186: {  	s0 =	simm.s32 $0x8;
	v59 =	vcvt.f32.s32 v62;
	v37 =	vshll.u32 v48, $0x4;
	v62 =	vcvt.f32.s32 v42  }
0x187: {  	v61 =	vcvt.f32.s32 v45;
	v45 =	vmov s0;
	[tilespmem:v35+s20+$0x0] =	vst.idx.msk $0xffff, v5;
	v7 =	vmul.f32 v7, v11  }
0x188: {  	v42 =	vadd.s32 v2, v37;
	v4 =	vshll.u32 v62, $0x4;
	[tilespmem:v39+s20+$0x0] =	vst.idx.msk $0xffff, v6;
	v40 =	vor.u32 v0, v37  }
0x189: {  	v37 =	vor.u32 v0, v4;
	v7 =	vadd.f32 v7, v32;
	v32 =	vadd.s32 v2, v4;
	v4 =	vld [tilespmem:$0x1FE70]  }
0x18a: {  	v47 =	vtrunc.f32 v60;
	v41 =	vshrl.u32 v45, $0x3  }
0x18b: {  	v21 =	vshll.u32 v53, $0x4;
	v46 =	vcvt.f32.s32 v47;
	v47 =	vshll.u32 v41, $0x3  }
0x18c: {  	v5 =	vor.u32 v0, v21;
	v6 =	vadd.s32 v2, v21;
	v21 =	vbroadcast v47, $0x0  }
0x18d: {  	v34 =	vadd.s32 $0x217, v1  }
0x18e: {  	v12 =	vadd.s32 v34, v21;
	[tilespmem:v38+s20+$0x0] =	vst.idx.msk $0xffff, v4  }
0x18f: {  	v36 =	vshll.u32 v59, $0x4;
	v4 =	vcvt.s32.f32 v59;
	v59 =	vld [tilespmem:$0x1FE80];
	_ =	sdelay $0x2  }
0x190: {  	v43 =	vtrunc.f32 v56  }
0x191: {  	v50 =	vcvt.f32.s32 v43;
	v43 =	vshll.u32 v61, $0x4;
	v52 =	vshll.u32 v46, $0x4;
	[tilespmem:v12+s20+$0x0] =	vst.idx.msk $0xffff, v7  }
0x192: {  	v35 =	vor.u32 v0, v36;
	v47 =	vadd.s32 v2, v52;
	v41 =	vld.idx.msk [tilespmem:v5+s3+$0x0], $0xffff;
	[tilespmem:v20+s20+$0x0] =	vst.idx.msk $0xffff, v59  }
0x193: {  	v5 =	vadd.s32 v2, v43;
	v11 =	vor.u32 v0, v52;
	v52 =	vsub.f32 v55, v4;
	v4 =	vld [tilespmem:$0x1FE90];
	_ =	sdelay $0x1  }
0x194: {  	v39 =	vadd.s32 v2, v36  }
0x195: {  	v8 =	vadd.s32 $0x210, v1;
	v6 =	vld.idx.msk [tilespmem:v6+s3+$0x0], $0xffff  }
0x196: {  	v13 =	vadd.s32 $0x211, v1;
	v53 =	vcvt.s32.f32 v53;
	v45 =	vor.u32 v0, v43;
	v43 =	vld.idx.msk [tilespmem:v35+s3+$0x0], $0xffff  }
0x197: {  	v30 =	vadd.s32 $0x212, v1;
	v12 =	vcvt.s32.f32 v62;
	v62 =	vmul.f32 v28, v4;
	v4 =	vld.idx.msk [tilespmem:v5+s3+$0x0], $0xffff  }
0x198: {  	v33 =	vadd.s32 $0x213, v1;
	v63 =	vshll.u32 v50, $0x4;
	v61 =	vcvt.s32.f32 v61;
	v5 =	vld [tilespmem:$0x1FEA0]  }
0x199: {  	v51 =	vor.u32 v0, v63;
	v49 =	vsub.f32 v49, v53;
	v46 =	vcvt.s32.f32 v46;
	v38 =	vld.idx.msk [tilespmem:v39+s3+$0x0], $0xffff  }
0x19a: {  	p2 =	por $0x1, $0x1;
	v36 =	vadd.s32 v2, v63;
	v63 =	vcvt.s32.f32 v48;
	v53 =	vld.idx.msk [tilespmem:v42+s3+$0x0], $0xffff;
	v48 =	vsub.f32 v54, v61  }
.Ltmp7:
0x19b: {  	v46 =	vsub.f32 v60, v46;
	v35 =	vadd.s32 v8, v21;
	v44 =	vld.idx.msk [tilespmem:v40+s3+$0x0], $0xffff;
	v7 =	vcvt.s32.f32 v50;
	(pc) =	sbr.rel @!p2 .LBB2_13-.Ltmp7, $4  }
0x19c: {  	v45 =	vld.idx.msk [tilespmem:v45+s3+$0x0], $0xffff;
	v40 =	vadd.s32 v30, v21;
	v6 =	vsub.f32 v6, v41;
	v39 =	vadd.s32 v13, v21  }
0x19d: {  	v54 =	vld.idx.msk [tilespmem:v47+s3+$0x0], $0xffff;
	v50 =	vsub.f32 v58, v63;
	v28 =	vsub.f32 v56, v7;
	v63 =	vmul.f32 v24, v5  }
0x19e: {  	v42 =	vld.idx.msk [tilespmem:v11+s3+$0x0], $0xffff;
	v24 =	vsub.f32 v57, v12;
	v5 =	vmul.f32 v49, v6;
	v6 =	vsub.f32 v38, v43  }
0x19f: {  	s30 =	sadd.s32 $0x80, s2;
	p1 =	por $0x1, $0x1;
	v49 =	vadd.f32 v62, v25;
	v38 =	vadd.s32 v33, v21;
	v25 =	vld.idx.msk [tilespmem:v51+s3+$0x0], $0xffff;
	v51 =	vadd.f32 v63, v22  }
.LBB2_14:
0x1a0: {  	v7 =	vld [tilespmem:s30+$0x0];
	v5 =	vadd.f32 v5, v41;
	v6 =	vmul.f32 v52, v6;
	v11 =	vsub.f32 v53, v44  }
0x1a1: {  	v34 =	vadd.s32 v26, v21;
	v41 =	vadd.s32 v27, v21;
	v21 =	vadd.s32 v23, v21;
	v12 =	vld [tilespmem:s30+$0xFFFFFF90]  }
0x1a2: {  	v4 =	vsub.f32 v4, v45;
	v47 =	vld [tilespmem:s30+$0xFFFFFFA0];
	v6 =	vadd.f32 v6, v43;
	v11 =	vmul.f32 v50, v11  }
0x1a3: {  	v20 =	vadd.s32 $0x210, v1;
	v22 =	vadd.s32 $0x211, v1;
	v43 =	vld [tilespmem:s30+$0xFFFFFFB0];
	[tilespmem:v35+s20+$0x0] =	vst.idx.msk $0xffff, v5  }
0x1a4: {  	v4 =	vmul.f32 v48, v4;
	v35 =	vsub.f32 v54, v42;
	v5 =	vld [tilespmem:s30+$0xFFFFFFC0];
	v11 =	vadd.f32 v11, v44  }
0x1a5: {  	v30 =	vadd.s32 $0x212, v1;
	v33 =	vadd.s32 $0x213, v1;
	v44 =	vld [tilespmem:s30+$0xFFFFFFD0];
	v7 =	vmul.f32 v7, v19;
	[tilespmem:v39+s20+$0x0] =	vst.idx.msk $0xffff, v6  }
0x1a6: {  	v4 =	vadd.f32 v4, v45;
	v35 =	vmul.f32 v46, v35;
	v6 =	vmul.f32 v12, v19;
	v12 =	vld [tilespmem:s30+$0xFFFFFFE0]  }
0x1a7: {  	v39 =	vmul.f32 v47, v19;
	v45 =	vld [tilespmem:s30+$0xFFFFFFF0];
	v7 =	vadd.f32 $-1.000000000e+01, v7;
	[tilespmem:v40+s20+$0x0] =	vst.idx.msk $0xffff, v11  }
0x1a8: {  	v35 =	vadd.f32 v35, v42;
	v6 =	vadd.f32 $-1.000000000e+01, v6;
	v11 =	vmul.f32 v43, v19;
	v36 =	vld.idx.msk [tilespmem:v36+s3+$0x0], $0xffff  }
0x1a9: {  	v39 =	vadd.f32 $-1.000000000e+01, v39;
	v5 =	vmul.f32 v5, v19;
	v40 =	vtrunc.f32 v7;
	[tilespmem:v38+s20+$0x0] =	vst.idx.msk $0xffff, v4;
	v47 =	vld.idx.msk [tilespmem:v37+s3+$0x0], $0xffff  }
0x1aa: {  	v4 =	vadd.f32 $-1.000000000e+01, v11;
	v11 =	vmul.f32 v44, v19;
	v37 =	vcvt.f32.s32 v40;
	[tilespmem:v34+s20+$0x0] =	vst.idx.msk $0xffff, v35;
	v32 =	vld.idx.msk [tilespmem:v32+s3+$0x0], $0xffff  }
0x1ab: {  	v34 =	vtrunc.f32 v6;
	v5 =	vadd.f32 $-1.000000000e+01, v5;
	v12 =	vmul.f32 v12, v19;
	[tilespmem:v29+s20+$0x0] =	vst.idx.msk $0xffff, v49;
	v29 =	vmovc v41  }
0x1ac: {  	v11 =	vadd.f32 $-1.000000000e+01, v11;
	v35 =	vmul.f32 v45, v19;
	v38 =	vshll.u32 v37, $0x4;
	[tilespmem:v31+s20+$0x0] =	vst.idx.msk $0xffff, v51;
	v31 =	vmovc v21  }
0x1ad: {  	v21 =	vtrunc.f32 v39;
	v12 =	vadd.f32 $-1.000000000e+01, v12;
	v40 =	vor.u32 v0, v38  }
0x1ae: {  	v41 =	vtrunc.f32 v4;
	v49 =	vadd.f32 $-1.000000000e+01, v35;
	v35 =	vadd.s32 v2, v38  }
0x1af: {  	v46 =	vsub.f32 v36, v25;
	v38 =	vtrunc.f32 v5;
	v42 =	vtrunc.f32 v11  }
0x1b0: {  	v36 =	vtrunc.f32 v12;
	v51 =	vsub.f32 v32, v47;
	v43 =	vtrunc.f32 v49  }
0x1b1: {  	v44 =	vcvt.f32.s32 v21;
	v32 =	vcvt.f32.s32 v34  }
0x1b2: {  	v45 =	vcvt.f32.s32 v41;
	v38 =	vcvt.f32.s32 v38;
	v40 =	vld.idx.msk [tilespmem:v40+s3+$0x0], $0xffff  }
0x1b3: {  	v42 =	vcvt.f32.s32 v42;
	v48 =	vcvt.f32.s32 v36;
	v21 =	vshll.u32 v32, $0x4;
	v34 =	vld.idx.msk [tilespmem:v35+s3+$0x0], $0xffff  }
0x1b4: {  	s0 =	sadd.s32 $0x8, s0;
	v36 =	vshll.u32 v45, $0x4;
	v50 =	vcvt.f32.s32 v43;
	v35 =	vshll.u32 v44, $0x4  }
0x1b5: {  	p2 =	slt.u32 s0, $0xF8;
	v41 =	vmov s0;
	v43 =	vshll.u32 v38, $0x4;
	v52 =	vshll.u32 v42, $0x4  }
0x1b6: {  	v41 =	vshrl.u32 v41, $0x3;
	v53 =	vshll.u32 v48, $0x4;
	v54 =	vshll.u32 v50, $0x4  }
0x1b7: {  	v37 =	vcvt.s32.f32 v37;
	v41 =	vshll.u32 v41, $0x3;
	v55 =	vor.u32 v0, v21  }
0x1b8: {  	v56 =	vadd.s32 v2, v21;
	v21 =	vbroadcast v41, $0x0;
	v57 =	vor.u32 v0, v35  }
0x1b9: {  	v7 =	vsub.f32 v7, v37;
	v37 =	vsub.f32 v34, v40;
	v34 =	vadd.s32 $0x217, v1  }
0x1ba: {  	v59 =	vor.u32 v0, v36;
	v58 =	vadd.s32 v2, v35;
	v60 =	vadd.s32 v34, v21  }
0x1bb: {  	v61 =	vadd.s32 v2, v36;
	v62 =	vor.u32 v0, v43;
	v7 =	vmul.f32 v7, v37  }
0x1bc: {  	v63 =	vor.u32 v0, v52;
	v8 =	vadd.s32 v2, v52;
	v41 =	vld.idx.msk [tilespmem:v55+s3+$0x0], $0xffff;
	v55 =	vadd.s32 v2, v43  }
0x1bd: {  	v13 =	vor.u32 v0, v53;
	v36 =	vadd.s32 v2, v53;
	v7 =	vadd.f32 v7, v40;
	v56 =	vld.idx.msk [tilespmem:v56+s3+$0x0], $0xffff  }
0x1be: {  	v37 =	vor.u32 v0, v54;
	v40 =	vcvt.s32.f32 v32;
	v32 =	vadd.s32 v2, v54;
	v43 =	vld.idx.msk [tilespmem:v57+s3+$0x0], $0xffff  }
0x1bf: {  	v45 =	vcvt.s32.f32 v45;
	v52 =	vcvt.s32.f32 v44;
	v35 =	vadd.s32 v20, v21;
	v54 =	vld.idx.msk [tilespmem:v58+s3+$0x0], $0xffff;
	[tilespmem:v60+s20+$0x0] =	vst.idx.msk $0xffff, v7  }
0x1c0: {  	v6 =	vsub.f32 v6, v40;
	v7 =	vcvt.s32.f32 v38;
	v38 =	vcvt.s32.f32 v42;
	v44 =	vld.idx.msk [tilespmem:v59+s3+$0x0], $0xffff  }
0x1c1: {  	v52 =	vsub.f32 v39, v52;
	v40 =	vcvt.s32.f32 v48;
	v57 =	vcvt.s32.f32 v50;
	v53 =	vld.idx.msk [tilespmem:v61+s3+$0x0], $0xffff  }
.Ltmp8:
0x1c2: {  	v50 =	vsub.f32 v4, v45;
	v48 =	vsub.f32 v5, v7;
	v7 =	vmul.f32 v28, v46;
	v45 =	vld.idx.msk [tilespmem:v62+s3+$0x0], $0xffff;
	(pc) =	sbr.rel @p2 .LBB2_14-.Ltmp8, $4  }
0x1c3: {  	v46 =	vsub.f32 v11, v38;
	v11 =	vmul.f32 v24, v51;
	v5 =	vsub.f32 v56, v41;
	v4 =	vld.idx.msk [tilespmem:v55+s3+$0x0], $0xffff  }
0x1c4: {  	v39 =	vadd.s32 v22, v21;
	v28 =	vsub.f32 v12, v40;
	v24 =	vsub.f32 v49, v57;
	v42 =	vld.idx.msk [tilespmem:v63+s3+$0x0], $0xffff  }
0x1c5: {  	v49 =	vadd.f32 v7, v25;
	v5 =	vmul.f32 v6, v5;
	v6 =	vsub.f32 v54, v43;
	v54 =	vld.idx.msk [tilespmem:v8+s3+$0x0], $0xffff  }
0x1c6: {  	s30 =	sadd.s32 $0x80, s30;
	v40 =	vadd.s32 v30, v21;
	v38 =	vadd.s32 v33, v21;
	v51 =	vadd.f32 v11, v47;
	v25 =	vld.idx.msk [tilespmem:v13+s3+$0x0], $0xffff  }
0x1c7: {  	[tilespmem:$0x1FEB0] =	vst v22  }
0x1c8: {  	[tilespmem:$0x1FEC0] =	vst v20  }
.LBB2_16:
0x1c9: {  	_ =	sdelay $0x3  }
0x1ca: {  	v7 =	vld.idx.msk [tilespmem:v36+s3+$0x0], $0xffff;
	v8 =	vsub.f32 v53, v44  }
0x1cb: {  	v11 =	vld.idx.msk [tilespmem:v37+s3+$0x0], $0xffff;
	v6 =	vmul.f32 v52, v6  }
0x1cc: {  	v5 =	vadd.f32 v5, v41;
	v4 =	vsub.f32 v4, v45;
	v12 =	vld.idx.msk [tilespmem:v32+s3+$0x0], $0xffff;
	v8 =	vmul.f32 v50, v8  }
0x1cd: {  	v13 =	vadd.s32 v26, v21;
	v60 =	vsub.f32 v54, v42;
	v6 =	vadd.f32 v6, v43  }
0x1ce: {  	v4 =	vmul.f32 v48, v4;
	[tilespmem:v35+s20+$0x0] =	vst.idx.msk $0xffff, v5;
	v5 =	vadd.f32 v8, v44  }
0x1cf: {  	v8 =	vmul.f32 v46, v60;
	[tilespmem:v39+s20+$0x0] =	vst.idx.msk $0xffff, v6  }
0x1d0: {  	v4 =	vadd.f32 v4, v45;
	v6 =	vsub.f32 v7, v25;
	[tilespmem:v40+s20+$0x0] =	vst.idx.msk $0xffff, v5  }
0x1d1: {  	v61 =	vadd.s32 v27, v21;
	v7 =	vsub.f32 v12, v11;
	v5 =	vadd.f32 v8, v42;
	[tilespmem:$0x1FE60] =	vst v23  }
0x1d2: {  	v8 =	vadd.s32 v23, v21;
	[tilespmem:v38+s20+$0x0] =	vst.idx.msk $0xffff, v4;
	v4 =	vmul.f32 v28, v6  }
0x1d3: {  	[tilespmem:v13+s20+$0x0] =	vst.idx.msk $0xffff, v5;
	v5 =	vmul.f32 v24, v7  }
0x1d4: {  	[tilespmem:v29+s20+$0x0] =	vst.idx.msk @p1 $0xffff, v49;
	v4 =	vadd.f32 v4, v25  }
0x1d5: {  	[tilespmem:v31+s20+$0x0] =	vst.idx.msk @p1 $0xffff, v51;
	v5 =	vadd.f32 v5, v11  }
0x1d6: {  	[tilespmem:v61+s20+$0x0] =	vst.idx.msk $0xffff, v4  }
0x1d7: {  	[tilespmem:v8+s20+$0x0] =	vst.idx.msk $0xffff, v5  }
0x1d8: {  	v4 =	vld [tilespmem:s31+$0x0]  }
0x1d9: {  	v5 =	vld [tilespmem:s31+$0xFFFFFF90]  }
0x1da: {  	v6 =	vld [tilespmem:s31+$0xFFFFFFA0]  }
0x1db: {  	v7 =	vld [tilespmem:s31+$0xFFFFFFB0]  }
0x1dc: {  	v8 =	vld [tilespmem:s31+$0xFFFFFFC0]  }
0x1dd: {  	s0 =	sadd.s32 $0x8, s29;
	v11 =	vld [tilespmem:s31+$0xFFFFFFD0]  }
0x1de: {  	v9 =	vadd.s32 $0x319, v1;
	v60 =	vmov s0;
	v62 =	vld [tilespmem:s31+$0xFFFFFFE0]  }
0x1df: {  	v10 =	vadd.s32 $0x31A, v1;
	v32 =	vadd.s32 $0x31C, v1;
	v42 =	vshrl.u32 v60, $0x3;
	v13 =	vld [tilespmem:s31+$0xFFFFFFF0]  }
0x1e0: {  	v22 =	vadd.s32 $0x31D, v1;
	v23 =	vadd.s32 $0x318, v1;
	v42 =	vshll.u32 v42, $0x3  }
0x1e1: {  	v28 =	vadd.s32 $0x31B, v1;
	v4 =	vmul.f32 v4, v19;
	v5 =	vmul.f32 v5, v19  }
0x1e2: {  	v29 =	vadd.s32 $0x31E, v1;
	v6 =	vmul.f32 v6, v19;
	v7 =	vmul.f32 v7, v19  }
0x1e3: {  	v8 =	vmul.f32 v8, v19;
	v11 =	vmul.f32 v11, v19;
	v4 =	vadd.f32 $-1.000000000e+01, v4  }
0x1e4: {  	v12 =	vmul.f32 v62, v19;
	v13 =	vmul.f32 v13, v19;
	v5 =	vadd.f32 $-1.000000000e+01, v5  }
0x1e5: {  	v6 =	vadd.f32 $-1.000000000e+01, v6;
	v14 =	vadd.f32 $-1.000000000e+01, v7;
	v21 =	vtrunc.f32 v4  }
0x1e6: {  	v8 =	vadd.f32 $-1.000000000e+01, v8;
	v11 =	vadd.f32 $-1.000000000e+01, v11;
	v63 =	vcvt.f32.s32 v21  }
0x1e7: {  	v43 =	vbroadcast v42, $0x0;
	v12 =	vadd.f32 $-1.000000000e+01, v12;
	v13 =	vadd.f32 $-1.000000000e+01, v13  }
0x1e8: {  	v25 =	vtrunc.f32 v6;
	v51 =	vtrunc.f32 v14;
	v24 =	vshll.u32 v63, $0x4  }
0x1e9: {  	v53 =	vtrunc.f32 v8;
	v21 =	vtrunc.f32 v5;
	v52 =	vor.u32 v0, v24  }
0x1ea: {  	v54 =	vtrunc.f32 v11;
	v45 =	vcvt.f32.s32 v21;
	v55 =	vadd.s32 v2, v24  }
0x1eb: {  	v42 =	vadd.s32 v23, v43;
	v56 =	vtrunc.f32 v12;
	v57 =	vtrunc.f32 v13  }
0x1ec: {  	v46 =	vcvt.f32.s32 v25;
	v36 =	vcvt.f32.s32 v51;
	v58 =	vshll.u32 v45, $0x4  }
0x1ed: {  	v38 =	vcvt.f32.s32 v53;
	v39 =	vcvt.f32.s32 v54;
	v62 =	vor.u32 v0, v58  }
0x1ee: {  	v47 =	vcvt.f32.s32 v56;
	v35 =	vcvt.s32.f32 v63;
	v63 =	vadd.s32 v2, v58;
	v37 =	vld.idx.msk [tilespmem:v52+s3+$0x0], $0xffff  }
0x1ef: {  	v48 =	vcvt.f32.s32 v57;
	v59 =	vshll.u32 v46, $0x4;
	v44 =	vshll.u32 v36, $0x4;
	v40 =	vld.idx.msk [tilespmem:v55+s3+$0x0], $0xffff  }
0x1f0: {  	v61 =	vshll.u32 v38, $0x4;
	v51 =	vshll.u32 v39, $0x4;
	v56 =	vor.u32 v0, v44  }
0x1f1: {  	v15 =	vshll.u32 v48, $0x4;
	v46 =	vcvt.s32.f32 v46;
	v55 =	vor.u32 v0, v59  }
0x1f2: {  	v36 =	vcvt.s32.f32 v36;
	v41 =	vadd.s32 v2, v59;
	v49 =	vor.u32 v0, v51;
	v50 =	vld.idx.msk [tilespmem:v62+s3+$0x0], $0xffff  }
0x1f3: {  	v4 =	vsub.f32 v4, v35;
	v35 =	vadd.s32 $0x31F, v1;
	v58 =	vadd.s32 v2, v44;
	v60 =	vld.idx.msk [tilespmem:v63+s3+$0x0], $0xffff  }
0x1f4: {  	v57 =	vadd.s32 v35, v43;
	v59 =	vor.u32 v0, v61;
	v40 =	vsub.f32 v40, v37  }
0x1f5: {  	v52 =	vshll.u32 v47, $0x4;
	v53 =	vld.idx.msk [tilespmem:v56+s3+$0x0], $0xffff;
	v63 =	vadd.s32 v2, v51;
	v62 =	vcvt.s32.f32 v45  }
0x1f6: {  	v7 =	vor.u32 v0, v52;
	v44 =	vadd.s32 v2, v52;
	v51 =	vld.idx.msk [tilespmem:v55+s3+$0x0], $0xffff;
	v4 =	vmul.f32 v4, v40  }
0x1f7: {  	v45 =	vor.u32 v0, v15;
	v5 =	vsub.f32 v5, v62;
	v55 =	vld.idx.msk [tilespmem:v41+s3+$0x0], $0xffff;
	v40 =	vadd.s32 v2, v61  }
0x1f8: {  	p2 =	slt.u32 s0, $0xF8;
	v62 =	vld.idx.msk [tilespmem:v58+s3+$0x0], $0xffff;
	v41 =	vadd.s32 v2, v15;
	v15 =	vsub.f32 v60, v50;
	v4 =	vadd.f32 v4, v37  }
.Ltmp9:
0x1f9: {  	v52 =	vld.idx.msk [tilespmem:v59+s3+$0x0], $0xffff;
	v61 =	vsub.f32 v6, v46;
	v6 =	vcvt.s32.f32 v47;
	v37 =	vcvt.s32.f32 v38;
	(pc) =	sbr.rel @!p2 .LBB2_17-.Ltmp9, $4  }
0x1fa: {  	v47 =	vadd.s32 v9, v43;
	[tilespmem:v57+s20+$0x0] =	vst.idx.msk $0xffff, v4;
	v4 =	vcvt.s32.f32 v39;
	v39 =	vcvt.s32.f32 v48;
	v48 =	vld.idx.msk [tilespmem:v49+s3+$0x0], $0xffff  }
0x1fb: {  	v46 =	vadd.s32 v28, v43;
	v38 =	vsub.f32 v12, v6;
	v56 =	vsub.f32 v8, v37;
	v37 =	vld.idx.msk [tilespmem:v7+s3+$0x0], $0xffff  }
0x1fc: {  	v5 =	vmul.f32 v5, v15;
	v6 =	vsub.f32 v55, v51;
	v57 =	vsub.f32 v14, v36;
	v60 =	vld.idx.msk [tilespmem:v40+s3+$0x0], $0xffff  }
0x1fd: {  	s2 =	sadd.s32 $0x80, s31;
	p1 =	por $0x0, $0x0;
	v49 =	vadd.s32 v10, v43;
	v54 =	vsub.f32 v11, v4;
	v36 =	vsub.f32 v13, v39;
	v4 =	vld.idx.msk [tilespmem:v63+s3+$0x0], $0xffff  }
0x1fe: {  	v7 =	vld [tilespmem:s2+$0x0]  }
0x1ff: {  	v11 =	vld [tilespmem:s2+$0xFFFFFF90]  }
0x200: {  	v13 =	vld [tilespmem:s2+$0xFFFFFFA0]  }
0x201: {  	v35 =	vld [tilespmem:s2+$0xFFFFFFB0]  }
0x202: {  	v6 =	vmul.f32 v61, v6;
	v8 =	vsub.f32 v62, v53;
	v59 =	vld [tilespmem:s2+$0xFFFFFFC0]  }
0x203: {  	v12 =	vadd.f32 v5, v50;
	v14 =	vadd.s32 v32, v43;
	v39 =	vadd.s32 v22, v43;
	v50 =	vld [tilespmem:s2+$0xFFFFFFD0]  }
0x204: {  	v40 =	vadd.s32 v29, v43;
	v58 =	vld [tilespmem:s2+$0xFFFFFFE0];
	v8 =	vmul.f32 v57, v8;
	v31 =	vsub.f32 v60, v52  }
0x205: {  	v23 =	vadd.s32 $0x318, v1;
	v25 =	vadd.f32 v6, v51;
	v7 =	vmul.f32 v7, v19  }
0x206: {  	v62 =	vadd.f32 v8, v53;
	v57 =	vmul.f32 v56, v31;
	v11 =	vmul.f32 v11, v19  }
0x207: {  	v4 =	vsub.f32 v4, v48;
	v13 =	vmul.f32 v13, v19;
	v35 =	vmul.f32 v35, v19  }
0x208: {  	v43 =	vmul.f32 v59, v19;
	v50 =	vmul.f32 v50, v19;
	v55 =	vadd.f32 $-1.000000000e+01, v7  }
0x209: {  	v44 =	vld.idx.msk [tilespmem:v44+s3+$0x0], $0xffff;
	v53 =	vmul.f32 v58, v19;
	v4 =	vmul.f32 v54, v4;
	v24 =	vadd.f32 v57, v52  }
0x20a: {  	v15 =	vld.idx.msk [tilespmem:v45+s3+$0x0], $0xffff;
	v61 =	vadd.f32 $-1.000000000e+01, v11;
	v17 =	vadd.f32 $-1.000000000e+01, v13;
	v59 =	vtrunc.f32 v55  }
0x20b: {  	v54 =	vld [tilespmem:s2+$0xFFFFFFF0];
	v18 =	vadd.f32 $-1.000000000e+01, v35;
	v56 =	vadd.f32 $-1.000000000e+01, v43;
	v51 =	vcvt.f32.s32 v59  }
0x20c: {  	v9 =	vadd.s32 $0x319, v1;
	v41 =	vld.idx.msk [tilespmem:v41+s3+$0x0], $0xffff;
	v16 =	vadd.f32 $-1.000000000e+01, v50;
	v20 =	vadd.f32 $-1.000000000e+01, v53  }
0x20d: {  	v4 =	vadd.f32 v4, v48;
	v35 =	vtrunc.f32 v61;
	v63 =	vshll.u32 v51, $0x4  }
0x20e: {  	v50 =	vtrunc.f32 v17;
	v45 =	vtrunc.f32 v56;
	v53 =	vor.u32 v0, v63  }
0x20f: {  	v57 =	vtrunc.f32 v16;
	v48 =	vtrunc.f32 v20;
	v43 =	vadd.s32 v2, v63  }
0x210: {  	[tilespmem:$0x1FE20] =	vst v4;
	v4 =	vsub.f32 v44, v37;
	v8 =	vcvt.f32.s32 v35;
	v60 =	vmul.f32 v54, v19  }
0x211: {  	v31 =	vsub.f32 v41, v15;
	v11 =	vcvt.f32.s32 v50;
	v52 =	vcvt.f32.s32 v45  }
0x212: {  	v57 =	vcvt.f32.s32 v57;
	v54 =	vtrunc.f32 v18;
	[tilespmem:$0x1FE30] =	vst v4;
	v21 =	vadd.f32 $-1.000000000e+01, v60  }
0x213: {  	v48 =	vcvt.f32.s32 v48;
	v54 =	vcvt.f32.s32 v54;
	v35 =	vshll.u32 v8, $0x4;
	v41 =	vld.idx.msk [tilespmem:v53+s3+$0x0], $0xffff  }
0x214: {  	s0 =	sadd.s32 $0x8, s0;
	v58 =	vshll.u32 v11, $0x4;
	v4 =	vshll.u32 v57, $0x4;
	v13 =	vtrunc.f32 v21;
	v44 =	vld.idx.msk [tilespmem:v43+s3+$0x0], $0xffff  }
0x215: {  	v5 =	vshll.u32 v48, $0x4;
	[tilespmem:v42+s20+$0x0] =	vst.idx.msk $0xffff, v12;
	v60 =	vcvt.f32.s32 v13;
	v13 =	vmov s0  }
0x216: {  	v51 =	vcvt.s32.f32 v51;
	v42 =	vor.u32 v0, v35;
	[tilespmem:v47+s20+$0x0] =	vst.idx.msk $0xffff, v25;
	v43 =	vshrl.u32 v13, $0x3  }
0x217: {  	v47 =	vadd.s32 v2, v35;
	v7 =	vor.u32 v0, v58;
	[tilespmem:v49+s20+$0x0] =	vst.idx.msk $0xffff, v62;
	v43 =	vshll.u32 v43, $0x3  }
0x218: {  	v35 =	vadd.s32 $0x31F, v1;
	v63 =	vor.u32 v0, v5;
	[tilespmem:v46+s20+$0x0] =	vst.idx.msk $0xffff, v24;
	v43 =	vbroadcast v43, $0x0  }
0x219: {  	v59 =	vshll.u32 v54, $0x4;
	v49 =	vsub.f32 v55, v51;
	v24 =	vld [tilespmem:$0x1FE20];
	v44 =	vsub.f32 v44, v41  }
0x21a: {  	v55 =	vadd.s32 v2, v58;
	v62 =	vor.u32 v0, v59;
	v12 =	vadd.s32 v35, v43  }
0x21b: {  	v53 =	vshll.u32 v52, $0x4;
	v6 =	vshll.u32 v60, $0x4;
	v45 =	vmul.f32 v49, v44  }
0x21c: {  	v13 =	vadd.s32 v2, v59;
	v50 =	vld.idx.msk [tilespmem:v42+s3+$0x0], $0xffff;
	v59 =	vor.u32 v0, v4;
	v4 =	vadd.s32 v2, v4  }
0x21d: {  	v47 =	vld.idx.msk [tilespmem:v47+s3+$0x0], $0xffff;
	v44 =	vadd.s32 v2, v5;
	v5 =	vadd.f32 v45, v41;
	v45 =	vor.u32 v0, v6  }
0x21e: {  	v51 =	vld.idx.msk [tilespmem:v7+s3+$0x0], $0xffff;
	[tilespmem:v14+s20+$0x0] =	vst.idx.msk $0xffff, v24;
	v41 =	vadd.s32 v2, v6;
	v6 =	vcvt.s32.f32 v11;
	v11 =	vcvt.s32.f32 v54  }
0x21f: {  	v8 =	vcvt.s32.f32 v8;
	v58 =	vor.u32 v0, v53;
	v7 =	vld.idx.msk [tilespmem:v55+s3+$0x0], $0xffff;
	v14 =	vcvt.s32.f32 v52;
	[tilespmem:v12+s20+$0x0] =	vst.idx.msk $0xffff, v5  }
0x220: {  	v49 =	vadd.s32 v2, v53;
	v54 =	vcvt.s32.f32 v57;
	v57 =	vsub.f32 v18, v11;
	v11 =	vld [tilespmem:$0x1FE30]  }
0x221: {  	v10 =	vadd.s32 $0x31A, v1;
	v28 =	vadd.s32 $0x31B, v1;
	v8 =	vsub.f32 v61, v8;
	v4 =	vld.idx.msk [tilespmem:v4+s3+$0x0], $0xffff  }
0x222: {  	p2 =	slt.u32 s0, $0xF8;
	v55 =	vmul.f32 v36, v31;
	v56 =	vsub.f32 v56, v14;
	v42 =	vadd.s32 v23, v43;
	v53 =	vld.idx.msk [tilespmem:v62+s3+$0x0], $0xffff  }
.Ltmp10:
0x223: {  	v46 =	vadd.s32 v28, v43;
	v62 =	vld.idx.msk [tilespmem:v13+s3+$0x0], $0xffff;
	v61 =	vsub.f32 v17, v6;
	v6 =	vcvt.s32.f32 v60;
	(pc) =	sbr.rel @!p2 .LBB2_19-.Ltmp10, $4  }
0x224: {  	v52 =	vld.idx.msk [tilespmem:v58+s3+$0x0], $0xffff;
	v58 =	vsub.f32 v47, v50;
	v47 =	vadd.s32 v9, v43;
	v5 =	vcvt.s32.f32 v48  }
0x225: {  	v54 =	vsub.f32 v16, v54;
	v60 =	vld.idx.msk [tilespmem:v49+s3+$0x0], $0xffff;
	v36 =	vsub.f32 v21, v6;
	v11 =	vmul.f32 v38, v11  }
0x226: {  	v48 =	vld.idx.msk [tilespmem:v59+s3+$0x0], $0xffff;
	v6 =	vsub.f32 v7, v51;
	v38 =	vsub.f32 v20, v5;
	v5 =	vmul.f32 v8, v58  }
0x227: {  	s29 =	sadd.s32 $0x80, s2;
	p1 =	por $0x1, $0x1;
	v59 =	vadd.f32 v55, v15;
	v49 =	vadd.s32 v10, v43;
	v58 =	vadd.f32 v11, v37;
	v37 =	vld.idx.msk [tilespmem:v63+s3+$0x0], $0xffff  }
.LBB2_20:
0x228: {  	v7 =	vld [tilespmem:s29+$0x0];
	v5 =	vadd.f32 v5, v50;
	v6 =	vmul.f32 v61, v6;
	v8 =	vsub.f32 v62, v53  }
0x229: {  	v12 =	vadd.s32 v32, v43;
	v13 =	vadd.s32 v22, v43;
	v35 =	vadd.s32 v29, v43;
	v11 =	vld [tilespmem:s29+$0xFFFFFF90]  }
0x22a: {  	v31 =	vsub.f32 v60, v52;
	v43 =	vld [tilespmem:s29+$0xFFFFFFA0];
	v6 =	vadd.f32 v6, v51;
	v8 =	vmul.f32 v57, v8  }
0x22b: {  	v23 =	vadd.s32 $0x318, v1;
	v24 =	vadd.s32 $0x319, v1;
	v50 =	vld [tilespmem:s29+$0xFFFFFFB0];
	[tilespmem:v42+s20+$0x0] =	vst.idx.msk $0xffff, v5  }
0x22c: {  	v42 =	vmul.f32 v56, v31;
	v4 =	vsub.f32 v4, v48;
	v5 =	vld [tilespmem:s29+$0xFFFFFFC0];
	v8 =	vadd.f32 v8, v53  }
0x22d: {  	v25 =	vadd.s32 $0x31A, v1;
	v28 =	vadd.s32 $0x31B, v1;
	v51 =	vld [tilespmem:s29+$0xFFFFFFD0];
	v7 =	vmul.f32 v7, v19;
	[tilespmem:v47+s20+$0x0] =	vst.idx.msk $0xffff, v6  }
0x22e: {  	v42 =	vadd.f32 v42, v52;
	v4 =	vmul.f32 v54, v4;
	v6 =	vmul.f32 v11, v19;
	v11 =	vld [tilespmem:s29+$0xFFFFFFE0]  }
0x22f: {  	v43 =	vmul.f32 v43, v19;
	v47 =	vld [tilespmem:s29+$0xFFFFFFF0];
	v7 =	vadd.f32 $-1.000000000e+01, v7;
	[tilespmem:v49+s20+$0x0] =	vst.idx.msk $0xffff, v8  }
0x230: {  	v4 =	vadd.f32 v4, v48;
	v6 =	vadd.f32 $-1.000000000e+01, v6;
	v8 =	vmul.f32 v50, v19;
	v44 =	vld.idx.msk [tilespmem:v44+s3+$0x0], $0xffff  }
0x231: {  	v48 =	vadd.f32 $-1.000000000e+01, v43;
	v5 =	vmul.f32 v5, v19;
	v43 =	vtrunc.f32 v7;
	[tilespmem:v46+s20+$0x0] =	vst.idx.msk $0xffff, v42;
	v55 =	vld.idx.msk [tilespmem:v45+s3+$0x0], $0xffff  }
0x232: {  	v8 =	vadd.f32 $-1.000000000e+01, v8;
	v42 =	vmul.f32 v51, v19;
	v43 =	vcvt.f32.s32 v43;
	[tilespmem:v12+s20+$0x0] =	vst.idx.msk $0xffff, v4;
	v4 =	vld.idx.msk [tilespmem:v41+s3+$0x0], $0xffff  }
0x233: {  	v12 =	vtrunc.f32 v6;
	v5 =	vadd.f32 $-1.000000000e+01, v5;
	v11 =	vmul.f32 v11, v19;
	[tilespmem:v39+s20+$0x0] =	vst.idx.msk $0xffff, v58;
	v39 =	vmovc v13  }
0x234: {  	v13 =	vadd.f32 $-1.000000000e+01, v42;
	v41 =	vmul.f32 v47, v19;
	v42 =	vshll.u32 v43, $0x4;
	[tilespmem:v40+s20+$0x0] =	vst.idx.msk $0xffff, v59;
	v40 =	vmovc v35  }
0x235: {  	v35 =	vtrunc.f32 v48;
	v11 =	vadd.f32 $-1.000000000e+01, v11;
	v45 =	vor.u32 v0, v42  }
0x236: {  	v46 =	vtrunc.f32 v8;
	v49 =	vadd.f32 $-1.000000000e+01, v41;
	v41 =	vadd.s32 v2, v42  }
0x237: {  	v54 =	vsub.f32 v44, v37;
	v42 =	vtrunc.f32 v5;
	v47 =	vtrunc.f32 v13  }
0x238: {  	v44 =	vtrunc.f32 v11;
	v4 =	vsub.f32 v4, v55;
	v50 =	vtrunc.f32 v49  }
0x239: {  	v12 =	vcvt.f32.s32 v12;
	v52 =	vcvt.f32.s32 v35  }
0x23a: {  	v46 =	vcvt.f32.s32 v46;
	v56 =	vcvt.f32.s32 v42;
	v42 =	vld.idx.msk [tilespmem:v45+s3+$0x0], $0xffff  }
0x23b: {  	v35 =	vshll.u32 v12, $0x4;
	v47 =	vcvt.f32.s32 v47;
	v57 =	vcvt.f32.s32 v44;
	v41 =	vld.idx.msk [tilespmem:v41+s3+$0x0], $0xffff  }
0x23c: {  	s0 =	sadd.s32 $0x8, s0;
	v44 =	vshll.u32 v52, $0x4;
	v58 =	vcvt.f32.s32 v50;
	v45 =	vshll.u32 v46, $0x4  }
0x23d: {  	p2 =	slt.u32 s0, $0xF8;
	v50 =	vmov s0;
	v51 =	vshll.u32 v56, $0x4;
	v53 =	vshll.u32 v47, $0x4  }
0x23e: {  	v50 =	vshrl.u32 v50, $0x3;
	v59 =	vshll.u32 v57, $0x4;
	v60 =	vshll.u32 v58, $0x4  }
0x23f: {  	v62 =	vcvt.s32.f32 v43;
	v61 =	vor.u32 v0, v35;
	v50 =	vshll.u32 v50, $0x3  }
0x240: {  	v63 =	vadd.s32 v2, v35;
	v9 =	vor.u32 v0, v44;
	v43 =	vbroadcast v50, $0x0  }
0x241: {  	v7 =	vsub.f32 v7, v62;
	v35 =	vadd.s32 $0x31F, v1;
	v41 =	vsub.f32 v41, v42  }
0x242: {  	v62 =	vadd.s32 v2, v44;
	v14 =	vor.u32 v0, v45;
	v15 =	vadd.s32 v35, v43  }
0x243: {  	v16 =	vor.u32 v0, v51;
	v10 =	vadd.s32 v2, v45;
	v7 =	vmul.f32 v7, v41  }
0x244: {  	v17 =	vadd.s32 v2, v51;
	v18 =	vor.u32 v0, v53;
	v20 =	vadd.s32 v2, v53;
	v50 =	vld.idx.msk [tilespmem:v61+s3+$0x0], $0xffff  }
0x245: {  	v21 =	vor.u32 v0, v59;
	v44 =	vadd.s32 v2, v59;
	v7 =	vadd.f32 v7, v42;
	v63 =	vld.idx.msk [tilespmem:v63+s3+$0x0], $0xffff  }
0x246: {  	v12 =	vcvt.s32.f32 v12;
	v45 =	vor.u32 v0, v60;
	v41 =	vadd.s32 v2, v60;
	v51 =	vld.idx.msk [tilespmem:v9+s3+$0x0], $0xffff  }
0x247: {  	v46 =	vcvt.s32.f32 v46;
	v42 =	vadd.s32 v23, v43;
	v9 =	vcvt.s32.f32 v52;
	v59 =	vld.idx.msk [tilespmem:v62+s3+$0x0], $0xffff;
	[tilespmem:v15+s20+$0x0] =	vst.idx.msk $0xffff, v7  }
0x248: {  	v6 =	vsub.f32 v6, v12;
	v12 =	vcvt.s32.f32 v47;
	v7 =	vcvt.s32.f32 v56;
	v53 =	vld.idx.msk [tilespmem:v14+s3+$0x0], $0xffff  }
0x249: {  	v61 =	vsub.f32 v48, v9;
	v9 =	vcvt.s32.f32 v57;
	v62 =	vld.idx.msk [tilespmem:v10+s3+$0x0], $0xffff;
	v10 =	vcvt.s32.f32 v58  }
.Ltmp11:
0x24a: {  	v57 =	vsub.f32 v8, v46;
	v56 =	vsub.f32 v5, v7;
	v7 =	vmul.f32 v38, v54;
	v52 =	vld.idx.msk [tilespmem:v16+s3+$0x0], $0xffff;
	(pc) =	sbr.rel @p2 .LBB2_20-.Ltmp11, $4  }
0x24b: {  	v8 =	vmul.f32 v36, v4;
	v54 =	vsub.f32 v13, v12;
	v5 =	vsub.f32 v63, v50;
	v60 =	vld.idx.msk [tilespmem:v17+s3+$0x0], $0xffff  }
0x24c: {  	v47 =	vadd.s32 v24, v43;
	v38 =	vsub.f32 v11, v9;
	v36 =	vsub.f32 v49, v10;
	v48 =	vld.idx.msk [tilespmem:v18+s3+$0x0], $0xffff  }
0x24d: {  	v58 =	vadd.f32 v7, v37;
	v5 =	vmul.f32 v6, v5;
	v6 =	vsub.f32 v59, v51;
	v4 =	vld.idx.msk [tilespmem:v20+s3+$0x0], $0xffff  }
0x24e: {  	s29 =	sadd.s32 $0x80, s29;
	v46 =	vadd.s32 v28, v43;
	v49 =	vadd.s32 v25, v43;
	v59 =	vadd.f32 v8, v55;
	v37 =	vld.idx.msk [tilespmem:v21+s3+$0x0], $0xffff  }
0x24f: {  	[tilespmem:$0x1FE40] =	vst v25  }
0x250: {  	[tilespmem:$0x1FE50] =	vst v24  }
.LBB2_22:
0x251: {  	_ =	sdelay $0x3  }
0x252: {  	v7 =	vld.idx.msk [tilespmem:v44+s3+$0x0], $0xffff  }
0x253: {  	v8 =	vsub.f32 v62, v53;
	v9 =	vld.idx.msk [tilespmem:v45+s3+$0x0], $0xffff  }
0x254: {  	v5 =	vadd.f32 v5, v50;
	v6 =	vmul.f32 v61, v6;
	v10 =	vld.idx.msk [tilespmem:v41+s3+$0x0], $0xffff  }
0x255: {  	v11 =	vadd.s32 v32, v43;
	v12 =	vadd.s32 v22, v43;
	v8 =	vmul.f32 v57, v8  }
0x256: {  	v13 =	vadd.s32 v29, v43;
	v14 =	vsub.f32 v60, v52;
	[tilespmem:v39+s20+$0x0] =	vst.idx.msk @p1 $0xffff, v58  }
0x257: {  	v4 =	vsub.f32 v4, v48;
	[tilespmem:v42+s20+$0x0] =	vst.idx.msk $0xffff, v5;
	v5 =	vadd.f32 v8, v53  }
0x258: {  	v6 =	vadd.f32 v6, v51;
	v61 =	vmul.f32 v56, v14;
	v62 =	vsub.f32 v7, v37  }
0x259: {  	v4 =	vmul.f32 v54, v4;
	[tilespmem:v49+s20+$0x0] =	vst.idx.msk $0xffff, v5;
	v5 =	vsub.f32 v10, v9  }
0x25a: {  	[tilespmem:v47+s20+$0x0] =	vst.idx.msk $0xffff, v6;
	v63 =	vadd.f32 v61, v52;
	v6 =	vmul.f32 v38, v62  }
0x25b: {  	[tilespmem:v40+s20+$0x0] =	vst.idx.msk @p1 $0xffff, v59;
	v4 =	vadd.f32 v4, v48;
	v5 =	vmul.f32 v36, v5  }
0x25c: {  	p1 =	seq.s32 s26, $0x1F;
	[tilespmem:v46+s20+$0x0] =	vst.idx.msk $0xffff, v63;
	v6 =	vadd.f32 v6, v37  }
0x25d: {  	s0 =	sadd.s32 @!p1 s9, s28;
	[tilespmem:v11+s20+$0x0] =	vst.idx.msk $0xffff, v4;
	v4 =	vadd.f32 v5, v9  }
0x25e: {  	s2 =	simm.s32 @!p1 $0x10;
	s0 =	sshrl.u32 @!p1 s0, $0x3;
	[tilespmem:v12+s20+$0x0] =	vst.idx.msk $0xffff, v6  }
0x25f: {  	s13 =	simm.s32 @!p1 $0x80;
	s29 =	simm.s32 @!p1 $0x8000;
	s0 =	sadd.s32 @!p1 s1, s0;
	[tilespmem:v13+s20+$0x0] =	vst.idx.msk $0xffff, v4  }
0x260: {  	[tilespmem:s29], [sflag:$0x1] =	stream.strided.gather @!p1 [hbm4b:s0+s2], $0x4000, s13, s2, $0x38;
	[tilespmem:$0x1A510] =	vst v63  }
0x261: {  	s13 =	sshll.u32 s26, $0xB  }
0x262: {  	s0 =	sor.u32 s11, s13  }
0x263: {  	s29 =	sshrl.u32 s0, $0x3  }
0x264: {  	s0 =	sadd.s32 s4, s29  }
0x265: {  	s17 =	simm.s32 $0x10000;
	s13 =	sadd.s32 $0x0, s0  }
0x266: {  	[hbm4b:s13+s3] =	stream.linear.scatter [tilespmem:s17], [sflag:$0x3], $0x100, $0x38;
	[tilespmem:$0x1A510] =	vst v63  }
0x267: {  	v63 =	vld [tilespmem:$0x1FF60];
	s17 =	simm.s32 $0x10108;
	s30 =	sadd.s32 $0x20, s13  }
0x268: {  	[hbm4b:s30+s3] =	stream.linear.scatter [tilespmem:s17], [sflag:$0x3], $0x100, $0x38;
	[tilespmem:$0x1A510] =	vst v63  }
0x269: {  	s31 =	simm.s32 $0x10318;
	s17 =	simm.s32 $0x10210;
	s30 =	sadd.s32 $0x40, s13  }
0x26a: {  	[hbm4b:s30+s3] =	stream.linear.scatter [tilespmem:s17], [sflag:$0x3], $0x100, $0x38;
	[tilespmem:$0x1A510] =	vst v63  }
0x26b: {  	s2 =	simm.s32 $0x2000;
	s13 =	sadd.s32 $0x60, s13;
	s30 =	simm.s32 $0x10528  }
.LBB2_23:
0x26c: {  	[hbm4b:s13+s3] =	stream.linear.scatter [tilespmem:s31], [sflag:$0x3], $0x100, $0x38;
	[tilespmem:$0x1A510] =	vst v63  }
0x26d: {  	s13 =	sadd.s32 s2, s0;
	p2 =	sne.s32 s2, $0x1E000;
	s2 =	sadd.s32 $0x2000, s2  }
0x26e: {  	[hbm4b:s13+s3] =	stream.linear.scatter [tilespmem:s30], [sflag:$0x3], $0x100, $0x38;
	[tilespmem:$0x1A510] =	vst v63  }
.Ltmp12:
0x26f: {  	s31 =	sadd.s32 $0x108, s30;
	s17 =	sadd.s32 $0x20, s13;
	(pc) =	sbr.rel @p2 .LBB2_23-.Ltmp12, $4  }
0x270: {  	[hbm4b:s17+s3] =	stream.linear.scatter [tilespmem:s31], [sflag:$0x3], $0x100, $0x38;
	[tilespmem:$0x1A510] =	vst v63  }
0x271: {  	s17 =	sadd.s32 $0x210, s30;
	s31 =	sadd.s32 $0x40, s13  }
0x272: {  	[hbm4b:s31+s3] =	stream.linear.scatter [tilespmem:s17], [sflag:$0x3], $0x100, $0x38;
	[tilespmem:$0x1A510] =	vst v63  }
0x273: {  	s13 =	sadd.s32 $0x60, s13;
	s31 =	sadd.s32 $0x318, s30;
	s30 =	sadd.s32 $0x528, s30  }
0x274: {  	[tilespmem:$0x1FDF0] =	vst v32  }
0x275: {  	[tilespmem:$0x1FE00] =	vst v23  }
0x276: {  	[tilespmem:$0x1FE10] =	vst v22  }
0x277: {  	[hbm4b:s13+s3] =	stream.linear.scatter [tilespmem:s31], [sflag:$0x3], $0x100, $0x38;
	[tilespmem:$0x1A510] =	vst v63  }
0x278: {  	_ =	swait.ge [sflag:s21], $0x4000  }
0x279: {  	[sflag:s21] =	ssyncset.done $0x0  }
0x27a: {  	s0 =	simm.s32 @!p0 $0x4;
	[sflag:s21] =	ssyncadd.s32 $0xFFFFC000  }
0x27b: {  	_ =	swait.ge @!p0 [sflag:s0], $0x4000  }
0x27c: {  	[sflag:s0] =	ssyncset.done @!p0 $0x0  }
0x27d: {  	[sflag:s0] =	ssyncadd.s32 @!p0 $0xFFFFC000;
	s0 =	simm.s32 $0xC070  }
0x27e: {  	v4 =	vld [tilespmem:s0+$0x0];
	_ =	sdelay $0x3  }
0x27f: {  	s2 =	simm.s32 $0x0;
	s17 =	simm.s32 $0x3;
	v61 =	vld [tilespmem:$0x1FF70]  }
0x280: {  	s13 =	simm.s32 $0x2;
	v7 =	vmov s2;
	v12 =	vmov s17;
	s17 =	simm.s32 $0x4;
	v5 =	vld [tilespmem:s0+$0xFFFFFFA0];
	v4 =	vmul.f32 v4, v19  }
0x281: {  	s2 =	simm.s32 $0x1;
	v11 =	vmov s13;
	v7 =	vshrl.u32 v7, $0x3;
	v14 =	vmov s17;
	s17 =	simm.s32 $0x6;
	v6 =	vld [tilespmem:s0+$0xFFFFFFB0]  }
0x282: {  	v9 =	vmov s2;
	v17 =	vmov s17;
	s17 =	simm.s32 $0x7;
	v8 =	vld [tilespmem:s0+$0xFFFFFFC0];
	v4 =	vadd.f32 $-1.000000000e+01, v4  }
0x283: {  	v11 =	vshrl.u32 v11, $0x3;
	v7 =	vshll.u32 v7, v3;
	v49 =	vmov s17;
	v18 =	vld [tilespmem:s0+$0xFFFFFF90]  }
0x284: {  	v9 =	vshrl.u32 v9, $0x3;
	v49 =	vshrl.u32 v49, $0x3;
	v10 =	vld [tilespmem:s0+$0xFFFFFFD0];
	v20 =	vtrunc.f32 v4  }
0x285: {  	v11 =	vshll.u32 v11, v3;
	v49 =	vshll.u32 v49, v3;
	v13 =	vld [tilespmem:s0+$0xFFFFFFE0];
	v20 =	vcvt.f32.s32 v20  }
0x286: {  	v7 =	vbroadcast v7, $0x0;
	v9 =	vshll.u32 v9, v3;
	v16 =	vld [tilespmem:s0+$0xFFFFFFF0];
	v49 =	vbroadcast v49, $0x0  }
0x287: {  	v11 =	vbroadcast v11, $0x0;
	v9 =	vbroadcast v9, $0x0;
	v36 =	vshll.u32 v20, $0x4  }
0x288: {  	v49 =	vadd.s32 v61, v49;
	v18 =	vmul.f32 v18, v19;
	v38 =	vor.u32 v0, v36  }
0x289: {  	v5 =	vmul.f32 v5, v19;
	v6 =	vmul.f32 v6, v19;
	v36 =	vadd.s32 v2, v36  }
0x28a: {  	v8 =	vmul.f32 v8, v19;
	v10 =	vmul.f32 v10, v19;
	v18 =	vadd.f32 $-1.000000000e+01, v18  }
0x28b: {  	v13 =	vmul.f32 v13, v19;
	v16 =	vmul.f32 v16, v19;
	v5 =	vadd.f32 $-1.000000000e+01, v5  }
0x28c: {  	v6 =	vadd.f32 $-1.000000000e+01, v6;
	v8 =	vadd.f32 $-1.000000000e+01, v8;
	v42 =	vtrunc.f32 v18  }
0x28d: {  	v10 =	vadd.f32 $-1.000000000e+01, v10;
	v13 =	vadd.f32 $-1.000000000e+01, v13;
	v42 =	vcvt.f32.s32 v42;
	v38 =	vld.idx.msk [tilespmem:v38+s3+$0x0], $0xffff  }
0x28e: {  	v16 =	vadd.f32 $-1.000000000e+01, v16;
	v21 =	vtrunc.f32 v5;
	v37 =	vtrunc.f32 v6;
	v36 =	vld.idx.msk [tilespmem:v36+s3+$0x0], $0xffff  }
0x28f: {  	v39 =	vtrunc.f32 v8;
	v21 =	vcvt.f32.s32 v21;
	v44 =	vshll.u32 v42, $0x4  }
0x290: {  	v40 =	vtrunc.f32 v10;
	v37 =	vcvt.f32.s32 v37;
	v52 =	vor.u32 v0, v44  }
0x291: {  	v45 =	vshll.u32 v21, $0x4;
	v20 =	vcvt.s32.f32 v20;
	v44 =	vadd.s32 v2, v44  }
0x292: {  	v41 =	vtrunc.f32 v13;
	v46 =	vshll.u32 v37, $0x4;
	v53 =	vor.u32 v0, v45  }
0x293: {  	v45 =	vadd.s32 v2, v45;
	v4 =	vsub.f32 v4, v20;
	v20 =	vsub.f32 v36, v38  }
0x294: {  	v43 =	vtrunc.f32 v16;
	v39 =	vcvt.f32.s32 v39;
	v36 =	vor.u32 v0, v46  }
0x295: {  	v7 =	vadd.s32 v1, v7;
	v40 =	vcvt.f32.s32 v40;
	v52 =	vld.idx.msk [tilespmem:v52+s3+$0x0], $0xffff;
	v4 =	vmul.f32 v4, v20  }
0x296: {  	v41 =	vcvt.f32.s32 v41;
	v43 =	vcvt.f32.s32 v43;
	v44 =	vld.idx.msk [tilespmem:v44+s3+$0x0], $0xffff;
	v46 =	vadd.s32 v2, v46  }
0x297: {  	v47 =	vshll.u32 v39, $0x4;
	v48 =	vshll.u32 v40, $0x4;
	v32 =	vld.idx.msk [tilespmem:v53+s3+$0x0], $0xffff;
	v4 =	vadd.f32 v4, v38  }
0x298: {  	v50 =	vshll.u32 v41, $0x4;
	v51 =	vshll.u32 v43, $0x4;
	v54 =	vor.u32 v0, v47;
	v45 =	vld.idx.msk [tilespmem:v45+s3+$0x0], $0xffff  }
0x299: {  	v62 =	vcvt.s32.f32 v42;
	v21 =	vcvt.s32.f32 v21;
	v20 =	vor.u32 v0, v48;
	v36 =	vld.idx.msk [tilespmem:v36+s3+$0x0], $0xffff;
	[tilespmem:v49+s22+$0x0] =	vst.idx.msk $0xffff, v4  }
0x29a: {  	v37 =	vcvt.s32.f32 v37;
	v39 =	vcvt.s32.f32 v39;
	v47 =	vadd.s32 v2, v47;
	v22 =	vld [tilespmem:$0x1FF10]  }
0x29b: {  	v48 =	vadd.s32 v2, v48;
	v53 =	vld.idx.msk [tilespmem:v46+s3+$0x0], $0xffff;
	v4 =	vsub.f32 v18, v62;
	v18 =	vcvt.s32.f32 v40  }
0x29c: {  	v5 =	vsub.f32 v5, v21;
	v21 =	vcvt.s32.f32 v43;
	v8 =	vsub.f32 v8, v39;
	v23 =	vld [tilespmem:$0x1FF20]  }
0x29d: {  	v55 =	vor.u32 v0, v50;
	v10 =	vsub.f32 v10, v18;
	v18 =	vld.idx.msk [tilespmem:v54+s3+$0x0], $0xffff;
	v54 =	vsub.f32 v44, v52  }
0x29e: {  	v50 =	vadd.s32 v2, v50;
	v39 =	vsub.f32 v16, v21;
	v16 =	vld.idx.msk [tilespmem:v20+s3+$0x0], $0xffff;
	v20 =	vsub.f32 v45, v32  }
0x29f: {  	v56 =	vor.u32 v0, v51;
	v4 =	vmul.f32 v4, v54;
	v9 =	vadd.s32 v22, v9  }
0x2a0: {  	v6 =	vsub.f32 v6, v37;
	v21 =	vld.idx.msk [tilespmem:v48+s3+$0x0], $0xffff;
	v5 =	vmul.f32 v5, v20;
	v20 =	vsub.f32 v53, v36  }
0x2a1: {  	v51 =	vadd.s32 v2, v51;
	v57 =	vld.idx.msk [tilespmem:v47+s3+$0x0], $0xffff;
	v4 =	vadd.f32 v4, v52;
	v11 =	vadd.s32 v23, v11  }
0x2a2: {  	v43 =	vld.idx.msk [tilespmem:v55+s3+$0x0], $0xffff;
	v5 =	vadd.f32 v5, v32;
	v6 =	vmul.f32 v6, v20  }
0x2a3: {  	v58 =	vld.idx.msk [tilespmem:v50+s3+$0x0], $0xffff;
	[tilespmem:v7+s22+$0x0] =	vst.idx.msk $0xffff, v4  }
0x2a4: {  	s13 =	simm.s32 $0x5;
	v6 =	vadd.f32 v6, v36;
	v24 =	vld [tilespmem:$0x1FF30];
	[tilespmem:v9+s22+$0x0] =	vst.idx.msk $0xffff, v5  }
0x2a5: {  	v15 =	vmov s13;
	v12 =	vshrl.u32 v12, $0x3;
	v62 =	vsub.f32 v21, v16;
	v25 =	vld [tilespmem:$0x1FF40]  }
0x2a6: {  	v14 =	vshrl.u32 v14, $0x3;
	v15 =	vshrl.u32 v15, $0x3;
	v12 =	vshll.u32 v12, v3;
	v59 =	vld.idx.msk [tilespmem:v51+s3+$0x0], $0xffff;
	[tilespmem:v11+s22+$0x0] =	vst.idx.msk $0xffff, v6  }
0x2a7: {  	v12 =	vbroadcast v12, $0x0;
	v14 =	vshll.u32 v14, v3;
	v9 =	vmul.f32 v10, v62;
	v62 =	vld [tilespmem:$0x1FF50]  }
0x2a8: {  	v49 =	vcvt.s32.f32 v41;
	v41 =	vld.idx.msk [tilespmem:v56+s3+$0x0], $0xffff;
	v20 =	vsub.f32 v57, v18;
	v4 =	vbroadcast v14, $0x0  }
0x2a9: {  	v17 =	vshrl.u32 v17, $0x3;
	v7 =	vshll.u32 v15, v3;
	v38 =	vadd.s32 v24, v12  }
0x2aa: {  	v8 =	vmul.f32 v8, v20;
	v5 =	vbroadcast v7, $0x0;
	v36 =	vadd.s32 v25, v4  }
0x2ab: {  	s30 =	simm.s32 $0xC0F0;
	v13 =	vsub.f32 v13, v49;
	v7 =	vshll.u32 v17, v3;
	v10 =	vsub.f32 v58, v43  }
0x2ac: {  	v42 =	vadd.f32 v8, v18;
	v11 =	vbroadcast v7, $0x0;
	v4 =	vld [tilespmem:s30+$0x0];
	v37 =	vadd.s32 v62, v5  }
0x2ad: {  	s31 =	simm.s32 $0x10;
	s0 =	simm.s32 $0x8;
	v6 =	vsub.f32 v59, v41;
	v40 =	vadd.f32 v9, v16;
	v7 =	vmul.f32 v13, v10;
	v5 =	vld [tilespmem:s30+$0xFFFFFFA0]  }
.LBB2_25:
0x2ae: {  	p0 =	slt.u32 s31, $0xF8;
	v8 =	vmov s0;
	v9 =	vld [tilespmem:s30+$0xFFFFFFB0];
	[tilespmem:v38+s22+$0x0] =	vst.idx.msk $0xffff, v42;
	v10 =	vadd.s32 v63, v11  }
0x2af: {  	s2 =	sadd.s32 $0x1, s0;
	s13 =	sadd.s32 $0x2, s0;
	s17 =	sadd.s32 $0x3, s0;
	v8 =	vshrl.u32 v8, $0x3;
	v11 =	vld [tilespmem:s30+$0xFFFFFFC0];
	[tilespmem:v36+s22+$0x0] =	vst.idx.msk $0xffff, v40;
	v7 =	vadd.f32 v7, v43;
	v6 =	vmul.f32 v39, v6  }
0x2b0: {  	v12 =	vmov s2;
	v13 =	vmov s13;
	v14 =	vmov s17;
	s2 =	sadd.s32 $0x4, s0;
	v15 =	vld [tilespmem:s30+$0xFFFFFFD0]  }
0x2b1: {  	s13 =	sadd.s32 $0x6, s0;
	v16 =	vmov s2;
	s2 =	sadd.s32 $0x5, s0;
	v17 =	vld [tilespmem:s30+$0xFFFFFFE0];
	v4 =	vmul.f32 v4, v19;
	[tilespmem:v37+s22+$0x0] =	vst.idx.msk $0xffff, v7;
	v6 =	vadd.f32 v6, v41  }
0x2b2: {  	v20 =	vmov s13;
	v7 =	vmov s2;
	v5 =	vmul.f32 v5, v19;
	v18 =	vld [tilespmem:s30+$0xFFFFFFF0]  }
0x2b3: {  	v8 =	vshll.u32 v8, v3;
	v21 =	vld [tilespmem:s30+$0xFFFFFF90];
	v9 =	vmul.f32 v9, v19;
	v4 =	vadd.f32 $-1.000000000e+01, v4;
	[tilespmem:v10+s22+$0x0] =	vst.idx.msk $0xffff, v6  }
0x2b4: {  	v6 =	vshrl.u32 v12, $0x3;
	v5 =	vadd.f32 $-1.000000000e+01, v5;
	v10 =	vmul.f32 v11, v19  }
0x2b5: {  	v9 =	vadd.f32 $-1.000000000e+01, v9;
	v11 =	vmul.f32 v15, v19;
	v12 =	vtrunc.f32 v4  }
0x2b6: {  	v10 =	vadd.f32 $-1.000000000e+01, v10;
	v15 =	vmul.f32 v17, v19;
	v12 =	vcvt.f32.s32 v12  }
0x2b7: {  	v17 =	vtrunc.f32 v5;
	v11 =	vadd.f32 $-1.000000000e+01, v11;
	v18 =	vmul.f32 v18, v19  }
0x2b8: {  	v21 =	vmul.f32 v21, v19;
	v15 =	vadd.f32 $-1.000000000e+01, v15;
	v36 =	vshll.u32 v12, $0x4  }
0x2b9: {  	v37 =	vtrunc.f32 v9;
	v18 =	vadd.f32 $-1.000000000e+01, v18;
	v38 =	vor.u32 v0, v36  }
0x2ba: {  	v39 =	vtrunc.f32 v10;
	v36 =	vadd.s32 v2, v36;
	v21 =	vadd.f32 $-1.000000000e+01, v21  }
0x2bb: {  	v13 =	vshrl.u32 v13, $0x3;
	v40 =	vtrunc.f32 v11;
	v41 =	vtrunc.f32 v15  }
0x2bc: {  	v14 =	vshrl.u32 v14, $0x3;
	v43 =	vtrunc.f32 v18;
	v42 =	vtrunc.f32 v21  }
0x2bd: {  	v16 =	vshrl.u32 v16, $0x3;
	v17 =	vcvt.f32.s32 v17;
	v42 =	vcvt.f32.s32 v42  }
0x2be: {  	v7 =	vshrl.u32 v7, $0x3;
	v37 =	vcvt.f32.s32 v37;
	v39 =	vcvt.f32.s32 v39;
	v38 =	vld.idx.msk [tilespmem:v38+s3+$0x0], $0xffff  }
0x2bf: {  	v40 =	vcvt.f32.s32 v40;
	v41 =	vcvt.f32.s32 v41;
	v44 =	vshll.u32 v42, $0x4;
	v36 =	vld.idx.msk [tilespmem:v36+s3+$0x0], $0xffff  }
0x2c0: {  	s2 =	sadd.s32 $0x7, s0;
	s0 =	smov.u32 s31;
	v45 =	vshll.u32 v17, $0x4;
	v46 =	vshll.u32 v37, $0x4;
	v43 =	vcvt.f32.s32 v43  }
0x2c1: {  	v49 =	vmov s2;
	v47 =	vshll.u32 v39, $0x4;
	v48 =	vshll.u32 v40, $0x4  }
0x2c2: {  	v49 =	vshrl.u32 v49, $0x3;
	v50 =	vshll.u32 v41, $0x4;
	v51 =	vshll.u32 v43, $0x4  }
0x2c3: {  	v49 =	vshll.u32 v49, v3;
	v12 =	vcvt.s32.f32 v12;
	v52 =	vor.u32 v0, v44  }
0x2c4: {  	v49 =	vbroadcast v49, $0x0;
	v53 =	vor.u32 v0, v45;
	v44 =	vadd.s32 v2, v44  }
0x2c5: {  	v45 =	vadd.s32 v2, v45;
	v4 =	vsub.f32 v4, v12;
	v12 =	vsub.f32 v36, v38  }
0x2c6: {  	v49 =	vadd.s32 v61, v49;
	v36 =	vor.u32 v0, v46;
	v46 =	vadd.s32 v2, v46  }
0x2c7: {  	v54 =	vor.u32 v0, v47;
	v47 =	vadd.s32 v2, v47;
	v4 =	vmul.f32 v4, v12  }
0x2c8: {  	v55 =	vor.u32 v0, v50;
	v12 =	vld.idx.msk [tilespmem:v52+s3+$0x0], $0xffff;
	v52 =	vor.u32 v0, v48;
	v48 =	vadd.s32 v2, v48  }
0x2c9: {  	v50 =	vadd.s32 v2, v50;
	v56 =	vor.u32 v0, v51;
	v4 =	vadd.f32 v4, v38;
	v44 =	vld.idx.msk [tilespmem:v44+s3+$0x0], $0xffff  }
0x2ca: {  	v17 =	vcvt.s32.f32 v17;
	v51 =	vadd.s32 v2, v51;
	v38 =	vcvt.s32.f32 v42;
	v42 =	vld.idx.msk [tilespmem:v53+s3+$0x0], $0xffff  }
0x2cb: {  	v20 =	vshrl.u32 v20, $0x3;
	v37 =	vcvt.s32.f32 v37;
	v39 =	vcvt.s32.f32 v39;
	v45 =	vld.idx.msk [tilespmem:v45+s3+$0x0], $0xffff;
	[tilespmem:v49+s22+$0x0] =	vst.idx.msk $0xffff, v4  }
0x2cc: {  	v4 =	vsub.f32 v21, v38;
	v38 =	vcvt.s32.f32 v41;
	v21 =	vld.idx.msk [tilespmem:v36+s3+$0x0], $0xffff;
	v36 =	vcvt.s32.f32 v40  }
0x2cd: {  	v5 =	vsub.f32 v5, v17;
	v9 =	vsub.f32 v9, v37;
	v37 =	vcvt.s32.f32 v43;
	v17 =	vld.idx.msk [tilespmem:v46+s3+$0x0], $0xffff  }
0x2ce: {  	v8 =	vbroadcast v8, $0x0;
	v10 =	vsub.f32 v10, v39;
	v40 =	vld.idx.msk [tilespmem:v54+s3+$0x0], $0xffff;
	v11 =	vsub.f32 v11, v36  }
0x2cf: {  	v6 =	vshll.u32 v6, v3;
	v15 =	vsub.f32 v15, v38;
	v36 =	vsub.f32 v44, v12;
	v44 =	vld.idx.msk [tilespmem:v47+s3+$0x0], $0xffff  }
0x2d0: {  	v13 =	vshll.u32 v13, v3;
	v6 =	vbroadcast v6, $0x0;
	v39 =	vsub.f32 v18, v37;
	v46 =	vld.idx.msk [tilespmem:v52+s3+$0x0], $0xffff  }
0x2d1: {  	v8 =	vadd.s32 v1, v8;
	v4 =	vmul.f32 v4, v36;
	v18 =	vsub.f32 v45, v42;
	v36 =	vld.idx.msk [tilespmem:v48+s3+$0x0], $0xffff  }
0x2d2: {  	v14 =	vshll.u32 v14, v3;
	v13 =	vbroadcast v13, $0x0;
	v6 =	vadd.s32 v22, v6;
	v43 =	vld.idx.msk [tilespmem:v55+s3+$0x0], $0xffff  }
0x2d3: {  	v4 =	vadd.f32 v4, v12;
	v5 =	vmul.f32 v5, v18;
	v12 =	vsub.f32 v17, v21;
	v17 =	vld.idx.msk [tilespmem:v50+s3+$0x0], $0xffff  }
0x2d4: {  	v14 =	vbroadcast v14, $0x0;
	v16 =	vshll.u32 v16, v3;
	v13 =	vadd.s32 v23, v13;
	v41 =	vld.idx.msk [tilespmem:v56+s3+$0x0], $0xffff  }
0x2d5: {  	v5 =	vadd.f32 v5, v42;
	v9 =	vmul.f32 v9, v12;
	v12 =	vsub.f32 v44, v40;
	v18 =	vld.idx.msk [tilespmem:v51+s3+$0x0], $0xffff  }
0x2d6: {  	v7 =	vshll.u32 v7, v3;
	v38 =	vadd.s32 v24, v14;
	[tilespmem:v8+s22+$0x0] =	vst.idx.msk $0xffff, v4;
	v4 =	vbroadcast v16, $0x0  }
.Ltmp13:
0x2d7: {  	v8 =	vadd.f32 v9, v21;
	v9 =	vmul.f32 v10, v12;
	v10 =	vsub.f32 v36, v46;
	(pc) =	sbr.rel @p0 .LBB2_25-.Ltmp13, $4  }
0x2d8: {  	[tilespmem:v6+s22+$0x0] =	vst.idx.msk $0xffff, v5;
	v36 =	vadd.s32 v25, v4;
	v5 =	vbroadcast v7, $0x0;
	v6 =	vshll.u32 v20, v3  }
0x2d9: {  	s30 =	sadd.s32 $0x80, s30;
	v42 =	vadd.f32 v9, v40;
	v7 =	vmul.f32 v11, v10;
	v9 =	vsub.f32 v17, v43  }
0x2da: {  	v11 =	vbroadcast v6, $0x0;
	v4 =	vld [tilespmem:s30+$0x0];
	[tilespmem:v13+s22+$0x0] =	vst.idx.msk $0xffff, v8;
	v37 =	vadd.s32 v62, v5  }
0x2db: {  	s31 =	sadd.s32 $0x8, s31;
	v40 =	vadd.f32 v7, v46;
	v7 =	vmul.f32 v15, v9;
	v6 =	vsub.f32 v18, v41;
	v5 =	vld [tilespmem:s30+$0xFFFFFFA0]  }
0x2dc: {  	[tilespmem:$0x1FDA0] =	vst v30;
	v8 =	vmov s0  }
0x2dd: {  	[tilespmem:$0x1FDC0] =	vst v26;
	v26 =	vadd.s32 v63, v11;
	s2 =	sadd.s32 $0x1, s0;
	v8 =	vshrl.u32 v8, $0x3  }
0x2de: {  	[tilespmem:$0x1FDB0] =	vst v27;
	s13 =	sadd.s32 $0x2, s0;
	s17 =	sadd.s32 $0x3, s0;
	s31 =	sadd.s32 $0x6, s0;
	v7 =	vadd.f32 v7, v43;
	v6 =	vmul.f32 v39, v6;
	v12 =	vmov s2  }
0x2df: {  	v9 =	vld [tilespmem:s30+$0xFFFFFFB0];
	v13 =	vmov s13;
	s13 =	sadd.s32 $0x4, s0;
	v15 =	vmov s17;
	s17 =	sadd.s32 $0x5, s0;
	v21 =	vmov s31  }
0x2e0: {  	v11 =	vld [tilespmem:s30+$0xFFFFFFC0];
	v16 =	vmov s13;
	v18 =	vmov s17;
	v8 =	vshll.u32 v8, v3  }
0x2e1: {  	v14 =	vld [tilespmem:s30+$0xFFFFFFD0];
	v12 =	vshrl.u32 v12, $0x3;
	v13 =	vshrl.u32 v13, $0x3;
	v15 =	vshrl.u32 v15, $0x3  }
0x2e2: {  	v17 =	vld [tilespmem:s30+$0xFFFFFFE0];
	s13 =	sadd.s32 $0x7, s0;
	v21 =	vshrl.u32 v21, $0x3;
	v4 =	vmul.f32 v4, v19;
	v10 =	vadd.f32 v6, v41  }
0x2e3: {  	v20 =	vld [tilespmem:s30+$0xFFFFFFF0];
	v16 =	vshrl.u32 v16, $0x3;
	v18 =	vshrl.u32 v18, $0x3;
	v57 =	vmov s13  }
0x2e4: {  	v54 =	vld [tilespmem:s30+$0xFFFFFF90];
	v8 =	vbroadcast v8, $0x0;
	v12 =	vshll.u32 v12, v3;
	v13 =	vshll.u32 v13, v3  }
0x2e5: {  	v15 =	vshll.u32 v15, v3;
	v5 =	vmul.f32 v5, v19;
	v12 =	vbroadcast v12, $0x0  }
0x2e6: {  	v57 =	vshrl.u32 v57, $0x3;
	v13 =	vbroadcast v13, $0x0;
	v15 =	vbroadcast v15, $0x0  }
0x2e7: {  	v4 =	vadd.f32 $-1.000000000e+01, v4;
	v9 =	vmul.f32 v9, v19;
	v11 =	vmul.f32 v11, v19  }
0x2e8: {  	v57 =	vshll.u32 v57, v3;
	v14 =	vmul.f32 v14, v19;
	v17 =	vmul.f32 v17, v19  }
0x2e9: {  	v6 =	vadd.f32 $-1.000000000e+01, v5;
	v20 =	vmul.f32 v20, v19;
	v39 =	vmul.f32 v54, v19  }
0x2ea: {  	[tilespmem:v38+s22+$0x0] =	vst.idx.msk $0xffff, v42;
	v38 =	vbroadcast v57, $0x0;
	v55 =	vtrunc.f32 v4;
	v9 =	vadd.f32 $-1.000000000e+01, v9  }
0x2eb: {  	v41 =	vcvt.f32.s32 v55;
	v11 =	vadd.f32 $-1.000000000e+01, v11;
	v14 =	vadd.f32 $-1.000000000e+01, v14  }
0x2ec: {  	v56 =	vtrunc.f32 v6;
	v17 =	vadd.f32 $-1.000000000e+01, v17;
	v39 =	vadd.f32 $-1.000000000e+01, v39  }
0x2ed: {  	v20 =	vadd.f32 $-1.000000000e+01, v20;
	v38 =	vadd.s32 v61, v38;
	v44 =	vshll.u32 v41, $0x4  }
0x2ee: {  	v43 =	vcvt.f32.s32 v56;
	v50 =	vtrunc.f32 v39;
	v46 =	vor.u32 v0, v44  }
0x2ef: {  	v45 =	vtrunc.f32 v9;
	v44 =	vadd.s32 v2, v44;
	v50 =	vcvt.f32.s32 v50  }
0x2f0: {  	v47 =	vtrunc.f32 v11;
	v48 =	vtrunc.f32 v14;
	v53 =	vshll.u32 v43, $0x4  }
0x2f1: {  	v49 =	vtrunc.f32 v17;
	v42 =	vadd.s32 v2, v53;
	v52 =	vshll.u32 v50, $0x4  }
0x2f2: {  	v51 =	vtrunc.f32 v20;
	v45 =	vcvt.f32.s32 v45;
	v60 =	vor.u32 v0, v52  }
0x2f3: {  	v41 =	vcvt.s32.f32 v41;
	v47 =	vcvt.f32.s32 v47;
	v52 =	vadd.s32 v2, v52;
	v46 =	vld.idx.msk [tilespmem:v46+s3+$0x0], $0xffff  }
0x2f4: {  	v48 =	vcvt.f32.s32 v48;
	v5 =	vor.u32 v0, v53;
	v54 =	vshll.u32 v45, $0x4;
	v44 =	vld.idx.msk [tilespmem:v44+s3+$0x0], $0xffff  }
0x2f5: {  	[tilespmem:v36+s22+$0x0] =	vst.idx.msk $0xffff, v40;
	v49 =	vcvt.f32.s32 v49;
	v51 =	vcvt.f32.s32 v51;
	v32 =	vor.u32 v0, v54  }
0x2f6: {  	v4 =	vsub.f32 v4, v41;
	v55 =	vshll.u32 v47, $0x4;
	v53 =	vadd.s32 v2, v54;
	v42 =	vld.idx.msk [tilespmem:v42+s3+$0x0], $0xffff  }
0x2f7: {  	v56 =	vshll.u32 v48, $0x4;
	v54 =	vor.u32 v0, v55;
	v41 =	vadd.s32 v2, v55;
	v55 =	vld.idx.msk [tilespmem:v60+s3+$0x0], $0xffff  }
0x2f8: {  	[tilespmem:v37+s22+$0x0] =	vst.idx.msk $0xffff, v7;
	v58 =	vshll.u32 v49, $0x4;
	v59 =	vshll.u32 v51, $0x4;
	v50 =	vcvt.s32.f32 v50;
	v52 =	vld.idx.msk [tilespmem:v52+s3+$0x0], $0xffff  }
0x2f9: {  	v61 =	vcvt.s32.f32 v45;
	v40 =	vadd.s32 v2, v59;
	v60 =	vld.idx.msk [tilespmem:v5+s3+$0x0], $0xffff;
	v57 =	vsub.f32 v44, v46  }
0x2fa: {  	v39 =	vsub.f32 v39, v50;
	v50 =	vor.u32 v0, v59;
	v37 =	vld.idx.msk [tilespmem:v32+s3+$0x0], $0xffff;
	v32 =	vcvt.s32.f32 v48  }
0x2fb: {  	v48 =	vcvt.s32.f32 v49;
	v49 =	vld.idx.msk [tilespmem:v53+s3+$0x0], $0xffff;
	v4 =	vmul.f32 v4, v57;
	v57 =	vor.u32 v0, v56  }
0x2fc: {  	[tilespmem:v26+s22+$0x0] =	vst.idx.msk $0xffff, v10;
	v36 =	vcvt.s32.f32 v43;
	v7 =	vcvt.s32.f32 v47;
	v10 =	vld.idx.msk [tilespmem:v54+s3+$0x0], $0xffff;
	v56 =	vadd.s32 v2, v56  }
0x2fd: {  	v9 =	vsub.f32 v9, v61;
	v41 =	vld.idx.msk [tilespmem:v41+s3+$0x0], $0xffff;
	v4 =	vadd.f32 v4, v46;
	v46 =	vor.u32 v0, v58  }
0x2fe: {  	v5 =	vsub.f32 v6, v36;
	v6 =	vcvt.s32.f32 v51;
	v40 =	vld.idx.msk [tilespmem:v40+s3+$0x0], $0xffff;
	v58 =	vadd.s32 v2, v58  }
0x2ff: {  	v16 =	vshll.u32 v16, v3;
	v7 =	vsub.f32 v11, v7;
	v26 =	vld.idx.msk [tilespmem:v50+s3+$0x0], $0xffff;
	v11 =	vsub.f32 v14, v32  }
0x300: {  	v8 =	vadd.s32 v1, v8;
	v17 =	vsub.f32 v17, v48;
	v6 =	vsub.f32 v20, v6;
	v54 =	vld.idx.msk [tilespmem:v57+s3+$0x0], $0xffff  }
0x301: {  	v12 =	vadd.s32 v22, v12;
	v53 =	vsub.f32 v52, v55;
	v36 =	vsub.f32 v49, v37;
	v20 =	vld.idx.msk [tilespmem:v56+s3+$0x0], $0xffff  }
0x302: {  	v13 =	vadd.s32 v23, v13;
	v32 =	vsub.f32 v41, v10;
	v57 =	vsub.f32 v42, v60;
	v59 =	vld.idx.msk [tilespmem:v46+s3+$0x0], $0xffff  }
0x303: {  	v41 =	vbroadcast v16, $0x0;
	v16 =	vshll.u32 v18, v3;
	v14 =	vmul.f32 v39, v53;
	v61 =	vld.idx.msk [tilespmem:v58+s3+$0x0], $0xffff  }
0x304: {  	v45 =	vbroadcast v16, $0x0;
	v16 =	vshll.u32 v21, v3;
	v5 =	vmul.f32 v5, v57  }
0x305: {  	v48 =	vsub.f32 v40, v26;
	v9 =	vmul.f32 v9, v36;
	v14 =	vadd.f32 v14, v55  }
0x306: {  	v7 =	vmul.f32 v7, v32;
	[tilespmem:v38+s22+$0x0] =	vst.idx.msk $0xffff, v4;
	v4 =	vadd.f32 v5, v60  }
0x307: {  	[tilespmem:v8+s22+$0x0] =	vst.idx.msk $0xffff, v14;
	v5 =	vadd.s32 v24, v15;
	v8 =	vsub.f32 v20, v54  }
0x308: {  	v47 =	vbroadcast v16, $0x0;
	[tilespmem:v12+s22+$0x0] =	vst.idx.msk $0xffff, v4;
	v4 =	vadd.s32 v25, v41;
	v46 =	vsub.f32 v61, v59  }
0x309: {  	v9 =	vadd.f32 v9, v37;
	v8 =	vmul.f32 v11, v8;
	v11 =	vadd.s32 v62, v45  }
0x30a: {  	v7 =	vadd.f32 v7, v10;
	v49 =	vadd.s32 v63, v47;
	v10 =	vmul.f32 v17, v46  }
0x30b: {  	v6 =	vmul.f32 v6, v48;
	[tilespmem:v13+s22+$0x0] =	vst.idx.msk $0xffff, v9;
	v8 =	vadd.f32 v8, v54  }
0x30c: {  	[tilespmem:v5+s22+$0x0] =	vst.idx.msk $0xffff, v7;
	v5 =	vadd.f32 v10, v59  }
0x30d: {  	[tilespmem:v4+s22+$0x0] =	vst.idx.msk $0xffff, v8;
	v4 =	vadd.f32 v6, v26  }
0x30e: {  	[tilespmem:v11+s22+$0x0] =	vst.idx.msk $0xffff, v5  }
0x30f: {  	s17 =	simm.s32 $0xD070;
	[tilespmem:v49+s22+$0x0] =	vst.idx.msk $0xffff, v4  }
0x310: {  	v4 =	vld [tilespmem:s17+$0x0]  }
0x311: {  	v5 =	vld [tilespmem:s17+$0xFFFFFF90]  }
0x312: {  	v6 =	vld [tilespmem:s17+$0xFFFFFFA0]  }
0x313: {  	v7 =	vld [tilespmem:s17+$0xFFFFFFB0]  }
0x314: {  	v8 =	vld [tilespmem:s17+$0xFFFFFFC0]  }
0x315: {  	v9 =	vld [tilespmem:s17+$0xFFFFFFD0]  }
0x316: {  	v10 =	vld [tilespmem:s17+$0xFFFFFFE0]  }
0x317: {  	v11 =	vld [tilespmem:s17+$0xFFFFFFF0]  }
0x318: {  	s31 =	simm.s32 $0x0  }
0x319: {  	v58 =	vmov s31;
	v4 =	vmul.f32 v4, v19;
	v5 =	vmul.f32 v5, v19  }
0x31a: {  	v39 =	vshrl.u32 v58, $0x3;
	v6 =	vmul.f32 v6, v19;
	v7 =	vmul.f32 v7, v19  }
0x31b: {  	v8 =	vmul.f32 v8, v19;
	v9 =	vmul.f32 v9, v19;
	v4 =	vadd.f32 $-1.000000000e+01, v4  }
0x31c: {  	v39 =	vshll.u32 v39, $0x3;
	v10 =	vmul.f32 v10, v19;
	v11 =	vmul.f32 v11, v19  }
0x31d: {  	v5 =	vadd.f32 $-1.000000000e+01, v5;
	v6 =	vadd.f32 $-1.000000000e+01, v6;
	v50 =	vtrunc.f32 v4  }
0x31e: {  	v7 =	vadd.f32 $-1.000000000e+01, v7;
	v8 =	vadd.f32 $-1.000000000e+01, v8;
	v12 =	vcvt.f32.s32 v50  }
0x31f: {  	v36 =	vbroadcast v39, $0x0;
	v9 =	vadd.f32 $-1.000000000e+01, v9;
	v10 =	vadd.f32 $-1.000000000e+01, v10  }
0x320: {  	v32 =	vld [tilespmem:$0x1FFF0];
	v40 =	vadd.f32 $-1.000000000e+01, v11;
	v51 =	vtrunc.f32 v5;
	v52 =	vshll.u32 v12, $0x4  }
0x321: {  	v53 =	vtrunc.f32 v6;
	v17 =	vtrunc.f32 v7;
	v16 =	vor.u32 v0, v52  }
0x322: {  	v54 =	vtrunc.f32 v8;
	v18 =	vtrunc.f32 v9;
	v11 =	vadd.s32 v2, v52  }
0x323: {  	v20 =	vtrunc.f32 v10;
	v21 =	vtrunc.f32 v40  }
0x324: {  	v13 =	vcvt.f32.s32 v51;
	v15 =	vcvt.f32.s32 v53  }
0x325: {  	v24 =	vadd.s32 v32, v36;
	v17 =	vcvt.f32.s32 v17;
	v14 =	vcvt.f32.s32 v54  }
0x326: {  	v18 =	vcvt.f32.s32 v18;
	v20 =	vcvt.f32.s32 v20;
	v55 =	vshll.u32 v13, $0x4;
	v16 =	vld.idx.msk [tilespmem:v16+s3+$0x0], $0xffff  }
0x327: {  	v21 =	vcvt.f32.s32 v21;
	v56 =	vshll.u32 v15, $0x4;
	v61 =	vor.u32 v0, v55;
	v11 =	vld.idx.msk [tilespmem:v11+s3+$0x0], $0xffff  }
0x328: {  	v57 =	vshll.u32 v17, $0x4;
	v59 =	vshll.u32 v14, $0x4;
	v63 =	vor.u32 v0, v56  }
0x329: {  	v42 =	vshll.u32 v18, $0x4;
	v43 =	vshll.u32 v20, $0x4;
	v38 =	vadd.s32 v2, v57  }
0x32a: {  	v60 =	vshll.u32 v21, $0x4;
	v12 =	vcvt.s32.f32 v12;
	v62 =	vadd.s32 v2, v55  }
0x32b: {  	v39 =	vcvt.s32.f32 v15;
	v45 =	vcvt.s32.f32 v17;
	v25 =	vor.u32 v0, v59  }
0x32c: {  	v26 =	vadd.s32 v2, v59;
	v4 =	vsub.f32 v4, v12;
	v58 =	vld.idx.msk [tilespmem:v61+s3+$0x0], $0xffff;
	v11 =	vsub.f32 v11, v16  }
0x32d: {  	v14 =	vcvt.s32.f32 v14;
	v46 =	vcvt.s32.f32 v20;
	v12 =	vor.u32 v0, v57;
	v57 =	vld.idx.msk [tilespmem:v63+s3+$0x0], $0xffff  }
0x32e: {  	v37 =	vadd.s32 v2, v56;
	v51 =	vor.u32 v0, v42;
	v54 =	vld.idx.msk [tilespmem:v38+s3+$0x0], $0xffff;
	v4 =	vmul.f32 v4, v11  }
0x32f: {  	p2 =	por $0x1, $0x1;
	v50 =	vadd.s32 v2, v42;
	v49 =	vor.u32 v0, v43;
	v47 =	vadd.s32 v2, v43;
	v11 =	vld.idx.msk [tilespmem:v62+s3+$0x0], $0xffff  }
.Ltmp14:
0x330: {  	v41 =	vor.u32 v0, v60;
	v48 =	vld.idx.msk [tilespmem:v25+s3+$0x0], $0xffff;
	v16 =	vadd.f32 v4, v16;
	v4 =	vcvt.s32.f32 v13;
	(pc) =	sbr.rel @!p2 .LBB2_27-.Ltmp14, $4  }
0x331: {  	v42 =	vadd.s32 v2, v60;
	v53 =	vsub.f32 v6, v39;
	v60 =	vsub.f32 v8, v14;
	v63 =	vld.idx.msk [tilespmem:v26+s3+$0x0], $0xffff  }
0x332: {  	v59 =	vld.idx.msk [tilespmem:v12+s3+$0x0], $0xffff;
	v4 =	vsub.f32 v5, v4;
	v5 =	vcvt.s32.f32 v18;
	[tilespmem:v24+s22+$0x0] =	vst.idx.msk $0xffff, v16  }
0x333: {  	p0 =	por $0x0, $0x0;
	v56 =	vsub.f32 v10, v46;
	v61 =	vsub.f32 v7, v45;
	v62 =	vld.idx.msk [tilespmem:v37+s3+$0x0], $0xffff;
	[tilespmem:$0x1FDD0] =	vst v29  }
0x334: {  	s30 =	simm.s32 $0xFFFFFFF8;
	s2 =	simm.s32 $0xD0F0;
	s0 =	simm.s32 $0xE070;
	v6 =	vcvt.s32.f32 v21;
	v11 =	vsub.f32 v11, v58;
	[tilespmem:$0x1FDE0] =	vst v28;
	v22 =	vsub.f32 v9, v5  }
0x335: {  	v27 =	vld [tilespmem:$0x1FFA0]  }
0x336: {  	v28 =	vld [tilespmem:$0x1FFB0]  }
0x337: {  	v5 =	vld [tilespmem:s2+$0x0]  }
0x338: {  	v7 =	vld [tilespmem:s2+$0xFFFFFF90];
	v4 =	vmul.f32 v4, v11  }
0x339: {  	v13 =	vld [tilespmem:s2+$0xFFFFFFC0]  }
0x33a: {  	v37 =	vsub.f32 v40, v6;
	v6 =	vld [tilespmem:s2+$0xFFFFFFA0];
	v58 =	vadd.f32 v4, v58;
	v4 =	vadd.s32 v27, v36  }
0x33b: {  	v11 =	vld [tilespmem:s2+$0xFFFFFFB0];
	[tilespmem:$0x1FD40] =	vst v4;
	v4 =	vadd.s32 v28, v36  }
0x33c: {  	[tilespmem:$0x1FD50] =	vst v4  }
0x33d: {  	v8 =	vsub.f32 v62, v57;
	v16 =	vld [tilespmem:s2+$0xFFFFFFD0]  }
0x33e: {  	v18 =	vld [tilespmem:s2+$0xFFFFFFE0]  }
0x33f: {  	v8 =	vmul.f32 v53, v8;
	v5 =	vmul.f32 v5, v19;
	v20 =	vld [tilespmem:s2+$0xFFFFFFF0]  }
0x340: {  	v44 =	vld.idx.msk [tilespmem:v51+s3+$0x0], $0xffff  }
0x341: {  	v9 =	vadd.f32 v8, v57;
	v8 =	vadd.f32 $-1.000000000e+01, v5;
	v43 =	vld.idx.msk [tilespmem:v50+s3+$0x0], $0xffff  }
0x342: {  	v45 =	vld.idx.msk [tilespmem:v49+s3+$0x0], $0xffff;
	[tilespmem:$0x1FD60] =	vst v22  }
0x343: {  	[tilespmem:$0x1FD80] =	vst v56;
	v21 =	vtrunc.f32 v8  }
0x344: {  	v17 =	vsub.f32 v63, v48;
	v47 =	vld.idx.msk [tilespmem:v47+s3+$0x0], $0xffff;
	v21 =	vcvt.f32.s32 v21;
	_ =	sdelay $0x1  }
0x345: {  	v17 =	vmul.f32 v60, v17;
	v60 =	vshll.u32 v21, $0x4;
	v20 =	vmul.f32 v20, v19  }
0x346: {  	v6 =	vmul.f32 v6, v19;
	v51 =	vor.u32 v0, v60;
	v4 =	vsub.f32 v43, v44  }
0x347: {  	v12 =	vsub.f32 v54, v59;
	v40 =	vadd.f32 $-1.000000000e+01, v20;
	v20 =	vadd.s32 v2, v60  }
0x348: {  	v23 =	vadd.f32 $-1.000000000e+01, v6;
	[tilespmem:$0x1FD70] =	vst v4;
	v4 =	vsub.f32 v47, v45  }
0x349: {  	v25 =	vld [tilespmem:$0x1FF80];
	v11 =	vmul.f32 v11, v19  }
0x34a: {  	v26 =	vld [tilespmem:$0x1FF90];
	v12 =	vmul.f32 v61, v12;
	v61 =	vtrunc.f32 v23;
	[tilespmem:$0x1FD90] =	vst v4  }
0x34b: {  	v6 =	vadd.f32 $-1.000000000e+01, v11;
	v57 =	vcvt.f32.s32 v61;
	v61 =	vld.idx.msk [tilespmem:v51+s3+$0x0], $0xffff  }
0x34c: {  	v20 =	vld.idx.msk [tilespmem:v20+s3+$0x0], $0xffff  }
0x34d: {  	v52 =	vtrunc.f32 v6;
	v18 =	vmul.f32 v18, v19  }
0x34e: {  	v10 =	vadd.s32 v25, v36;
	v62 =	vadd.f32 v12, v59;
	v59 =	vcvt.f32.s32 v52  }
0x34f: {  	v14 =	vadd.s32 v26, v36;
	v21 =	vcvt.s32.f32 v21;
	v18 =	vadd.f32 $-1.000000000e+01, v18  }
0x350: {  	v7 =	vmul.f32 v7, v19;
	v49 =	vshll.u32 v59, $0x4  }
0x351: {  	v29 =	vld [tilespmem:$0x1FFC0];
	v8 =	vsub.f32 v8, v21;
	v54 =	vtrunc.f32 v18;
	v20 =	vsub.f32 v20, v61  }
0x352: {  	v30 =	vld [tilespmem:$0x1FFD0];
	v24 =	vadd.f32 $-1.000000000e+01, v7;
	v11 =	vor.u32 v0, v49;
	v54 =	vcvt.f32.s32 v54  }
0x353: {  	v31 =	vld [tilespmem:$0x1FFE0];
	v12 =	vadd.s32 v2, v49;
	v47 =	vshll.u32 v57, $0x4;
	[tilespmem:v10+s22+$0x0] =	vst.idx.msk $0xffff, v58;
	v8 =	vmul.f32 v8, v20  }
0x354: {  	v7 =	vadd.s32 v2, v47;
	[tilespmem:v14+s22+$0x0] =	vst.idx.msk $0xffff, v9;
	v14 =	vor.u32 v0, v47;
	v4 =	vshll.u32 v54, $0x4  }
0x355: {  	v49 =	vor.u32 v0, v4;
	v47 =	vadd.s32 v2, v4;
	v4 =	vadd.f32 v8, v61;
	v8 =	vld [tilespmem:$0x1FD40];
	_ =	sdelay $0x2  }
0x356: {  	v46 =	vtrunc.f32 v24  }
0x357: {  	v17 =	vadd.f32 v17, v48;
	v48 =	vcvt.f32.s32 v46  }
0x358: {  	s31 =	simm.s32 $0x8;
	v55 =	vtrunc.f32 v40  }
0x359: {  	v50 =	vmov s31;
	v46 =	vshll.u32 v48, $0x4;
	v55 =	vcvt.f32.s32 v55  }
0x35a: {  	v50 =	vshrl.u32 v50, $0x3;
	v10 =	vor.u32 v0, v46;
	v52 =	vld.idx.msk [tilespmem:v41+s3+$0x0], $0xffff  }
0x35b: {  	v50 =	vshll.u32 v50, $0x3;
	v9 =	vadd.s32 v2, v46;
	v21 =	vld.idx.msk [tilespmem:v42+s3+$0x0], $0xffff;
	v5 =	vshll.u32 v55, $0x4;
	[tilespmem:v8+s22+$0x0] =	vst.idx.msk $0xffff, v62  }
0x35c: {  	v46 =	vbroadcast v50, $0x0;
	v41 =	vor.u32 v0, v5;
	v42 =	vadd.s32 v2, v5;
	v5 =	vld [tilespmem:$0x1FD50]  }
0x35d: {  	v16 =	vmul.f32 v16, v19  }
0x35e: {  	v22 =	vmov v6;
	v6 =	vadd.s32 v32, v46  }
0x35f: {  	v16 =	vadd.f32 $-1.000000000e+01, v16;
	_ =	sdelay $0x1  }
0x360: {  	v13 =	vmul.f32 v13, v19;
	v53 =	vtrunc.f32 v16  }
0x361: {  	v53 =	vcvt.f32.s32 v53;
	v58 =	vld.idx.msk [tilespmem:v10+s3+$0x0], $0xffff;
	v8 =	vcvt.s32.f32 v48  }
0x362: {  	v56 =	vadd.f32 $-1.000000000e+01, v13;
	v62 =	vld.idx.msk [tilespmem:v7+s3+$0x0], $0xffff;
	v7 =	vcvt.s32.f32 v59;
	[tilespmem:v6+s22+$0x0] =	vst.idx.msk $0xffff, v4  }
0x363: {  	v9 =	vld.idx.msk [tilespmem:v9+s3+$0x0], $0xffff;
	v4 =	vsub.f32 v24, v8;
	v8 =	vcvt.s32.f32 v53;
	[tilespmem:v5+s22+$0x0] =	vst.idx.msk $0xffff, v17  }
0x364: {  	v63 =	vtrunc.f32 v56;
	v61 =	vsub.f32 v22, v7;
	v7 =	vld [tilespmem:$0x1FD60]  }
0x365: {  	v60 =	vcvt.f32.s32 v63;
	v6 =	vcvt.s32.f32 v55;
	v55 =	vsub.f32 v16, v8;
	v8 =	vld [tilespmem:$0x1FD70];
	_ =	sdelay $0x1  }
0x366: {  	v51 =	vshll.u32 v60, $0x4  }
0x367: {  	v15 =	vadd.s32 v2, v51;
	v59 =	vld.idx.msk [tilespmem:v11+s3+$0x0], $0xffff  }
0x368: {  	v11 =	vsub.f32 v9, v58;
	v9 =	vld [tilespmem:$0x1FD90]  }
0x369: {  	p4 =	por $0x1, $0x1;
	v13 =	vor.u32 v0, v51;
	v7 =	vmul.f32 v7, v8;
	v8 =	vld [tilespmem:$0x1FD80]  }
.Ltmp15:
0x36a: {  	v38 =	vadd.s32 v29, v36;
	v39 =	vadd.s32 v30, v36;
	(pc) =	sbr.rel @!p4 .LBB2_29-.Ltmp15, $4  }
0x36b: {  	v63 =	vshll.u32 v53, $0x4;
	v10 =	vcvt.s32.f32 v57;
	v57 =	vld.idx.msk [tilespmem:v14+s3+$0x0], $0xffff;
	v14 =	vcvt.s32.f32 v60  }
0x36c: {  	v51 =	vor.u32 v0, v63;
	v50 =	vadd.s32 v2, v63;
	v63 =	vld.idx.msk [tilespmem:v15+s3+$0x0], $0xffff;
	v17 =	vcvt.s32.f32 v54  }
0x36d: {  	v43 =	vadd.s32 v31, v36;
	v60 =	vsub.f32 v56, v14;
	v5 =	vsub.f32 v21, v52;
	v54 =	vld.idx.msk [tilespmem:v12+s3+$0x0], $0xffff  }
0x36e: {  	p3 =	por $0x1, $0x1;
	s2 =	simm.s32 $0xD170;
	v48 =	vld.idx.msk [tilespmem:v13+s3+$0x0], $0xffff;
	v53 =	vsub.f32 v23, v10;
	v56 =	vsub.f32 v18, v17;
	v12 =	vmul.f32 v8, v9  }
.LBB2_30:
0x36f: {  	v8 =	vld [tilespmem:s2+$0x0];
	v7 =	vadd.f32 v7, v44;
	v5 =	vmul.f32 v37, v5;
	v37 =	vsub.f32 v40, v6  }
0x370: {  	v9 =	vsub.f32 v62, v57;
	v6 =	vld [tilespmem:s2+$0xFFFFFF90];
	v4 =	vmul.f32 v4, v11;
	v10 =	vadd.f32 v12, v45  }
0x371: {  	v13 =	vadd.s32 v26, v46;
	v12 =	vadd.s32 v25, v46;
	v11 =	vld [tilespmem:s2+$0xFFFFFFA0];
	v5 =	vadd.f32 v5, v52  }
0x372: {  	v9 =	vmul.f32 v53, v9;
	v15 =	vsub.f32 v54, v59;
	v14 =	vld [tilespmem:s2+$0xFFFFFFB0];
	v4 =	vadd.f32 v4, v58  }
0x373: {  	v17 =	vadd.s32 v27, v46;
	v18 =	vadd.s32 v28, v46;
	v20 =	vadd.s32 v29, v46;
	v16 =	vld [tilespmem:s2+$0xFFFFFFC0]  }
0x374: {  	v15 =	vmul.f32 v61, v15;
	v40 =	vsub.f32 v63, v48;
	v21 =	vld [tilespmem:s2+$0xFFFFFFD0];
	v8 =	vmul.f32 v8, v19  }
0x375: {  	v53 =	vadd.s32 v30, v46;
	v9 =	vadd.f32 v9, v57;
	v6 =	vmul.f32 v6, v19;
	v52 =	vld [tilespmem:s2+$0xFFFFFFE0]  }
0x376: {  	v11 =	vmul.f32 v11, v19;
	v54 =	vld [tilespmem:s2+$0xFFFFFFF0];
	v8 =	vadd.f32 $-1.000000000e+01, v8;
	[tilespmem:v12+s22+$0x0] =	vst.idx.msk $0xffff, v4;
	v4 =	vmul.f32 v60, v40  }
0x377: {  	v6 =	vadd.f32 $-1.000000000e+01, v6;
	v12 =	vmul.f32 v14, v19;
	v14 =	vadd.f32 v15, v59;
	v44 =	vld.idx.msk [tilespmem:v51+s3+$0x0], $0xffff  }
0x378: {  	v11 =	vadd.f32 $-1.000000000e+01, v11;
	v15 =	vmul.f32 v16, v19;
	v16 =	vtrunc.f32 v8;
	[tilespmem:v13+s22+$0x0] =	vst.idx.msk $0xffff, v9;
	v9 =	vld.idx.msk [tilespmem:v50+s3+$0x0], $0xffff  }
0x379: {  	v12 =	vadd.f32 $-1.000000000e+01, v12;
	v13 =	vmul.f32 v21, v19;
	v16 =	vcvt.f32.s32 v16;
	[tilespmem:v17+s22+$0x0] =	vst.idx.msk $0xffff, v14;
	v45 =	vld.idx.msk [tilespmem:v49+s3+$0x0], $0xffff  }
0x37a: {  	v14 =	vtrunc.f32 v6;
	v15 =	vadd.f32 $-1.000000000e+01, v15;
	v17 =	vmul.f32 v52, v19;
	v21 =	vld.idx.msk [tilespmem:v47+s3+$0x0], $0xffff;
	[tilespmem:v38+s22+$0x0] =	vst.idx.msk $0xffff, v7  }
0x37b: {  	v13 =	vadd.f32 $-1.000000000e+01, v13;
	v7 =	vmul.f32 v54, v19;
	v22 =	vshll.u32 v16, $0x4;
	v52 =	vld.idx.msk [tilespmem:v41+s3+$0x0], $0xffff;
	[tilespmem:v39+s22+$0x0] =	vst.idx.msk $0xffff, v10  }
0x37c: {  	v10 =	vtrunc.f32 v11;
	v17 =	vadd.f32 $-1.000000000e+01, v17;
	v41 =	vor.u32 v0, v22;
	v54 =	vld.idx.msk [tilespmem:v42+s3+$0x0], $0xffff;
	[tilespmem:v43+s22+$0x0] =	vst.idx.msk $0xffff, v5  }
0x37d: {  	v38 =	vmovc v20;
	v39 =	vmovc v53;
	v5 =	vtrunc.f32 v12;
	v40 =	vadd.f32 $-1.000000000e+01, v7;
	v7 =	vadd.s32 v2, v22  }
0x37e: {  	v20 =	vtrunc.f32 v15;
	v42 =	vtrunc.f32 v13;
	v9 =	vsub.f32 v9, v44  }
0x37f: {  	v4 =	vadd.f32 v4, v48;
	v47 =	vtrunc.f32 v17;
	v49 =	vtrunc.f32 v40  }
0x380: {  	v14 =	vcvt.f32.s32 v14;
	v10 =	vcvt.f32.s32 v10;
	v21 =	vsub.f32 v21, v45  }
0x381: {  	v43 =	vadd.s32 v31, v46;
	v5 =	vcvt.f32.s32 v5;
	v20 =	vcvt.f32.s32 v20;
	v48 =	vld.idx.msk [tilespmem:v41+s3+$0x0], $0xffff;
	[tilespmem:v18+s22+$0x0] =	vst.idx.msk $0xffff, v4  }
0x382: {  	v53 =	vcvt.f32.s32 v47;
	v4 =	vshll.u32 v14, $0x4;
	v18 =	vcvt.f32.s32 v42;
	v7 =	vld.idx.msk [tilespmem:v7+s3+$0x0], $0xffff  }
0x383: {  	s31 =	sadd.s32 $0x8, s31;
	v60 =	vcvt.f32.s32 v49;
	v41 =	vshll.u32 v10, $0x4;
	v42 =	vshll.u32 v5, $0x4  }
0x384: {  	p4 =	slt.u32 s31, $0xF8;
	v46 =	vmov s31;
	v47 =	vshll.u32 v20, $0x4;
	v49 =	vshll.u32 v18, $0x4  }
0x385: {  	v46 =	vshrl.u32 v46, $0x3;
	v57 =	vshll.u32 v53, $0x4;
	v59 =	vshll.u32 v60, $0x4  }
0x386: {  	v16 =	vcvt.s32.f32 v16;
	v46 =	vshll.u32 v46, $0x3;
	v50 =	vor.u32 v0, v4  }
0x387: {  	v46 =	vbroadcast v46, $0x0;
	v4 =	vadd.s32 v2, v4;
	v61 =	vor.u32 v0, v41  }
0x388: {  	v8 =	vsub.f32 v8, v16;
	v62 =	vadd.s32 v2, v41;
	v7 =	vsub.f32 v7, v48  }
0x389: {  	v22 =	vadd.s32 v32, v46;
	v16 =	vor.u32 v0, v42;
	v63 =	vadd.s32 v2, v42  }
0x38a: {  	v23 =	vor.u32 v0, v47;
	v24 =	vadd.s32 v2, v47;
	v7 =	vmul.f32 v8, v7  }
0x38b: {  	v51 =	vor.u32 v0, v49;
	v58 =	vld.idx.msk [tilespmem:v50+s3+$0x0], $0xffff;
	v50 =	vadd.s32 v2, v49;
	v49 =	vor.u32 v0, v57  }
0x38c: {  	v47 =	vadd.s32 v2, v57;
	v41 =	vor.u32 v0, v59;
	v8 =	vld.idx.msk [tilespmem:v4+s3+$0x0], $0xffff;
	v4 =	vadd.f32 v7, v48  }
0x38d: {  	v10 =	vcvt.s32.f32 v10;
	v42 =	vadd.s32 v2, v59;
	v7 =	vcvt.s32.f32 v14;
	v57 =	vld.idx.msk [tilespmem:v61+s3+$0x0], $0xffff  }
.Ltmp16:
0x38e: {  	v20 =	vcvt.s32.f32 v20;
	v14 =	vcvt.s32.f32 v5;
	v5 =	vsub.f32 v54, v52;
	v62 =	vld.idx.msk [tilespmem:v62+s3+$0x0], $0xffff;
	[tilespmem:v22+s22+$0x0] =	vst.idx.msk $0xffff, v4;
	(pc) =	sbr.rel @p4 .LBB2_30-.Ltmp16, $4  }
0x38f: {  	v4 =	vsub.f32 v6, v7;
	v59 =	vld.idx.msk [tilespmem:v16+s3+$0x0], $0xffff;
	v16 =	vcvt.s32.f32 v18;
	v18 =	vcvt.s32.f32 v53  }
0x390: {  	v61 =	vsub.f32 v12, v14;
	v6 =	vcvt.s32.f32 v60;
	v53 =	vsub.f32 v11, v10;
	v54 =	vld.idx.msk [tilespmem:v63+s3+$0x0], $0xffff  }
0x391: {  	v60 =	vsub.f32 v15, v20;
	v7 =	vmul.f32 v55, v9;
	v48 =	vld.idx.msk [tilespmem:v23+s3+$0x0], $0xffff;
	v55 =	vsub.f32 v13, v16  }
0x392: {  	s2 =	sadd.s32 $0x80, s2;
	v12 =	vmul.f32 v56, v21;
	v11 =	vsub.f32 v8, v58;
	v56 =	vsub.f32 v17, v18;
	v63 =	vld.idx.msk [tilespmem:v24+s3+$0x0], $0xffff  }
0x393: {  	v29 =	vld [tilespmem:$0x1FDD0]  }
0x394: {  	v22 =	vmov v55;
	v28 =	vld [tilespmem:$0x1FDE0]  }
.LBB2_32:
0x395: {  	_ =	sdelay $0x2  }
0x396: {  	v9 =	vsub.f32 v62, v57;
	v10 =	vadd.s32 v25, v46  }
0x397: {  	v8 =	vld.idx.msk [tilespmem:v51+s3+$0x0], $0xffff;
	v4 =	vmul.f32 v4, v11;
	v11 =	vadd.s32 v26, v46;
	v14 =	vsub.f32 v54, v59  }
0x398: {  	v13 =	vld.idx.msk [tilespmem:v50+s3+$0x0], $0xffff;
	v16 =	vadd.s32 v27, v46;
	v9 =	vmul.f32 v53, v9  }
0x399: {  	v15 =	vld.idx.msk [tilespmem:v49+s3+$0x0], $0xffff;
	v4 =	vadd.f32 v4, v58;
	v14 =	vmul.f32 v61, v14  }
0x39a: {  	v17 =	vld.idx.msk [tilespmem:v47+s3+$0x0], $0xffff;
	v9 =	vadd.f32 v9, v57  }
0x39b: {  	v21 =	vld [tilespmem:$0x1FFB0];
	[tilespmem:v10+s22+$0x0] =	vst.idx.msk $0xffff, v4;
	v4 =	vadd.f32 v14, v59  }
0x39c: {  	v7 =	vadd.f32 @p3 v7, v44;
	v10 =	vld [tilespmem:$0x1FFC0];
	[tilespmem:v11+s22+$0x0] =	vst.idx.msk $0xffff, v9  }
0x39d: {  	v12 =	vadd.f32 @p3 v12, v45;
	v9 =	vld [tilespmem:$0x1FFD0];
	[tilespmem:v16+s22+$0x0] =	vst.idx.msk $0xffff, v4  }
0x39e: {  	v18 =	vld.idx.msk [tilespmem:v41+s3+$0x0], $0xffff;
	[tilespmem:v38+s22+$0x0] =	vst.idx.msk @p3 $0xffff, v7  }
0x39f: {  	v20 =	vld.idx.msk [tilespmem:v42+s3+$0x0], $0xffff;
	[tilespmem:v39+s22+$0x0] =	vst.idx.msk @p3 $0xffff, v12  }
0x3a0: {  	v5 =	vmul.f32 @p3 v37, v5;
	v45 =	vld [tilespmem:$0x1FFE0]  }
0x3a1: {  	v6 =	vsub.f32 v40, v6;
	v42 =	vsub.f32 v63, v48  }
0x3a2: {  	v5 =	vadd.f32 @p3 v5, v52;
	v21 =	vadd.s32 v21, v46;
	v4 =	vsub.f32 v13, v8  }
0x3a3: {  	v11 =	vmul.f32 v60, v42;
	v7 =	vsub.f32 v17, v15;
	v10 =	vadd.s32 v10, v46  }
0x3a4: {  	v44 =	vsub.f32 v20, v18;
	v4 =	vmul.f32 v22, v4;
	v9 =	vadd.s32 v9, v46  }
0x3a5: {  	v11 =	vadd.f32 v11, v48;
	v7 =	vmul.f32 v56, v7;
	v13 =	vadd.s32 v45, v46  }
0x3a6: {  	[tilespmem:v43+s22+$0x0] =	vst.idx.msk @p3 $0xffff, v5;
	v5 =	vmul.f32 v6, v44;
	v4 =	vadd.f32 v4, v8  }
0x3a7: {  	[tilespmem:v21+s22+$0x0] =	vst.idx.msk $0xffff, v11;
	v6 =	vadd.f32 v7, v15  }
0x3a8: {  	v5 =	vadd.f32 v5, v18;
	[tilespmem:v10+s22+$0x0] =	vst.idx.msk $0xffff, v4  }
0x3a9: {  	[tilespmem:v9+s22+$0x0] =	vst.idx.msk $0xffff, v6  }
0x3aa: {  	[tilespmem:v13+s22+$0x0] =	vst.idx.msk $0xffff, v5  }
0x3ab: {  	v4 =	vld [tilespmem:s0+$0x0]  }
0x3ac: {  	v5 =	vld [tilespmem:s0+$0xFFFFFF90]  }
0x3ad: {  	v6 =	vld [tilespmem:s0+$0xFFFFFFA0]  }
0x3ae: {  	v7 =	vld [tilespmem:s0+$0xFFFFFFB0]  }
0x3af: {  	v8 =	vld [tilespmem:s0+$0xFFFFFFC0]  }
0x3b0: {  	v9 =	vld [tilespmem:s0+$0xFFFFFFD0]  }
0x3b1: {  	v10 =	vld [tilespmem:s0+$0xFFFFFFE0];
	v4 =	vmul.f32 v4, v19  }
0x3b2: {  	v11 =	vld [tilespmem:s0+$0xFFFFFFF0]  }
0x3b3: {  	v5 =	vmul.f32 v5, v19;
	v4 =	vadd.f32 $-1.000000000e+01, v4  }
0x3b4: {  	v6 =	vmul.f32 v6, v19;
	v7 =	vmul.f32 v7, v19  }
0x3b5: {  	v8 =	vmul.f32 v8, v19;
	v47 =	vtrunc.f32 v4  }
0x3b6: {  	v9 =	vmul.f32 v9, v19;
	v12 =	vcvt.f32.s32 v47  }
0x3b7: {  	v10 =	vmul.f32 v10, v19;
	v11 =	vmul.f32 v11, v19  }
0x3b8: {  	v5 =	vadd.f32 $-1.000000000e+01, v5;
	v6 =	vadd.f32 $-1.000000000e+01, v6;
	v49 =	vshll.u32 v12, $0x4  }
0x3b9: {  	v7 =	vadd.f32 $-1.000000000e+01, v7;
	v8 =	vadd.f32 $-1.000000000e+01, v8;
	v16 =	vor.u32 v0, v49  }
0x3ba: {  	v40 =	vadd.f32 $-1.000000000e+01, v11;
	v48 =	vtrunc.f32 v5;
	v11 =	vadd.s32 v2, v49  }
0x3bb: {  	v9 =	vadd.f32 $-1.000000000e+01, v9;
	v50 =	vtrunc.f32 v6;
	v17 =	vtrunc.f32 v7  }
0x3bc: {  	v10 =	vadd.f32 $-1.000000000e+01, v10;
	v51 =	vtrunc.f32 v8;
	v13 =	vcvt.f32.s32 v48  }
0x3bd: {  	v44 =	vadd.s32 v34, v36;
	v18 =	vtrunc.f32 v9;
	v15 =	vcvt.f32.s32 v50  }
0x3be: {  	v20 =	vtrunc.f32 v10;
	v52 =	vtrunc.f32 v40;
	v53 =	vshll.u32 v13, $0x4;
	v16 =	vld.idx.msk [tilespmem:v16+s3+$0x0], $0xffff  }
0x3bf: {  	v14 =	vcvt.f32.s32 v51;
	v23 =	vshll.u32 v15, $0x4;
	v60 =	vor.u32 v0, v53;
	v11 =	vld.idx.msk [tilespmem:v11+s3+$0x0], $0xffff  }
0x3c0: {  	v17 =	vcvt.f32.s32 v17;
	v18 =	vcvt.f32.s32 v18;
	v63 =	vor.u32 v0, v23  }
0x3c1: {  	v20 =	vcvt.f32.s32 v20;
	v54 =	vshll.u32 v14, $0x4;
	v23 =	vadd.s32 v2, v23  }
0x3c2: {  	v21 =	vcvt.f32.s32 v52;
	v12 =	vcvt.s32.f32 v12;
	v32 =	vor.u32 v0, v54  }
0x3c3: {  	v24 =	vshll.u32 v17, $0x4;
	v55 =	vshll.u32 v18, $0x4;
	v22 =	vadd.s32 v2, v53  }
0x3c4: {  	v37 =	vadd.s32 v2, v54;
	v4 =	vsub.f32 v4, v12;
	v57 =	vld.idx.msk [tilespmem:v60+s3+$0x0], $0xffff;
	v11 =	vsub.f32 v11, v16  }
0x3c5: {  	v62 =	vshll.u32 v21, $0x4;
	v47 =	vcvt.s32.f32 v17;
	v12 =	vor.u32 v0, v24;
	v56 =	vld.idx.msk [tilespmem:v63+s3+$0x0], $0xffff  }
0x3c6: {  	v41 =	vor.u32 v0, v62;
	v42 =	vadd.s32 v2, v62;
	v62 =	vld.idx.msk [tilespmem:v23+s3+$0x0], $0xffff;
	v4 =	vmul.f32 v4, v11  }
0x3c7: {  	v61 =	vshll.u32 v20, $0x4;
	v24 =	vadd.s32 v2, v24;
	v60 =	vsub.f32 v7, v47;
	v47 =	vld.idx.msk [tilespmem:v32+s3+$0x0], $0xffff  }
0x3c8: {  	v14 =	vcvt.s32.f32 v14;
	v50 =	vor.u32 v0, v55;
	v11 =	vld.idx.msk [tilespmem:v22+s3+$0x0], $0xffff;
	v16 =	vadd.f32 v4, v16  }
.Ltmp17:
0x3c9: {  	v48 =	vor.u32 v0, v61;
	v46 =	vadd.s32 v2, v61;
	v61 =	vld.idx.msk [tilespmem:v37+s3+$0x0], $0xffff;
	v4 =	vcvt.s32.f32 v13;
	(pc) =	sbr.rel @!p2 .LBB2_33-.Ltmp17, $4  }
0x3ca: {  	v39 =	vcvt.s32.f32 v15;
	v49 =	vadd.s32 v2, v55;
	v55 =	vcvt.s32.f32 v20;
	v58 =	vld.idx.msk [tilespmem:v12+s3+$0x0], $0xffff;
	[tilespmem:v44+s22+$0x0] =	vst.idx.msk $0xffff, v16  }
0x3cb: {  	v59 =	vsub.f32 v8, v14;
	v53 =	vsub.f32 v5, v4;
	v5 =	vcvt.s32.f32 v18;
	v32 =	vld [tilespmem:$0x1FEC0]  }
0x3cc: {  	v55 =	vsub.f32 v10, v55;
	v63 =	vsub.f32 v6, v39;
	v4 =	vld.idx.msk [tilespmem:v24+s3+$0x0], $0xffff  }
0x3cd: {  	s31 =	simm.s32 $0xF070;
	s2 =	sadd.s32 $0x80, s0;
	v6 =	vcvt.s32.f32 v21;
	v11 =	vsub.f32 v11, v57;
	v31 =	vld [tilespmem:$0x1FE10];
	v25 =	vsub.f32 v9, v5  }
0x3ce: {  	v28 =	vld [tilespmem:$0x1FDA0];
	_ =	sdelay $0x1  }
0x3cf: {  	v5 =	vld [tilespmem:s2+$0x0]  }
0x3d0: {  	v7 =	vld [tilespmem:s2+$0xFFFFFF90]  }
0x3d1: {  	v12 =	vld [tilespmem:s2+$0xFFFFFFB0];
	v4 =	vsub.f32 v4, v58  }
0x3d2: {  	v13 =	vld [tilespmem:s2+$0xFFFFFFC0];
	v14 =	vadd.s32 v28, v36  }
0x3d3: {  	v37 =	vsub.f32 v40, v6;
	v6 =	vld [tilespmem:s2+$0xFFFFFFA0];
	v4 =	vmul.f32 v60, v4;
	[tilespmem:$0x1FD00] =	vst v14;
	v14 =	vadd.s32 v33, v36  }
0x3d4: {  	v5 =	vmul.f32 v5, v19;
	[tilespmem:$0x1FD20] =	vst v14  }
0x3d5: {  	v4 =	vadd.f32 v4, v58;
	v16 =	vld [tilespmem:s2+$0xFFFFFFD0]  }
0x3d6: {  	v5 =	vadd.f32 $-1.000000000e+01, v5;
	v20 =	vld [tilespmem:s2+$0xFFFFFFF0]  }
0x3d7: {  	v18 =	vld [tilespmem:s2+$0xFFFFFFE0];
	[tilespmem:$0x1FD10] =	vst v4  }
0x3d8: {  	v21 =	vtrunc.f32 v5;
	v44 =	vld.idx.msk [tilespmem:v50+s3+$0x0], $0xffff  }
0x3d9: {  	v22 =	vld.idx.msk [tilespmem:v49+s3+$0x0], $0xffff;
	v21 =	vcvt.f32.s32 v21  }
0x3da: {  	v9 =	vsub.f32 v62, v56;
	v17 =	vsub.f32 v61, v47  }
0x3db: {  	v30 =	vld [tilespmem:$0x1FEB0];
	v7 =	vmul.f32 v7, v19;
	v43 =	vshll.u32 v21, $0x4;
	v20 =	vmul.f32 v20, v19  }
0x3dc: {  	v26 =	vld [tilespmem:$0x1FDC0];
	v17 =	vmul.f32 v59, v17;
	v12 =	vmul.f32 v12, v19;
	v59 =	vor.u32 v0, v43  }
0x3dd: {  	v27 =	vld [tilespmem:$0x1FDB0];
	v7 =	vadd.f32 $-1.000000000e+01, v7;
	v40 =	vadd.f32 $-1.000000000e+01, v20;
	v20 =	vadd.s32 v2, v43  }
0x3de: {  	v29 =	vld [tilespmem:$0x1FE60];
	v4 =	vadd.f32 $-1.000000000e+01, v12;
	v12 =	vsub.f32 v22, v44  }
0x3df: {  	v10 =	vadd.s32 v32, v36;
	v9 =	vmul.f32 v63, v9;
	v45 =	vld.idx.msk [tilespmem:v48+s3+$0x0], $0xffff  }
0x3e0: {  	v8 =	vmul.f32 v53, v11;
	v11 =	vadd.s32 v30, v36;
	v23 =	vtrunc.f32 v7;
	v24 =	vld.idx.msk [tilespmem:v46+s3+$0x0], $0xffff;
	[tilespmem:$0x1FD30] =	vst v12  }
0x3e1: {  	v9 =	vadd.f32 v9, v56;
	v23 =	vcvt.f32.s32 v23;
	v56 =	vld.idx.msk [tilespmem:v59+s3+$0x0], $0xffff  }
0x3e2: {  	v8 =	vadd.f32 v8, v57;
	v38 =	vadd.s32 v26, v36;
	v20 =	vld.idx.msk [tilespmem:v20+s3+$0x0], $0xffff  }
0x3e3: {  	v39 =	vadd.s32 v27, v36;
	v43 =	vadd.s32 v29, v36;
	v36 =	vshll.u32 v23, $0x4  }
0x3e4: {  	[tilespmem:v10+s22+$0x0] =	vst.idx.msk $0xffff, v8;
	v8 =	vor.u32 v0, v36  }
0x3e5: {  	v21 =	vcvt.s32.f32 v21;
	[tilespmem:v11+s22+$0x0] =	vst.idx.msk $0xffff, v9;
	v9 =	vadd.s32 v2, v36;
	_ =	sdelay $0x1  }
0x3e6: {  	v5 =	vsub.f32 v5, v21;
	v20 =	vsub.f32 v20, v56;
	_ =	sdelay $0x1  }
0x3e7: {  	v57 =	vld.idx.msk [tilespmem:v8+s3+$0x0], $0xffff;
	v5 =	vmul.f32 v5, v20  }
0x3e8: {  	v8 =	vld.idx.msk [tilespmem:v9+s3+$0x0], $0xffff  }
0x3e9: {  	v6 =	vmul.f32 v6, v19;
	v9 =	vadd.f32 v5, v56;
	v5 =	vld [tilespmem:$0x1FD00]  }
0x3ea: {  	v13 =	vmul.f32 v13, v19  }
0x3eb: {  	v6 =	vadd.f32 $-1.000000000e+01, v6  }
0x3ec: {  	s0 =	simm.s32 $0x8;
	v13 =	vadd.f32 $-1.000000000e+01, v13;
	v20 =	vld [tilespmem:$0x1FD10]  }
0x3ed: {  	v63 =	vmov s0;
	v58 =	vtrunc.f32 v6  }
0x3ee: {  	v17 =	vadd.f32 v17, v47;
	v61 =	vtrunc.f32 v13;
	v47 =	vcvt.f32.s32 v58  }
0x3ef: {  	v49 =	vshrl.u32 v63, $0x3;
	v60 =	vtrunc.f32 v4;
	v16 =	vmul.f32 v16, v19  }
0x3f0: {  	v53 =	vcvt.f32.s32 v60;
	v18 =	vmul.f32 v18, v19;
	v46 =	vshll.u32 v47, $0x4  }
0x3f1: {  	v47 =	vcvt.s32.f32 v47;
	v16 =	vadd.f32 $-1.000000000e+01, v16;
	v10 =	vshll.u32 v49, $0x3;
	[tilespmem:v5+s22+$0x0] =	vst.idx.msk $0xffff, v20  }
0x3f2: {  	v48 =	vshll.u32 v53, $0x4;
	v18 =	vadd.f32 $-1.000000000e+01, v18;
	v36 =	vbroadcast v10, $0x0;
	v5 =	vld [tilespmem:$0x1FD20]  }
0x3f3: {  	v22 =	vmovc v55;
	v55 =	vcvt.f32.s32 v61;
	v63 =	vor.u32 v0, v48;
	v62 =	vtrunc.f32 v16  }
0x3f4: {  	v51 =	vtrunc.f32 v18;
	v10 =	vor.u32 v0, v46;
	v15 =	vadd.s32 v34, v36  }
0x3f5: {  	v54 =	vadd.s32 v2, v48;
	v52 =	vtrunc.f32 v40;
	v59 =	vcvt.f32.s32 v62  }
0x3f6: {  	v50 =	vshll.u32 v55, $0x4;
	v60 =	vcvt.f32.s32 v51;
	v52 =	vcvt.f32.s32 v52  }
0x3f7: {  	v51 =	vld.idx.msk [tilespmem:v41+s3+$0x0], $0xffff;
	v11 =	vadd.s32 v2, v46;
	v14 =	vor.u32 v0, v50;
	v20 =	vcvt.s32.f32 v23  }
0x3f8: {  	v21 =	vld.idx.msk [tilespmem:v42+s3+$0x0], $0xffff;
	v12 =	vadd.s32 v2, v50;
	v58 =	vshll.u32 v59, $0x4;
	v62 =	vshll.u32 v52, $0x4  }
0x3f9: {  	v56 =	vld.idx.msk [tilespmem:v10+s3+$0x0], $0xffff;
	v10 =	vcvt.s32.f32 v53;
	[tilespmem:v15+s22+$0x0] =	vst.idx.msk $0xffff, v9;
	v53 =	vsub.f32 v7, v20;
	v7 =	vcvt.s32.f32 v59  }
0x3fa: {  	v50 =	vor.u32 v0, v58;
	v49 =	vadd.s32 v2, v58;
	v58 =	vld.idx.msk [tilespmem:v63+s3+$0x0], $0xffff;
	[tilespmem:v5+s22+$0x0] =	vst.idx.msk $0xffff, v17  }
0x3fb: {  	v63 =	vsub.f32 v6, v47;
	v6 =	vcvt.s32.f32 v52;
	v52 =	vsub.f32 v16, v7;
	v7 =	vld [tilespmem:$0x1FD30]  }
0x3fc: {  	p2 =	por $0x1, $0x1;
	v61 =	vshll.u32 v60, $0x4  }
.Ltmp18:
0x3fd: {  	v24 =	vsub.f32 v24, v45;
	v48 =	vor.u32 v0, v61;
	(pc) =	sbr.rel @!p2 .LBB2_35-.Ltmp18, $4  }
0x3fe: {  	v41 =	vor.u32 v0, v62;
	v42 =	vadd.s32 v2, v62;
	v62 =	vld.idx.msk [tilespmem:v11+s3+$0x0], $0xffff;
	v11 =	vcvt.s32.f32 v55  }
0x3ff: {  	v46 =	vadd.s32 v2, v61;
	v47 =	vld.idx.msk [tilespmem:v14+s3+$0x0], $0xffff;
	v9 =	vcvt.s32.f32 v60;
	v60 =	vsub.f32 v4, v10  }
0x400: {  	v4 =	vld.idx.msk [tilespmem:v54+s3+$0x0], $0xffff;
	v59 =	vsub.f32 v13, v11;
	v5 =	vsub.f32 v21, v51;
	v7 =	vmul.f32 v25, v7  }
0x401: {  	p0 =	por $0x1, $0x1;
	s2 =	sadd.s32 $0x80, s2;
	v61 =	vld.idx.msk [tilespmem:v12+s3+$0x0], $0xffff;
	v12 =	vmul.f32 v22, v24;
	v11 =	vsub.f32 v8, v57;
	v55 =	vsub.f32 v18, v9  }
.LBB2_36:
0x402: {  	v8 =	vld [tilespmem:s2+$0x0];
	v7 =	vadd.f32 v7, v44;
	v5 =	vmul.f32 v37, v5;
	v37 =	vsub.f32 v40, v6  }
0x403: {  	v10 =	vsub.f32 v62, v56;
	v6 =	vld [tilespmem:s2+$0xFFFFFF90];
	v9 =	vmul.f32 v53, v11;
	v11 =	vadd.f32 v12, v45  }
0x404: {  	v13 =	vadd.s32 v32, v36;
	v14 =	vadd.s32 v30, v36;
	v12 =	vld [tilespmem:s2+$0xFFFFFFA0];
	v5 =	vadd.f32 v5, v51  }
0x405: {  	v10 =	vmul.f32 v63, v10;
	v4 =	vsub.f32 v4, v58;
	v15 =	vld [tilespmem:s2+$0xFFFFFFB0];
	v9 =	vadd.f32 v9, v57  }
0x406: {  	v17 =	vadd.s32 v28, v36;
	v18 =	vadd.s32 v33, v36;
	v20 =	vadd.s32 v26, v36;
	v16 =	vld [tilespmem:s2+$0xFFFFFFC0]  }
0x407: {  	v4 =	vmul.f32 v60, v4;
	v22 =	vsub.f32 v61, v47;
	v21 =	vld [tilespmem:s2+$0xFFFFFFD0];
	v8 =	vmul.f32 v8, v19  }
0x408: {  	v24 =	vadd.s32 v27, v36;
	v10 =	vadd.f32 v10, v56;
	v6 =	vmul.f32 v6, v19;
	v23 =	vld [tilespmem:s2+$0xFFFFFFE0]  }
0x409: {  	v12 =	vmul.f32 v12, v19;
	v40 =	vld [tilespmem:s2+$0xFFFFFFF0];
	v8 =	vadd.f32 $-1.000000000e+01, v8;
	[tilespmem:v13+s22+$0x0] =	vst.idx.msk $0xffff, v9;
	v9 =	vmul.f32 v59, v22  }
0x40a: {  	v4 =	vadd.f32 v4, v58;
	v6 =	vadd.f32 $-1.000000000e+01, v6;
	v13 =	vmul.f32 v15, v19;
	v44 =	vld.idx.msk [tilespmem:v50+s3+$0x0], $0xffff  }
0x40b: {  	v12 =	vadd.f32 $-1.000000000e+01, v12;
	v15 =	vmul.f32 v16, v19;
	v16 =	vtrunc.f32 v8;
	[tilespmem:v14+s22+$0x0] =	vst.idx.msk $0xffff, v10;
	v10 =	vld.idx.msk [tilespmem:v49+s3+$0x0], $0xffff  }
0x40c: {  	v13 =	vadd.f32 $-1.000000000e+01, v13;
	v14 =	vmul.f32 v21, v19;
	v16 =	vcvt.f32.s32 v16;
	[tilespmem:v17+s22+$0x0] =	vst.idx.msk $0xffff, v4;
	v45 =	vld.idx.msk [tilespmem:v48+s3+$0x0], $0xffff  }
0x40d: {  	v4 =	vtrunc.f32 v6;
	v15 =	vadd.f32 $-1.000000000e+01, v15;
	v17 =	vmul.f32 v23, v19;
	v21 =	vld.idx.msk [tilespmem:v46+s3+$0x0], $0xffff;
	[tilespmem:v38+s22+$0x0] =	vst.idx.msk $0xffff, v7  }
0x40e: {  	v14 =	vadd.f32 $-1.000000000e+01, v14;
	v7 =	vmul.f32 v40, v19;
	v22 =	vshll.u32 v16, $0x4;
	v51 =	vld.idx.msk [tilespmem:v41+s3+$0x0], $0xffff;
	[tilespmem:v39+s22+$0x0] =	vst.idx.msk $0xffff, v11  }
0x40f: {  	v11 =	vtrunc.f32 v12;
	v17 =	vadd.f32 $-1.000000000e+01, v17;
	v23 =	vor.u32 v0, v22;
	v53 =	vld.idx.msk [tilespmem:v42+s3+$0x0], $0xffff;
	[tilespmem:v43+s22+$0x0] =	vst.idx.msk $0xffff, v5  }
0x410: {  	v38 =	vmovc v20;
	v39 =	vmovc v24;
	v5 =	vtrunc.f32 v13;
	v40 =	vadd.f32 $-1.000000000e+01, v7;
	v7 =	vadd.s32 v2, v22  }
0x411: {  	v20 =	vtrunc.f32 v15;
	v22 =	vtrunc.f32 v14;
	v10 =	vsub.f32 v10, v44  }
0x412: {  	v9 =	vadd.f32 v9, v47;
	v24 =	vtrunc.f32 v17;
	v41 =	vtrunc.f32 v40  }
0x413: {  	v4 =	vcvt.f32.s32 v4;
	v11 =	vcvt.f32.s32 v11;
	v21 =	vsub.f32 v21, v45  }
0x414: {  	v43 =	vadd.s32 v29, v36;
	v5 =	vcvt.f32.s32 v5;
	v20 =	vcvt.f32.s32 v20;
	v23 =	vld.idx.msk [tilespmem:v23+s3+$0x0], $0xffff;
	[tilespmem:v18+s22+$0x0] =	vst.idx.msk $0xffff, v9  }
0x415: {  	v9 =	vshll.u32 v4, $0x4;
	v18 =	vcvt.f32.s32 v22;
	v22 =	vcvt.f32.s32 v24;
	v7 =	vld.idx.msk [tilespmem:v7+s3+$0x0], $0xffff  }
0x416: {  	s0 =	sadd.s32 $0x8, s0;
	v42 =	vshll.u32 v5, $0x4;
	v47 =	vcvt.f32.s32 v41;
	v24 =	vshll.u32 v11, $0x4  }
0x417: {  	p2 =	slt.u32 s0, $0xF8;
	v36 =	vmov s0;
	v41 =	vshll.u32 v20, $0x4;
	v46 =	vshll.u32 v18, $0x4  }
0x418: {  	v36 =	vshrl.u32 v36, $0x3;
	v58 =	vshll.u32 v47, $0x4;
	v54 =	vshll.u32 v22, $0x4  }
0x419: {  	v16 =	vcvt.s32.f32 v16;
	v36 =	vshll.u32 v36, $0x3;
	v48 =	vor.u32 v0, v9  }
0x41a: {  	v36 =	vbroadcast v36, $0x0;
	v9 =	vadd.s32 v2, v9;
	v56 =	vor.u32 v0, v24  }
0x41b: {  	v8 =	vsub.f32 v8, v16;
	v24 =	vadd.s32 v2, v24;
	v7 =	vsub.f32 v7, v23  }
0x41c: {  	v16 =	vor.u32 v0, v42;
	v59 =	vadd.s32 v2, v42;
	v60 =	vadd.s32 v34, v36  }
0x41d: {  	v61 =	vor.u32 v0, v41;
	v25 =	vadd.s32 v2, v41;
	v7 =	vmul.f32 v8, v7  }
0x41e: {  	v50 =	vor.u32 v0, v46;
	v49 =	vadd.s32 v2, v46;
	v57 =	vld.idx.msk [tilespmem:v48+s3+$0x0], $0xffff;
	v48 =	vor.u32 v0, v54  }
0x41f: {  	v41 =	vor.u32 v0, v58;
	v46 =	vadd.s32 v2, v54;
	v7 =	vadd.f32 v7, v23;
	v8 =	vld.idx.msk [tilespmem:v9+s3+$0x0], $0xffff  }
0x420: {  	v4 =	vcvt.s32.f32 v4;
	v42 =	vadd.s32 v2, v58;
	v9 =	vcvt.s32.f32 v11;
	v56 =	vld.idx.msk [tilespmem:v56+s3+$0x0], $0xffff  }
.Ltmp19:
0x421: {  	v20 =	vcvt.s32.f32 v20;
	v11 =	vcvt.s32.f32 v5;
	v5 =	vsub.f32 v53, v51;
	v62 =	vld.idx.msk [tilespmem:v24+s3+$0x0], $0xffff;
	[tilespmem:v60+s22+$0x0] =	vst.idx.msk $0xffff, v7;
	(pc) =	sbr.rel @p2 .LBB2_36-.Ltmp19, $4  }
0x422: {  	v53 =	vsub.f32 v6, v4;
	v58 =	vld.idx.msk [tilespmem:v16+s3+$0x0], $0xffff;
	v16 =	vcvt.s32.f32 v18;
	v18 =	vcvt.s32.f32 v22  }
0x423: {  	v6 =	vcvt.s32.f32 v47;
	v63 =	vsub.f32 v12, v9;
	v60 =	vsub.f32 v13, v11;
	v4 =	vld.idx.msk [tilespmem:v59+s3+$0x0], $0xffff  }
0x424: {  	v7 =	vmul.f32 v52, v10;
	v59 =	vsub.f32 v15, v20;
	v47 =	vld.idx.msk [tilespmem:v61+s3+$0x0], $0xffff;
	v52 =	vsub.f32 v14, v16  }
0x425: {  	s2 =	sadd.s32 $0x80, s2;
	v12 =	vmul.f32 v55, v21;
	v11 =	vsub.f32 v8, v57;
	v55 =	vsub.f32 v17, v18;
	v61 =	vld.idx.msk [tilespmem:v25+s3+$0x0], $0xffff  }
0x426: {  	v28 =	vld [tilespmem:$0x1FDE0]  }
0x427: {  	v25 =	vmov v52;
	v29 =	vld [tilespmem:$0x1FDD0]  }
.LBB2_38:
0x428: {  	v16 =	vld [tilespmem:$0x1FDA0];
	_ =	sdelay $0x2  }
0x429: {  	v7 =	vadd.f32 @p0 v7, v44;
	v9 =	vsub.f32 v62, v56;
	v10 =	vadd.s32 v32, v36  }
0x42a: {  	v11 =	vmul.f32 v53, v11;
	v14 =	vadd.s32 v30, v36;
	v4 =	vsub.f32 v4, v58  }
0x42b: {  	v8 =	vld.idx.msk [tilespmem:v50+s3+$0x0], $0xffff;
	v12 =	vadd.f32 @p0 v12, v45;
	v9 =	vmul.f32 v63, v9;
	v16 =	vadd.s32 v16, v36  }
0x42c: {  	v13 =	vld.idx.msk [tilespmem:v49+s3+$0x0], $0xffff;
	v11 =	vadd.f32 v11, v57;
	v4 =	vmul.f32 v60, v4;
	[tilespmem:v38+s22+$0x0] =	vst.idx.msk @p0 $0xffff, v7  }
0x42d: {  	v15 =	vld.idx.msk [tilespmem:v48+s3+$0x0], $0xffff;
	[tilespmem:v39+s22+$0x0] =	vst.idx.msk @p0 $0xffff, v12;
	v9 =	vadd.f32 v9, v56  }
0x42e: {  	v17 =	vld.idx.msk [tilespmem:v46+s3+$0x0], $0xffff;
	v4 =	vadd.f32 v4, v58;
	[tilespmem:v10+s22+$0x0] =	vst.idx.msk $0xffff, v11  }
0x42f: {  	v18 =	vld.idx.msk [tilespmem:v41+s3+$0x0], $0xffff;
	[tilespmem:v14+s22+$0x0] =	vst.idx.msk $0xffff, v9  }
0x430: {  	v20 =	vld.idx.msk [tilespmem:v42+s3+$0x0], $0xffff;
	[tilespmem:v16+s22+$0x0] =	vst.idx.msk $0xffff, v4  }
0x431: {  	v5 =	vmul.f32 @p0 v37, v5;
	v57 =	vld [tilespmem:$0x1FE60]  }
0x432: {  	v6 =	vsub.f32 v40, v6;
	v11 =	vsub.f32 v61, v47  }
0x433: {  	v21 =	vadd.s32 v33, v36;
	v5 =	vadd.f32 @p0 v5, v51;
	v7 =	vsub.f32 v17, v15  }
0x434: {  	v9 =	vadd.s32 v27, v36;
	v11 =	vmul.f32 v59, v11;
	v4 =	vsub.f32 v13, v8  }
0x435: {  	v10 =	vadd.s32 v26, v36;
	v56 =	vsub.f32 v20, v18;
	v7 =	vmul.f32 v55, v7  }
0x436: {  	v11 =	vadd.f32 v11, v47;
	v4 =	vmul.f32 v25, v4;
	v13 =	vadd.s32 v57, v36  }
0x437: {  	[tilespmem:v43+s22+$0x0] =	vst.idx.msk @p0 $0xffff, v5;
	v5 =	vmul.f32 v6, v56;
	v6 =	vadd.f32 v7, v15  }
0x438: {  	[tilespmem:v21+s22+$0x0] =	vst.idx.msk $0xffff, v11;
	v4 =	vadd.f32 v4, v8  }
0x439: {  	v5 =	vadd.f32 v5, v18;
	[tilespmem:v9+s22+$0x0] =	vst.idx.msk $0xffff, v6  }
0x43a: {  	[tilespmem:v10+s22+$0x0] =	vst.idx.msk $0xffff, v4  }
0x43b: {  	[tilespmem:v13+s22+$0x0] =	vst.idx.msk $0xffff, v5  }
0x43c: {  	v4 =	vld [tilespmem:s31+$0x0]  }
0x43d: {  	v5 =	vld [tilespmem:s31+$0xFFFFFF90]  }
0x43e: {  	v6 =	vld [tilespmem:s31+$0xFFFFFFA0]  }
0x43f: {  	v7 =	vld [tilespmem:s31+$0xFFFFFFB0]  }
0x440: {  	v8 =	vld [tilespmem:s31+$0xFFFFFFC0]  }
0x441: {  	v9 =	vld [tilespmem:s31+$0xFFFFFFD0]  }
0x442: {  	v10 =	vld [tilespmem:s31+$0xFFFFFFE0]  }
0x443: {  	v11 =	vld [tilespmem:s31+$0xFFFFFFF0]  }
0x444: {  	v4 =	vmul.f32 v4, v19  }
0x445: {  	v5 =	vmul.f32 v5, v19;
	v6 =	vmul.f32 v6, v19  }
0x446: {  	v7 =	vmul.f32 v7, v19;
	v8 =	vmul.f32 v8, v19  }
0x447: {  	v9 =	vmul.f32 v9, v19;
	v10 =	vmul.f32 v10, v19;
	v4 =	vadd.f32 $-1.000000000e+01, v4  }
0x448: {  	v11 =	vmul.f32 v11, v19;
	v5 =	vadd.f32 $-1.000000000e+01, v5;
	v6 =	vadd.f32 $-1.000000000e+01, v6  }
0x449: {  	v7 =	vadd.f32 $-1.000000000e+01, v7;
	v8 =	vadd.f32 $-1.000000000e+01, v8;
	v58 =	vtrunc.f32 v4  }
0x44a: {  	v9 =	vadd.f32 $-1.000000000e+01, v9;
	v10 =	vadd.f32 $-1.000000000e+01, v10;
	v12 =	vcvt.f32.s32 v58  }
0x44b: {  	v27 =	vadd.f32 $-1.000000000e+01, v11;
	v59 =	vtrunc.f32 v5;
	v61 =	vtrunc.f32 v6  }
0x44c: {  	v17 =	vtrunc.f32 v7;
	v62 =	vtrunc.f32 v8;
	v60 =	vshll.u32 v12, $0x4  }
0x44d: {  	v18 =	vtrunc.f32 v9;
	v20 =	vtrunc.f32 v10;
	v16 =	vor.u32 v0, v60  }
0x44e: {  	v21 =	vtrunc.f32 v27;
	v13 =	vcvt.f32.s32 v59;
	v11 =	vadd.s32 v2, v60  }
0x44f: {  	v15 =	vcvt.f32.s32 v61;
	v17 =	vcvt.f32.s32 v17  }
0x450: {  	s0 =	sadd.s32 $0x8, s30;
	v14 =	vcvt.f32.s32 v62;
	v18 =	vcvt.f32.s32 v18  }
0x451: {  	v23 =	vcvt.f32.s32 v20;
	v21 =	vcvt.f32.s32 v21;
	v20 =	vmov s0  }
0x452: {  	v20 =	vshrl.u32 v20, $0x3;
	v22 =	vshll.u32 v13, $0x4;
	v24 =	vshll.u32 v15, $0x4;
	v16 =	vld.idx.msk [tilespmem:v16+s3+$0x0], $0xffff  }
0x453: {  	v25 =	vshll.u32 v17, $0x4;
	v26 =	vshll.u32 v14, $0x4;
	v30 =	vshll.u32 v18, $0x4;
	v11 =	vld.idx.msk [tilespmem:v11+s3+$0x0], $0xffff  }
0x454: {  	v63 =	vshll.u32 v23, $0x4;
	v34 =	vshll.u32 v21, $0x4;
	v32 =	vor.u32 v0, v22  }
0x455: {  	v20 =	vshll.u32 v20, $0x3;
	v12 =	vcvt.s32.f32 v12;
	v45 =	vor.u32 v0, v24  }
0x456: {  	v61 =	vcvt.s32.f32 v15;
	v62 =	vcvt.s32.f32 v17;
	v22 =	vadd.s32 v2, v22  }
0x457: {  	v14 =	vcvt.s32.f32 v14;
	v20 =	vbroadcast v20, $0x0;
	v24 =	vadd.s32 v2, v24  }
0x458: {  	v46 =	vor.u32 v0, v25;
	v4 =	vsub.f32 v4, v12;
	v11 =	vsub.f32 v11, v16  }
0x459: {  	v25 =	vadd.s32 v2, v25;
	v60 =	vor.u32 v0, v26;
	v26 =	vadd.s32 v2, v26;
	v49 =	vld.idx.msk [tilespmem:v32+s3+$0x0], $0xffff  }
0x45a: {  	v42 =	vor.u32 v0, v30;
	v47 =	vadd.s32 v35, v20;
	v48 =	vld.idx.msk [tilespmem:v45+s3+$0x0], $0xffff;
	v4 =	vmul.f32 v4, v11  }
0x45b: {  	p2 =	slt.u32 s0, $0xF8;
	v41 =	vadd.s32 v2, v30;
	v40 =	vor.u32 v0, v63;
	v38 =	vadd.s32 v2, v63;
	v11 =	vld.idx.msk [tilespmem:v22+s3+$0x0], $0xffff  }
.Ltmp20:
0x45c: {  	v30 =	vor.u32 v0, v34;
	v54 =	vld.idx.msk [tilespmem:v24+s3+$0x0], $0xffff;
	v16 =	vadd.f32 v4, v16;
	v4 =	vcvt.s32.f32 v13;
	(pc) =	sbr.rel @!p2 .LBB2_39-.Ltmp20, $4  }
0x45d: {  	v33 =	vadd.s32 v2, v34;
	v63 =	vcvt.s32.f32 v23;
	v55 =	vsub.f32 v6, v61;
	v50 =	vld.idx.msk [tilespmem:v46+s3+$0x0], $0xffff  }
0x45e: {  	v52 =	vsub.f32 v7, v62;
	v39 =	vld.idx.msk [tilespmem:v60+s3+$0x0], $0xffff;
	v56 =	vsub.f32 v5, v4;
	v5 =	vcvt.s32.f32 v18  }
0x45f: {  	v51 =	vsub.f32 v8, v14;
	v53 =	vld.idx.msk [tilespmem:v26+s3+$0x0], $0xffff;
	[tilespmem:v47+s22+$0x0] =	vst.idx.msk $0xffff, v16;
	v47 =	vsub.f32 v10, v63  }
0x460: {  	s2 =	sadd.s32 $0x80, s31;
	p0 =	por $0x0, $0x0;
	v6 =	vcvt.s32.f32 v21;
	v4 =	vld.idx.msk [tilespmem:v25+s3+$0x0], $0xffff;
	v11 =	vsub.f32 v11, v49;
	v46 =	vsub.f32 v9, v5  }
0x461: {  	v5 =	vld [tilespmem:s2+$0x0]  }
0x462: {  	v7 =	vld [tilespmem:s2+$0xFFFFFF90]  }
0x463: {  	v32 =	vld [tilespmem:$0x1FE00]  }
0x464: {  	v63 =	vld [tilespmem:$0x1FE50]  }
0x465: {  	v12 =	vld [tilespmem:s2+$0xFFFFFFB0]  }
0x466: {  	v13 =	vld [tilespmem:s2+$0xFFFFFFC0];
	v16 =	vadd.s32 v28, v20;
	v5 =	vmul.f32 v5, v19  }
0x467: {  	v22 =	vsub.f32 v27, v6;
	v6 =	vld [tilespmem:s2+$0xFFFFFFA0];
	[tilespmem:$0x1FCE0] =	vst v16  }
0x468: {  	v9 =	vsub.f32 v54, v48;
	v21 =	vld [tilespmem:s2+$0xFFFFFFF0];
	v5 =	vadd.f32 $-1.000000000e+01, v5  }
0x469: {  	v15 =	vld [tilespmem:$0x1FE40];
	v8 =	vmul.f32 v56, v11  }
0x46a: {  	v61 =	vld [tilespmem:$0x1FDF0];
	v9 =	vmul.f32 v55, v9;
	v24 =	vtrunc.f32 v5  }
0x46b: {  	v16 =	vld [tilespmem:s2+$0xFFFFFFD0];
	v8 =	vadd.f32 v8, v49;
	v17 =	vsub.f32 v53, v39;
	v24 =	vcvt.f32.s32 v24  }
0x46c: {  	v26 =	vadd.s32 v31, v20;
	v18 =	vld [tilespmem:s2+$0xFFFFFFE0];
	v4 =	vsub.f32 v4, v50;
	v9 =	vadd.f32 v9, v48  }
0x46d: {  	v36 =	vld.idx.msk [tilespmem:v42+s3+$0x0], $0xffff;
	v10 =	vadd.s32 v32, v20;
	v21 =	vmul.f32 v21, v19;
	v53 =	vshll.u32 v24, $0x4  }
0x46e: {  	v37 =	vld.idx.msk [tilespmem:v40+s3+$0x0], $0xffff;
	v11 =	vadd.s32 v63, v20;
	v7 =	vmul.f32 v7, v19;
	v42 =	vor.u32 v0, v53  }
0x46f: {  	v38 =	vld.idx.msk [tilespmem:v38+s3+$0x0], $0xffff;
	v14 =	vadd.s32 v15, v20;
	v27 =	vadd.f32 $-1.000000000e+01, v21;
	v21 =	vadd.s32 v2, v53  }
0x470: {  	v17 =	vmul.f32 v51, v17;
	v12 =	vmul.f32 v12, v19;
	v7 =	vadd.f32 $-1.000000000e+01, v7  }
0x471: {  	v23 =	vadd.s32 v61, v20;
	v13 =	vmul.f32 v13, v19;
	v4 =	vmul.f32 v52, v4  }
0x472: {  	v25 =	vld.idx.msk [tilespmem:v41+s3+$0x0], $0xffff;
	[tilespmem:$0x1FCF0] =	vst v47;
	v6 =	vmul.f32 v6, v19;
	v12 =	vadd.f32 $-1.000000000e+01, v12;
	v34 =	vtrunc.f32 v7  }
0x473: {  	v16 =	vmul.f32 v16, v19;
	v17 =	vadd.f32 v17, v39;
	v39 =	vcvt.f32.s32 v34;
	v53 =	vld.idx.msk [tilespmem:v42+s3+$0x0], $0xffff  }
0x474: {  	v13 =	vadd.f32 $-1.000000000e+01, v13;
	v18 =	vmul.f32 v18, v19;
	v57 =	vsub.f32 v38, v37;
	v21 =	vld.idx.msk [tilespmem:v21+s3+$0x0], $0xffff  }
0x475: {  	v4 =	vadd.f32 v4, v50;
	v34 =	vadd.s32 v29, v20;
	v20 =	vshll.u32 v39, $0x4  }
0x476: {  	v6 =	vadd.f32 $-1.000000000e+01, v6;
	v16 =	vadd.f32 $-1.000000000e+01, v16;
	[tilespmem:v10+s22+$0x0] =	vst.idx.msk $0xffff, v8;
	v8 =	vor.u32 v0, v20  }
0x477: {  	v43 =	vtrunc.f32 v12;
	[tilespmem:v11+s22+$0x0] =	vst.idx.msk $0xffff, v9;
	v24 =	vcvt.s32.f32 v24;
	v9 =	vadd.s32 v2, v20  }
0x478: {  	v18 =	vadd.f32 $-1.000000000e+01, v18;
	v55 =	vtrunc.f32 v13;
	v54 =	vtrunc.f32 v6  }
0x479: {  	s0 =	sadd.s32 $0x8, s0;
	v62 =	vtrunc.f32 v27;
	v5 =	vsub.f32 v5, v24;
	v21 =	vsub.f32 v21, v53  }
0x47a: {  	v51 =	vcvt.f32.s32 v43;
	v58 =	vcvt.f32.s32 v62;
	v62 =	vmov s0  }
0x47b: {  	v50 =	vcvt.f32.s32 v54;
	v41 =	vshrl.u32 v62, $0x3;
	v49 =	vld.idx.msk [tilespmem:v8+s3+$0x0], $0xffff;
	v5 =	vmul.f32 v5, v21  }
0x47c: {  	v52 =	vcvt.f32.s32 v55;
	[tilespmem:v14+s22+$0x0] =	vst.idx.msk $0xffff, v4;
	v45 =	vtrunc.f32 v16;
	v10 =	vshll.u32 v41, $0x3;
	v8 =	vld.idx.msk [tilespmem:v9+s3+$0x0], $0xffff  }
0x47d: {  	v38 =	vshll.u32 v50, $0x4;
	v20 =	vbroadcast v10, $0x0;
	v9 =	vadd.f32 v5, v53;
	v5 =	vld [tilespmem:$0x1FCE0]  }
0x47e: {  	v60 =	vtrunc.f32 v18;
	v45 =	vcvt.f32.s32 v45;
	v11 =	vadd.s32 v2, v38  }
0x47f: {  	v10 =	vor.u32 v0, v38;
	v56 =	vadd.s32 v35, v20;
	v42 =	vshll.u32 v52, $0x4  }
0x480: {  	v47 =	vcvt.f32.s32 v60;
	v62 =	vadd.s32 v2, v42  }
0x481: {  	v43 =	vld.idx.msk [tilespmem:v30+s3+$0x0], $0xffff;
	v60 =	vshll.u32 v51, $0x4;
	v48 =	vshll.u32 v45, $0x4  }
0x482: {  	v59 =	vor.u32 v0, v60;
	v54 =	vshll.u32 v47, $0x4;
	v24 =	vld.idx.msk [tilespmem:v33+s3+$0x0], $0xffff;
	v41 =	vadd.s32 v2, v48  }
0x483: {  	v40 =	vor.u32 v0, v54;
	v38 =	vadd.s32 v2, v54;
	v44 =	vor.u32 v0, v42;
	v54 =	vld.idx.msk [tilespmem:v11+s3+$0x0], $0xffff  }
0x484: {  	v42 =	vor.u32 v0, v48;
	v11 =	vcvt.s32.f32 v52;
	v48 =	vld.idx.msk [tilespmem:v10+s3+$0x0], $0xffff;
	[tilespmem:v56+s22+$0x0] =	vst.idx.msk $0xffff, v9  }
0x485: {  	v4 =	vcvt.s32.f32 v39;
	v60 =	vadd.s32 v2, v60;
	v55 =	vshll.u32 v58, $0x4;
	v53 =	vld.idx.msk [tilespmem:v62+s3+$0x0], $0xffff;
	[tilespmem:v5+s22+$0x0] =	vst.idx.msk $0xffff, v17  }
0x486: {  	p2 =	slt.u32 s0, $0xF8;
	v10 =	vcvt.s32.f32 v51;
	v51 =	vsub.f32 v13, v11;
	v11 =	vsub.f32 v8, v49;
	v8 =	vld [tilespmem:$0x1FCF0]  }
.Ltmp21:
0x487: {  	v25 =	vsub.f32 v25, v36;
	v14 =	vcvt.s32.f32 v50;
	v30 =	vor.u32 v0, v55;
	v62 =	vld [tilespmem:$0x1FF60];
	(pc) =	sbr.rel @!p2 .LBB2_41-.Ltmp21, $4  }
0x488: {  	v33 =	vadd.s32 v2, v55;
	v56 =	vsub.f32 v7, v4;
	v7 =	vcvt.s32.f32 v45  }
0x489: {  	v55 =	vsub.f32 v6, v14;
	v6 =	vcvt.s32.f32 v58;
	v50 =	vld.idx.msk [tilespmem:v59+s3+$0x0], $0xffff;
	v59 =	vmovc v15;
	v9 =	vcvt.s32.f32 v47  }
0x48a: {  	v4 =	vld.idx.msk [tilespmem:v60+s3+$0x0], $0xffff;
	v45 =	vsub.f32 v16, v7;
	v7 =	vmul.f32 v46, v25;
	v5 =	vsub.f32 v24, v43  }
0x48b: {  	p0 =	por $0x1, $0x1;
	s2 =	sadd.s32 $0x80, s2;
	v52 =	vsub.f32 v12, v10;
	v39 =	vld.idx.msk [tilespmem:v44+s3+$0x0], $0xffff;
	v47 =	vsub.f32 v18, v9;
	v12 =	vmul.f32 v8, v57  }
.LBB2_42:
0x48c: {  	v8 =	vld [tilespmem:s2+$0x0];
	v7 =	vadd.f32 v7, v36;
	v5 =	vmul.f32 v22, v5;
	v22 =	vsub.f32 v27, v6  }
0x48d: {  	v10 =	vsub.f32 v54, v48;
	v6 =	vld [tilespmem:s2+$0xFFFFFF90];
	v9 =	vmul.f32 v56, v11;
	v11 =	vadd.f32 v12, v37  }
0x48e: {  	v13 =	vadd.s32 v32, v20;
	v14 =	vadd.s32 v63, v20;
	v12 =	vld [tilespmem:s2+$0xFFFFFFA0];
	v5 =	vadd.f32 v5, v43  }
0x48f: {  	v10 =	vmul.f32 v55, v10;
	v4 =	vsub.f32 v4, v50;
	v15 =	vld [tilespmem:s2+$0xFFFFFFB0];
	v9 =	vadd.f32 v9, v49  }
0x490: {  	v17 =	vadd.s32 v59, v20;
	v18 =	vadd.s32 v28, v20;
	v21 =	vadd.s32 v61, v20;
	v16 =	vld [tilespmem:s2+$0xFFFFFFC0]  }
0x491: {  	v4 =	vmul.f32 v52, v4;
	v25 =	vsub.f32 v53, v39;
	v24 =	vld [tilespmem:s2+$0xFFFFFFD0];
	v8 =	vmul.f32 v8, v19  }
0x492: {  	v44 =	vadd.s32 v31, v20;
	v10 =	vadd.f32 v10, v48;
	v6 =	vmul.f32 v6, v19;
	v27 =	vld [tilespmem:s2+$0xFFFFFFE0]  }
0x493: {  	v12 =	vmul.f32 v12, v19;
	v43 =	vld [tilespmem:s2+$0xFFFFFFF0];
	v8 =	vadd.f32 $-1.000000000e+01, v8;
	[tilespmem:v13+s22+$0x0] =	vst.idx.msk $0xffff, v9;
	v9 =	vmul.f32 v51, v25  }
0x494: {  	v4 =	vadd.f32 v4, v50;
	v6 =	vadd.f32 $-1.000000000e+01, v6;
	v13 =	vmul.f32 v15, v19;
	v36 =	vld.idx.msk [tilespmem:v42+s3+$0x0], $0xffff  }
0x495: {  	v12 =	vadd.f32 $-1.000000000e+01, v12;
	v15 =	vmul.f32 v16, v19;
	v16 =	vtrunc.f32 v8;
	[tilespmem:v14+s22+$0x0] =	vst.idx.msk $0xffff, v10;
	v10 =	vld.idx.msk [tilespmem:v41+s3+$0x0], $0xffff  }
0x496: {  	v13 =	vadd.f32 $-1.000000000e+01, v13;
	v14 =	vmul.f32 v24, v19;
	v16 =	vcvt.f32.s32 v16;
	[tilespmem:v17+s22+$0x0] =	vst.idx.msk $0xffff, v4;
	v37 =	vld.idx.msk [tilespmem:v40+s3+$0x0], $0xffff  }
0x497: {  	v4 =	vtrunc.f32 v6;
	v15 =	vadd.f32 $-1.000000000e+01, v15;
	v17 =	vmul.f32 v27, v19;
	v24 =	vld.idx.msk [tilespmem:v38+s3+$0x0], $0xffff;
	[tilespmem:v23+s22+$0x0] =	vst.idx.msk $0xffff, v7  }
0x498: {  	v14 =	vadd.f32 $-1.000000000e+01, v14;
	v7 =	vmul.f32 v43, v19;
	v38 =	vshll.u32 v16, $0x4;
	v43 =	vld.idx.msk [tilespmem:v30+s3+$0x0], $0xffff;
	[tilespmem:v26+s22+$0x0] =	vst.idx.msk $0xffff, v11  }
0x499: {  	v11 =	vtrunc.f32 v12;
	v17 =	vadd.f32 $-1.000000000e+01, v17;
	v25 =	vor.u32 v0, v38;
	v46 =	vld.idx.msk [tilespmem:v33+s3+$0x0], $0xffff;
	[tilespmem:v34+s22+$0x0] =	vst.idx.msk $0xffff, v5  }
0x49a: {  	v23 =	vmovc v21;
	v26 =	vmovc v44;
	v5 =	vtrunc.f32 v13;
	v27 =	vadd.f32 $-1.000000000e+01, v7;
	v7 =	vadd.s32 v2, v38  }
0x49b: {  	v21 =	vtrunc.f32 v15;
	v30 =	vtrunc.f32 v14;
	v10 =	vsub.f32 v10, v36  }
0x49c: {  	v9 =	vadd.f32 v9, v39;
	v33 =	vtrunc.f32 v17;
	v38 =	vtrunc.f32 v27  }
0x49d: {  	v4 =	vcvt.f32.s32 v4;
	v11 =	vcvt.f32.s32 v11;
	v24 =	vsub.f32 v24, v37  }
0x49e: {  	v34 =	vadd.s32 v29, v20;
	v5 =	vcvt.f32.s32 v5;
	v21 =	vcvt.f32.s32 v21;
	v25 =	vld.idx.msk [tilespmem:v25+s3+$0x0], $0xffff;
	[tilespmem:v18+s22+$0x0] =	vst.idx.msk $0xffff, v9  }
0x49f: {  	v39 =	vcvt.f32.s32 v33;
	v9 =	vshll.u32 v4, $0x4;
	v18 =	vcvt.f32.s32 v30;
	v7 =	vld.idx.msk [tilespmem:v7+s3+$0x0], $0xffff  }
0x4a0: {  	s0 =	sadd.s32 $0x8, s0;
	v33 =	vshll.u32 v5, $0x4;
	v44 =	vcvt.f32.s32 v38;
	v30 =	vshll.u32 v11, $0x4  }
0x4a1: {  	p2 =	slt.u32 s0, $0xF8;
	v20 =	vmov s0;
	v38 =	vshll.u32 v21, $0x4;
	v40 =	vshll.u32 v18, $0x4  }
0x4a2: {  	v20 =	vshrl.u32 v20, $0x3;
	v48 =	vshll.u32 v39, $0x4;
	v50 =	vshll.u32 v44, $0x4  }
0x4a3: {  	v16 =	vcvt.s32.f32 v16;
	v20 =	vshll.u32 v20, $0x3;
	v41 =	vor.u32 v0, v9  }
0x4a4: {  	v20 =	vbroadcast v20, $0x0;
	v9 =	vadd.s32 v2, v9;
	v51 =	vor.u32 v0, v30  }
0x4a5: {  	v8 =	vsub.f32 v8, v16;
	v52 =	vadd.s32 v2, v30;
	v7 =	vsub.f32 v7, v25  }
0x4a6: {  	v16 =	vor.u32 v0, v33;
	v53 =	vadd.s32 v2, v33;
	v55 =	vadd.s32 v35, v20  }
0x4a7: {  	v57 =	vor.u32 v0, v38;
	v58 =	vadd.s32 v2, v38;
	v7 =	vmul.f32 v8, v7  }
0x4a8: {  	v42 =	vor.u32 v0, v40;
	v49 =	vld.idx.msk [tilespmem:v41+s3+$0x0], $0xffff;
	v41 =	vadd.s32 v2, v40;
	v40 =	vor.u32 v0, v48  }
0x4a9: {  	v38 =	vadd.s32 v2, v48;
	v30 =	vor.u32 v0, v50;
	v7 =	vadd.f32 v7, v25;
	v8 =	vld.idx.msk [tilespmem:v9+s3+$0x0], $0xffff  }
0x4aa: {  	v4 =	vcvt.s32.f32 v4;
	v33 =	vadd.s32 v2, v50;
	v9 =	vcvt.s32.f32 v11;
	v48 =	vld.idx.msk [tilespmem:v51+s3+$0x0], $0xffff  }
.Ltmp22:
0x4ab: {  	v21 =	vcvt.s32.f32 v21;
	v11 =	vcvt.s32.f32 v5;
	v5 =	vsub.f32 v46, v43;
	v54 =	vld.idx.msk [tilespmem:v52+s3+$0x0], $0xffff;
	[tilespmem:v55+s22+$0x0] =	vst.idx.msk $0xffff, v7;
	(pc) =	sbr.rel @p2 .LBB2_42-.Ltmp22, $4  }
0x4ac: {  	v56 =	vsub.f32 v6, v4;
	v50 =	vld.idx.msk [tilespmem:v16+s3+$0x0], $0xffff;
	v16 =	vcvt.s32.f32 v18;
	v18 =	vcvt.s32.f32 v39  }
0x4ad: {  	v6 =	vcvt.s32.f32 v44;
	v55 =	vsub.f32 v12, v9;
	v52 =	vsub.f32 v13, v11;
	v4 =	vld.idx.msk [tilespmem:v53+s3+$0x0], $0xffff  }
0x4ae: {  	v51 =	vsub.f32 v15, v21;
	v7 =	vmul.f32 v45, v10;
	v39 =	vld.idx.msk [tilespmem:v57+s3+$0x0], $0xffff;
	v45 =	vsub.f32 v14, v16  }
0x4af: {  	s2 =	sadd.s32 $0x80, s2;
	v12 =	vmul.f32 v47, v24;
	v11 =	vsub.f32 v8, v49;
	v47 =	vsub.f32 v17, v18;
	v53 =	vld.idx.msk [tilespmem:v58+s3+$0x0], $0xffff  }
0x4b0: {  	v57 =	vld [tilespmem:$0x1FF10]  }
0x4b1: {  	v58 =	vld [tilespmem:$0x1FF20]  }
0x4b2: {  	v59 =	vld [tilespmem:$0x1FF30]  }
0x4b3: {  	v60 =	vld [tilespmem:$0x1FF40]  }
0x4b4: {  	v46 =	vmov v45;
	v61 =	vld [tilespmem:$0x1FF50]  }
.LBB2_44:
0x4b5: {  	_ =	sdelay $0x3  }
0x4b6: {  	v8 =	vld.idx.msk [tilespmem:v42+s3+$0x0], $0xffff  }
0x4b7: {  	v10 =	vadd.s32 v32, v20;
	v16 =	vld [tilespmem:$0x1FE40]  }
0x4b8: {  	v9 =	vsub.f32 v54, v48;
	v11 =	vmul.f32 v56, v11;
	v15 =	vld.idx.msk [tilespmem:v40+s3+$0x0], $0xffff  }
0x4b9: {  	v6 =	vsub.f32 v27, v6;
	v7 =	vadd.f32 @p0 v7, v36;
	v14 =	vadd.s32 v63, v20;
	v17 =	vld.idx.msk [tilespmem:v38+s3+$0x0], $0xffff  }
0x4ba: {  	v4 =	vsub.f32 v4, v50;
	v18 =	vld.idx.msk [tilespmem:v30+s3+$0x0], $0xffff;
	v9 =	vmul.f32 v55, v9;
	v11 =	vadd.f32 v11, v49  }
0x4bb: {  	v5 =	vmul.f32 @p0 v22, v5;
	v12 =	vadd.f32 @p0 v12, v37;
	v21 =	vld.idx.msk [tilespmem:v33+s3+$0x0], $0xffff;
	v56 =	vadd.s32 v29, v20  }
0x4bc: {  	v13 =	vld.idx.msk [tilespmem:v41+s3+$0x0], $0xffff;
	v9 =	vadd.f32 v9, v48;
	v16 =	vadd.s32 v16, v20;
	[tilespmem:v10+s22+$0x0] =	vst.idx.msk $0xffff, v11  }
0x4bd: {  	v4 =	vmul.f32 v52, v4;
	v5 =	vadd.f32 @p0 v5, v43;
	v49 =	vadd.s32 v28, v20;
	v10 =	vld [tilespmem:$0x1FDF0]  }
0x4be: {  	v52 =	vsub.f32 v53, v39;
	v53 =	vadd.s32 v31, v20;
	[tilespmem:v14+s22+$0x0] =	vst.idx.msk $0xffff, v9  }
0x4bf: {  	v4 =	vadd.f32 v4, v50;
	v54 =	vsub.f32 v17, v15;
	[tilespmem:v23+s22+$0x0] =	vst.idx.msk @p0 $0xffff, v7  }
0x4c0: {  	v11 =	vmul.f32 v51, v52;
	v55 =	vsub.f32 v21, v18;
	[tilespmem:v34+s22+$0x0] =	vst.idx.msk @p0 $0xffff, v5  }
0x4c1: {  	v7 =	vmul.f32 v47, v54;
	[tilespmem:v16+s22+$0x0] =	vst.idx.msk $0xffff, v4;
	v4 =	vsub.f32 v13, v8  }
0x4c2: {  	v11 =	vadd.f32 v11, v39;
	v5 =	vmul.f32 v6, v55;
	v10 =	vadd.s32 v10, v20  }
0x4c3: {  	[tilespmem:v26+s22+$0x0] =	vst.idx.msk @p0 $0xffff, v12;
	v63 =	vadd.f32 v7, v15;
	v4 =	vmul.f32 v46, v4  }
0x4c4: {  	[tilespmem:v49+s22+$0x0] =	vst.idx.msk $0xffff, v11;
	v5 =	vadd.f32 v5, v18  }
0x4c5: {  	s0 =	sadd.s32 @!p1 s10, s28;
	[tilespmem:v53+s22+$0x0] =	vst.idx.msk $0xffff, v63;
	v4 =	vadd.f32 v4, v8  }
0x4c6: {  	s2 =	simm.s32 @!p1 $0x10;
	s0 =	sshrl.u32 @!p1 s0, $0x3;
	[tilespmem:v56+s22+$0x0] =	vst.idx.msk $0xffff, v5  }
0x4c7: {  	s13 =	simm.s32 @!p1 $0x80;
	s17 =	simm.s32 @!p1 $0xC000;
	s0 =	sadd.s32 @!p1 s1, s0;
	[tilespmem:v10+s22+$0x0] =	vst.idx.msk $0xffff, v4  }
0x4c8: {  	[tilespmem:s17], [sflag:$0x2] =	stream.strided.gather @!p1 [hbm4b:s0+s2], $0x4000, s13, s2, $0x38;
	[tilespmem:$0x1A510] =	vst v63  }
0x4c9: {  	s13 =	sadd.s32 s29, s4  }
0x4ca: {  	s30 =	simm.s32 $0x15388;
	s0 =	sadd.s32 $0x80, s13  }
0x4cb: {  	s28 =	simm.s32 $0x157A8;
	s17 =	simm.s32 $0x15280;
	s13 =	sadd.s32 $0x0, s0  }
0x4cc: {  	[hbm4b:s13+s3] =	stream.linear.scatter [tilespmem:s17], [sflag:$0x4], $0x100, $0x38;
	[tilespmem:$0x1A510] =	vst v63  }
0x4cd: {  	s2 =	simm.s32 $0x2000;
	s29 =	simm.s32 $0x15598;
	s31 =	sadd.s32 $0x20, s13  }
0x4ce: {  	[hbm4b:s31+s3] =	stream.linear.scatter [tilespmem:s30], [sflag:$0x4], $0x100, $0x38;
	[tilespmem:$0x1A510] =	vst v63  }
0x4cf: {  	s30 =	simm.s32 $0x15490;
	s31 =	sadd.s32 $0x40, s13;
	s13 =	sadd.s32 $0x60, s13  }
0x4d0: {  	[hbm4b:s31+s3] =	stream.linear.scatter [tilespmem:s30], [sflag:$0x4], $0x100, $0x38;
	[tilespmem:$0x1A510] =	vst v63  }
.LBB2_45:
0x4d1: {  	[hbm4b:s13+s3] =	stream.linear.scatter [tilespmem:s29], [sflag:$0x4], $0x100, $0x38;
	[tilespmem:$0x1A510] =	vst v63  }
0x4d2: {  	s13 =	sadd.s32 s2, s0;
	p0 =	sne.s32 s2, $0x1E000;
	s2 =	sadd.s32 $0x2000, s2  }
0x4d3: {  	[hbm4b:s13+s3] =	stream.linear.scatter [tilespmem:s28], [sflag:$0x4], $0x100, $0x38;
	[tilespmem:$0x1A510] =	vst v63  }
.Ltmp23:
0x4d4: {  	s17 =	sadd.s32 $0x108, s28;
	s29 =	sadd.s32 $0x20, s13;
	(pc) =	sbr.rel @p0 .LBB2_45-.Ltmp23, $4  }
0x4d5: {  	[hbm4b:s29+s3] =	stream.linear.scatter [tilespmem:s17], [sflag:$0x4], $0x100, $0x38;
	[tilespmem:$0x1A510] =	vst v63  }
0x4d6: {  	s17 =	sadd.s32 $0x210, s28;
	s29 =	sadd.s32 $0x40, s13  }
0x4d7: {  	[hbm4b:s29+s3] =	stream.linear.scatter [tilespmem:s17], [sflag:$0x4], $0x100, $0x38;
	[tilespmem:$0x1A510] =	vst v63  }
0x4d8: {  	s13 =	sadd.s32 $0x60, s13;
	s29 =	sadd.s32 $0x318, s28;
	s28 =	sadd.s32 $0x528, s28  }
0x4d9: {  	v8 =	vld [tilespmem:$0x1FF70]  }
0x4da: {  	v9 =	vld [tilespmem:$0x1FF80]  }
0x4db: {  	s26 =	sadd.s32 $0x1, s26;
	v10 =	vld [tilespmem:$0x1FF90]  }
0x4dc: {  	v14 =	vld [tilespmem:$0x1FFA0];
	p0 =	sne.s32 s26, $0x20  }
.Ltmp24:
0x4dd: {  	v13 =	vld [tilespmem:$0x1FFB0];
	(pc) =	sbr.rel @p0 .LBB2_2-.Ltmp24, $4  }
.Ltmp25:
0x4de: {  	v15 =	vld [tilespmem:$0x1FFC0];
	(pc) =	sbr.rel @!p0 .LBB2_47-.Ltmp25, $4  }
0x4df: {  	v16 =	vld [tilespmem:$0x1FFD0]  }
0x4e0: {  	v17 =	vld [tilespmem:$0x1FFE0]  }
0x4e1: {  	[hbm4b:s13+s3] =	stream.linear.scatter [tilespmem:s29], [sflag:$0x4], $0x100, $0x38;
	v18 =	vld [tilespmem:$0x1FFF0]  }
0x4e2: {  	_ = 	snop  }
.LBB2_5:
.Ltmp26:
0x4e3: {  	(pc) =	sbr.rel .LBB2_10-.Ltmp26, $2  }
0x4e4: {  	_ =	sdelay $0x2  }
0x4e5: {  	v30 =	vmov v21;
	p3 =	por $0x0, $0x0  }
.LBB2_11:
.Ltmp27:
0x4e6: {  	(pc) =	sbr.rel .LBB2_16-.Ltmp27, $3  }
0x4e7: {  	_ =	sdelay $0x1  }
0x4e8: {  	[tilespmem:$0x1FEB0] =	vst v13  }
0x4e9: {  	[tilespmem:$0x1FEC0] =	vst v8  }
.LBB2_17:
.Ltmp28:
0x4ea: {  	(pc) =	sbr.rel .LBB2_22-.Ltmp28, $3  }
0x4eb: {  	_ =	sdelay $0x1  }
0x4ec: {  	[tilespmem:$0x1FE40] =	vst v10  }
0x4ed: {  	[tilespmem:$0x1FE50] =	vst v9  }
.LBB2_27:
.Ltmp29:
0x4ee: {  	(pc) =	sbr.rel .LBB2_32-.Ltmp29, $4  }
0x4ef: {  	_ = 	snop  }
0x4f0: {  	v25 =	vld [tilespmem:$0x1FF80]  }
0x4f1: {  	v26 =	vld [tilespmem:$0x1FF90]  }
0x4f2: {  	v46 =	vmov v36;
	p3 =	por $0x0, $0x0;
	v27 =	vld [tilespmem:$0x1FFA0]  }
.LBB2_33:
.Ltmp30:
0x4f3: {  	(pc) =	sbr.rel .LBB2_38-.Ltmp30, $4  }
0x4f4: {  	_ = 	snop  }
0x4f5: {  	v26 =	vld [tilespmem:$0x1FDC0]  }
0x4f6: {  	v27 =	vld [tilespmem:$0x1FDB0]  }
0x4f7: {  	v30 =	vld [tilespmem:$0x1FEB0]  }
.LBB2_39:
0x4f8: {  	v57 =	vld [tilespmem:$0x1FF10]  }
0x4f9: {  	v58 =	vld [tilespmem:$0x1FF20]  }
0x4fa: {  	v59 =	vld [tilespmem:$0x1FF30]  }
.Ltmp31:
0x4fb: {  	v62 =	vld [tilespmem:$0x1FF60];
	(pc) =	sbr.rel .LBB2_44-.Ltmp31, $4  }
0x4fc: {  	v60 =	vld [tilespmem:$0x1FF40]  }
0x4fd: {  	v61 =	vld [tilespmem:$0x1FF50]  }
0x4fe: {  	v32 =	vld [tilespmem:$0x1FE00]  }
0x4ff: {  	v63 =	vld [tilespmem:$0x1FE50]  }
.LBB2_7:
.Ltmp32:
0x500: {  	(pc) =	sbr.rel .LBB2_10-.Ltmp32, $2  }
0x501: {  	_ =	sdelay $0x2  }
0x502: {  	v51 =	vmov v40  }
.LBB2_13:
.Ltmp33:
0x503: {  	(pc) =	sbr.rel .LBB2_16-.Ltmp33, $3  }
0x504: {  	_ =	sdelay $0x1  }
0x505: {  	[tilespmem:$0x1FEB0] =	vst v13  }
0x506: {  	[tilespmem:$0x1FEC0] =	vst v8  }
.LBB2_19:
.Ltmp34:
0x507: {  	(pc) =	sbr.rel .LBB2_22-.Ltmp34, $3  }
0x508: {  	_ =	sdelay $0x1  }
0x509: {  	[tilespmem:$0x1FE40] =	vst v10  }
0x50a: {  	[tilespmem:$0x1FE50] =	vst v9  }
.LBB2_29:
.Ltmp35:
0x50b: {  	(pc) =	sbr.rel .LBB2_32-.Ltmp35, $3  }
0x50c: {  	_ =	sdelay $0x1  }
0x50d: {  	v29 =	vld [tilespmem:$0x1FDD0]  }
0x50e: {  	v22 =	vmov v55;
	v28 =	vld [tilespmem:$0x1FDE0]  }
.LBB2_35:
.Ltmp36:
0x50f: {  	(pc) =	sbr.rel .LBB2_38-.Ltmp36, $3  }
0x510: {  	_ =	sdelay $0x1  }
0x511: {  	v28 =	vld [tilespmem:$0x1FDE0]  }
0x512: {  	v25 =	vmov v52;
	v29 =	vld [tilespmem:$0x1FDD0]  }
.LBB2_41:
.Ltmp37:
0x513: {  	v57 =	vld [tilespmem:$0x1FF10];
	(pc) =	sbr.rel .LBB2_44-.Ltmp37, $4  }
0x514: {  	v58 =	vld [tilespmem:$0x1FF20]  }
0x515: {  	v59 =	vld [tilespmem:$0x1FF30]  }
0x516: {  	v60 =	vld [tilespmem:$0x1FF40]  }
0x517: {  	v46 =	vmov v45;
	v61 =	vld [tilespmem:$0x1FF50]  }
.LBB2_48:
0x518: {  	_ =	sfence.sel $0x180000  }
0x519: {  	[bflag:$0x0] =	sbarrier.arrive $0xFFFF  }
0x51a: {  	_ =	strace $0x90000047  }
0x51b: {  	s0 =	stileid.u32;
	[bflag:$0x2] =	sbarrier.arrive $0xFFFF  }
0x51c: {  	p0 =	sne.s32 s0, $0x0;
	s0 =	rddreg [dreg:$0x4]  }
0x51d: {  	s0 =	sadd.s32 @!p0 $0x100000, s0  }
0x51e: {  	[sflag:s0] =	ssyncadd.tile.s32 @!p0 $0x1;
	_ =	shalt  }
.Lfunc_end2:
_tile_overlayer_lowered:
.L_overlay_start_2:
0x51f: {  	(tag) =	ssettag $0x2  }
0x520: {  	s0 =	rddreg [dreg:$0x0];
	s2 =	stileid.u32  }
0x521: {  	s1 =	rddreg [dreg:$0x1];
	p0 =	sne.s32 s2, $0x0  }
0x522: {  	s3 =	rddreg [dreg:$0x2];
	[bflag:$0x3] =	sbarrier.arrive $0xFFFF;
	s2 =	simm.s32 @!p0 $0x1C05  }
0x523: {  	[timem:s3], [sflag:s2] =	dma.local @!p0 [hbm:s0], s1  }
0x524: {  	s0 =	simm.s32 @!p0 $0x5  }
0x525: {  	_ =	swait.ge @!p0 [sflag:s0], s1  }
0x526: {  	s1 =	ssub.s32 @!p0 $0x0, s1;
	[sflag:s0] =	ssyncset.done @!p0 $0x0  }
0x527: {  	[sflag:s0] =	ssyncadd.s32 @!p0 s1  }
0x528: {  	[bflag:$0x3] =	sbarrier.arrive $0xFFFF  }
0x529: {  	_ =	shalt  }

</sc_bundles>
